<compile_context>
chip_gen: v7x
topology: tpu7x:2x2x1
jax: 0.10.2.dev20260603
libtpu: 0.0.44.dev20260713+nightly
codegen_flags: <defaults>
</compile_context>

<pallas_src>
import functools

import jax
import jax.numpy as jnp
from jax import lax
from jax.experimental import pallas as pl
from jax.experimental.pallas import tpu as pltpu
from jax.experimental.pallas import tpu_sc as plsc

_VOCAB = 100000
_EMB = 32
_B = 1024
_CTX = 20
_PAD = 0

_NC = 2
_NS = 16
_NW = _NC * _NS
_RB = _B // _NW
_E = _RB * _CTX
_ICHUNK = 128
_NCHUNK = _E // _ICHUNK

_VBLK = 2000
_NVB = _VOCAB // _VBLK
_LANES = 16


def _sc_body(x_hbm, y_hbm, emb_hbm, lin_hbm, sumx_hbm, wy_hbm,
             idx_v, mask_v, qcol_v, pidx_v, rows_v, yidx_v, yq_v, yrows_v,
             acc_v, wyacc_v, sem):
    c = lax.axis_index("c")
    s = lax.axis_index("s")
    wid = s * _NC + c
    base = wid * _RB

    pltpu.sync_copy(x_hbm.at[wid], idx_v)
    pltpu.sync_copy(y_hbm.at[wid], yidx_v)

    for j in range(_NCHUNK):
        for t in range(_ICHUNK // _LANES):
            v = idx_v[j, pl.ds(t * _LANES, _LANES)]
            pidx_v[j, pl.ds(t * _LANES, _LANES)] = lax.shift_right_logical(
                v, jnp.int32(2))
    for t in range(_RB // _LANES):
        v = yidx_v[pl.ds(t * _LANES, _LANES)]
        yq_v[pl.ds(t * _LANES, _LANES)] = lax.shift_left(
            jnp.bitwise_and(v, jnp.int32(3)), jnp.int32(5))
        yidx_v[pl.ds(t * _LANES, _LANES)] = lax.shift_right_logical(
            v, jnp.int32(2))

    handles = []
    for j in range(_NCHUNK):
        handles.append(pltpu.async_copy(
            emb_hbm.at[pidx_v.at[j]],
            rows_v.at[pl.ds(j * _ICHUNK, _ICHUNK)],
            sem,
        ))
    handles.append(pltpu.async_copy(lin_hbm.at[yidx_v], yrows_v, sem))

    for t in range(_E // _LANES):
        jj, off = divmod(t * _LANES, _ICHUNK)
        v = idx_v[jj, pl.ds(off, _LANES)]
        mask_v[pl.ds(t * _LANES, _LANES)] = jnp.where(
            v != _PAD, jnp.float32(1.0), jnp.float32(0.0))
        qcol_v[pl.ds(t * _LANES, _LANES)] = lax.shift_left(
            jnp.bitwise_and(v, jnp.int32(3)), jnp.int32(5))

    for h in handles:
        h.wait()

    lanes = lax.iota(jnp.int32, _LANES)

    def row_body(r, carry):
        acc0 = jnp.zeros((_LANES,), jnp.float32)
        acc1 = jnp.zeros((_LANES,), jnp.float32)
        for c2 in range(_CTX):
            i = r * _CTX + c2
            i16 = jnp.full((_LANES,), i, jnp.int32)
            m = plsc.load_gather(mask_v, [i16])
            q = plsc.load_gather(qcol_v, [i16])
            col0 = q + lanes
            r0 = plsc.load_gather(rows_v, [i16, col0])
            r1 = plsc.load_gather(rows_v, [i16, col0 + _LANES])
            acc0 = acc0 + r0 * m
            acc1 = acc1 + r1 * m
        acc_v[r, pl.ds(0, _LANES)] = acc0
        acc_v[r, pl.ds(_LANES, _LANES)] = acc1
        return carry

    lax.fori_loop(0, _RB, row_body, 0)

    def yrow_body(r, carry):
        r16 = jnp.full((_LANES,), r, jnp.int32)
        q = plsc.load_gather(yq_v, [r16])
        col0 = q + lanes
        wyacc_v[r, pl.ds(0, _LANES)] = plsc.load_gather(yrows_v, [r16, col0])
        wyacc_v[r, pl.ds(_LANES, _LANES)] = plsc.load_gather(
            yrows_v, [r16, col0 + _LANES])
        return carry

    lax.fori_loop(0, _RB, yrow_body, 0)

    pltpu.sync_copy(acc_v, sumx_hbm.at[pl.ds(base, _RB)])
    pltpu.sync_copy(wyacc_v, wy_hbm.at[pl.ds(base, _RB)])


@functools.cache
def _sc_gather_fn():
    return pl.kernel(
        _sc_body,
        out_type=(jax.ShapeDtypeStruct((_B, _EMB), jnp.float32),
                  jax.ShapeDtypeStruct((_B, _EMB), jnp.float32)),
        mesh=plsc.VectorSubcoreMesh(core_axis_name="c", subcore_axis_name="s"),
        scratch_types=[
            pltpu.VMEM((_NCHUNK, _ICHUNK), jnp.int32),
            pltpu.VMEM((_E,), jnp.float32),
            pltpu.VMEM((_E,), jnp.int32),
            pltpu.VMEM((_NCHUNK, _ICHUNK), jnp.int32),
            pltpu.VMEM((_E, 4 * _EMB), jnp.float32),
            pltpu.VMEM((_RB,), jnp.int32),
            pltpu.VMEM((_RB,), jnp.int32),
            pltpu.VMEM((_RB, 4 * _EMB), jnp.float32),
            pltpu.VMEM((_RB, _EMB), jnp.float32),
            pltpu.VMEM((_RB, _EMB), jnp.float32),
            pltpu.SemaphoreType.DMA,
        ],
        compiler_params=pltpu.CompilerParams(needs_layout_passes=False,
                                             use_tc_tiling_on_sc=False),
    )


def _tc_body(sumx_ref, wy_ref, w_ref, out_ref, s_scr):
    j = pl.program_id(0)
    a = sumx_ref[...]
    w = w_ref[...]
    a2 = (a * jnp.float32(1.4426950408889634)).astype(jnp.bfloat16)
    z = lax.dot_general(a2, w.astype(jnp.bfloat16), (((1,), (1,)), ((), ())),
                        preferred_element_type=jnp.float32)
    blk = jnp.sum(jnp.exp2(z), axis=1, keepdims=True)

    @pl.when(j == 0)
    def _():
        s_scr[...] = blk

    @pl.when(j > 0)
    def _():
        s_scr[...] = s_scr[...] + blk

    @pl.when(j == _NVB - 1)
    def _():
        picked = jnp.sum(a * wy_ref[...], axis=1, keepdims=True)
        lse = jnp.log(s_scr[...])
        out_ref[0, 0] = jnp.sum(lse - picked) / _B


def _tc_loss(sumx, wy, lin_w, interpret=False):
    out = pl.pallas_call(
        _tc_body,
        grid=(_NVB,),
        in_specs=[
            pl.BlockSpec((_B, _EMB), lambda j: (0, 0)),
            pl.BlockSpec((_B, _EMB), lambda j: (0, 0)),
            pl.BlockSpec((_VBLK, _EMB), lambda j: (j, 0)),
        ],
        out_specs=pl.BlockSpec((1, 1), lambda j: (0, 0),
                               memory_space=pltpu.SMEM),
        out_shape=jax.ShapeDtypeStruct((1, 1), jnp.float32),
        scratch_shapes=[
            pltpu.VMEM((_B, 1), jnp.float32),
        ],
        compiler_params=pltpu.CompilerParams(
            dimension_semantics=("arbitrary",)),
        interpret=interpret,
    )(sumx, wy, lin_w)
    return out[0, 0]


def kernel(batch_X, batch_Y, emb_table, lin_w):
    x3 = batch_X.astype(jnp.int32).reshape(_NW, _NCHUNK, _ICHUNK)
    y2 = batch_Y.astype(jnp.int32).reshape(_NW, _RB)
    embp = emb_table.reshape(_VOCAB // 4, 4 * _EMB)
    linp = lin_w.reshape(_VOCAB // 4, 4 * _EMB)
    sumx, wy = _sc_gather_fn()(x3, y2, embp, linp)
    return _tc_loss(sumx, wy, lin_w)

# --- scband reference (transcript-rebuilt; emitter-appended) ---
"""Pipeline reference for scband-cbow-30631706755264 (READ-ONLY COPY).

The authoritative reference and input builder live on the scoring server;
editing this copy changes nothing except your own understanding.
"""

import jax, jax.numpy as jnp
import numpy as np

VOCAB = 100000
EMB = 32
BATCH = 1024
CTX = 20
PAD = 0

def setup_inputs(seed: int = 0) -> dict:
    key = jax.random.key(seed)
    k1, k2, k3, k4 = jax.random.split(key, 4)
    batch_X = jax.random.randint(k1, (BATCH, CTX), 0, VOCAB)
    batch_Y = jax.random.randint(k2, (BATCH,), 0, VOCAB)
    emb_table = jax.random.normal(k3, (VOCAB, EMB), dtype=jnp.float32) * 0.02
    lin_w = jax.random.normal(k4, (VOCAB, EMB), dtype=jnp.float32) * 0.02
    return {"batch_X": batch_X, "batch_Y": batch_Y, "emb_table": emb_table, "lin_w": lin_w}

def reference(batch_X, batch_Y, emb_table, lin_w):
    # emb_X: (B, CTX, EMB) gather from embedding table
    emb_X = jnp.take(emb_table, batch_X, axis=0)
    mask = (batch_X != PAD).astype(jnp.float32)[..., None]
    emb_X = emb_X * mask
    sum_X = jnp.sum(emb_X, axis=1)              # (B, EMB)
    lin_X = sum_X @ lin_w.T                      # (B, VOCAB), torch Linear(bias=False)
    logp = jax.nn.log_softmax(lin_X, axis=-1)
    # F.nll_loss with mean reduction
    picked = jnp.take_along_axis(logp, batch_Y[:, None], axis=1)[:, 0]
    loss = -jnp.mean(picked)
    return loss

if __name__ == "__main__":
    import jax
    _d = setup_inputs()
    print(jax.jit(kernel)(*tuple(_d.values())))

</pallas_src>

<mosaic_0001>
#map = affine_map<(d0, d1) -> (0, 0, 0)>
#map1 = affine_map<(d0, d1) -> (0, 0)>
module attributes {stable_mosaic.version = 14 : i64} {
  func.func @_sc_body(%arg0: i32, %arg1: i32, %arg2: memref<32x5x128xi32, #tpu.memory_space<hbm>>, %arg3: memref<32x32xi32, #tpu.memory_space<hbm>>, %arg4: memref<25000x128xf32, #tpu.memory_space<hbm>>, %arg5: memref<25000x128xf32, #tpu.memory_space<hbm>>, %arg6: memref<1024x32xf32, #tpu.memory_space<hbm>>, %arg7: memref<1024x32xf32, #tpu.memory_space<hbm>>, %arg8: memref<5x128xi32, #tpu.memory_space<vmem>>, %arg9: memref<640xf32, #tpu.memory_space<vmem>>, %arg10: memref<640xi32, #tpu.memory_space<vmem>>, %arg11: memref<5x128xi32, #tpu.memory_space<vmem>>, %arg12: memref<640x128xf32, #tpu.memory_space<vmem>>, %arg13: memref<32xi32, #tpu.memory_space<vmem>>, %arg14: memref<32xi32, #tpu.memory_space<vmem>>, %arg15: memref<32x128xf32, #tpu.memory_space<vmem>>, %arg16: memref<32x32xf32, #tpu.memory_space<vmem>>, %arg17: memref<32x32xf32, #tpu.memory_space<vmem>>, %arg18: memref<!tpu.dma_semaphore, #tpu.memory_space<semaphore_mem>>) attributes {dimension_semantics = [#tpu.dimension_semantics<core_parallel>, #tpu.dimension_semantics<subcore_parallel>], iteration_bounds = array<i64: 2, 16>, scalar_prefetch = 0 : i64, scratch_operands = 11 : i64, tpu.core_type = #tpu.core_type<sc_vector_subcore>, window_params = [{transform_indices = #map}, {transform_indices = #map1}, {transform_indices = #map1}, {transform_indices = #map1}, {transform_indices = #map1}, {transform_indices = #map1}]} {
    %mul3A = arith.constant 2 : i32
    %mul3A_0 = arith.muli %arg1, %mul3A : i32
    %add3A = arith.addi %mul3A_0, %arg0 : i32
    %mul3A_1 = arith.constant 32 : i32
    %mul3A_2 = arith.muli %add3A, %mul3A_1 : i32
    "tpu.region"() ({
      %run_scoped3A = tpu.sem_alloc : memref<!tpu.dma_semaphore, #tpu.memory_space<semaphore_mem>>
      %dma_start3A_1459 = arith.constant 0 : i32
      %dma_start3A_1460 = arith.constant 0 : i32
      %dma_start3A_1461 = tpu.memref_slice %arg2[%add3A, %dma_start3A_1459, %dma_start3A_1460] : memref<32x5x128xi32, #tpu.memory_space<hbm>> -> memref<1x5x128xi32, #tpu.memory_space<hbm>>
      %dma_start3A_1462 = tpu.memref_squeeze %dma_start3A_1461 : memref<1x5x128xi32, #tpu.memory_space<hbm>> -> memref<5x128xi32, #tpu.memory_space<hbm>>
      %dma_start3A_1463 = arith.constant 0 : i32
      %dma_start3A_1464 = arith.constant 0 : i32
      %dma_start3A_1465 = tpu.memref_slice %arg2[%add3A, %dma_start3A_1463, %dma_start3A_1464] : memref<32x5x128xi32, #tpu.memory_space<hbm>> -> memref<1x5x128xi32, #tpu.memory_space<hbm>>
      %dma_start3A_1466 = tpu.memref_squeeze %dma_start3A_1465 : memref<1x5x128xi32, #tpu.memory_space<hbm>> -> memref<5x128xi32, #tpu.memory_space<hbm>>
      tpu.enqueue_dma source(%dma_start3A_1466 : memref<5x128xi32, #tpu.memory_space<hbm>>) target(%arg8 : memref<5x128xi32, #tpu.memory_space<vmem>>) target_semaphore(%run_scoped3A : memref<!tpu.dma_semaphore, #tpu.memory_space<semaphore_mem>>)
      %dma_wait3A_1467 = arith.constant 0 : i32
      %dma_wait3A_1468 = arith.constant 0 : i32
      %dma_wait3A_1469 = tpu.memref_slice %arg2[%add3A, %dma_wait3A_1467, %dma_wait3A_1468] : memref<32x5x128xi32, #tpu.memory_space<hbm>> -> memref<1x5x128xi32, #tpu.memory_space<hbm>>
      %dma_wait3A_1470 = tpu.memref_squeeze %dma_wait3A_1469 : memref<1x5x128xi32, #tpu.memory_space<hbm>> -> memref<5x128xi32, #tpu.memory_space<hbm>>
      %dma_wait3A_1471 = arith.constant 0 : i32
      %dma_wait3A_1472 = arith.constant 0 : i32
      %dma_wait3A_1473 = tpu.memref_slice %arg2[%add3A, %dma_wait3A_1471, %dma_wait3A_1472] : memref<32x5x128xi32, #tpu.memory_space<hbm>> -> memref<1x5x128xi32, #tpu.memory_space<hbm>>
      %dma_wait3A_1474 = tpu.memref_squeeze %dma_wait3A_1473 : memref<1x5x128xi32, #tpu.memory_space<hbm>> -> memref<5x128xi32, #tpu.memory_space<hbm>>
      tpu.wait_dma2 semaphore(%run_scoped3A : memref<!tpu.dma_semaphore, #tpu.memory_space<semaphore_mem>>) src(%dma_wait3A_1474 : memref<5x128xi32, #tpu.memory_space<hbm>>) dst(%arg8 : memref<5x128xi32, #tpu.memory_space<vmem>>)
      tpu.yield
    }) : () -> ()
    "tpu.region"() ({
      %run_scoped3A = tpu.sem_alloc : memref<!tpu.dma_semaphore, #tpu.memory_space<semaphore_mem>>
      %dma_start3A_1459 = arith.constant 0 : i32
      %dma_start3A_1460 = tpu.memref_slice %arg3[%add3A, %dma_start3A_1459] : memref<32x32xi32, #tpu.memory_space<hbm>> -> memref<1x32xi32, #tpu.memory_space<hbm>>
      %dma_start3A_1461 = tpu.memref_squeeze %dma_start3A_1460 : memref<1x32xi32, #tpu.memory_space<hbm>> -> memref<32xi32, #tpu.memory_space<hbm>>
      %dma_start3A_1462 = arith.constant 0 : i32
      %dma_start3A_1463 = tpu.memref_slice %arg3[%add3A, %dma_start3A_1462] : memref<32x32xi32, #tpu.memory_space<hbm>> -> memref<1x32xi32, #tpu.memory_space<hbm>>
      %dma_start3A_1464 = tpu.memref_squeeze %dma_start3A_1463 : memref<1x32xi32, #tpu.memory_space<hbm>> -> memref<32xi32, #tpu.memory_space<hbm>>
      tpu.enqueue_dma source(%dma_start3A_1464 : memref<32xi32, #tpu.memory_space<hbm>>) target(%arg13 : memref<32xi32, #tpu.memory_space<vmem>>) target_semaphore(%run_scoped3A : memref<!tpu.dma_semaphore, #tpu.memory_space<semaphore_mem>>)
      %dma_wait3A_1465 = arith.constant 0 : i32
      %dma_wait3A_1466 = tpu.memref_slice %arg3[%add3A, %dma_wait3A_1465] : memref<32x32xi32, #tpu.memory_space<hbm>> -> memref<1x32xi32, #tpu.memory_space<hbm>>
      %dma_wait3A_1467 = tpu.memref_squeeze %dma_wait3A_1466 : memref<1x32xi32, #tpu.memory_space<hbm>> -> memref<32xi32, #tpu.memory_space<hbm>>
      %dma_wait3A_1468 = arith.constant 0 : i32
      %dma_wait3A_1469 = tpu.memref_slice %arg3[%add3A, %dma_wait3A_1468] : memref<32x32xi32, #tpu.memory_space<hbm>> -> memref<1x32xi32, #tpu.memory_space<hbm>>
      %dma_wait3A_1470 = tpu.memref_squeeze %dma_wait3A_1469 : memref<1x32xi32, #tpu.memory_space<hbm>> -> memref<32xi32, #tpu.memory_space<hbm>>
      tpu.wait_dma2 semaphore(%run_scoped3A : memref<!tpu.dma_semaphore, #tpu.memory_space<semaphore_mem>>) src(%dma_wait3A_1470 : memref<32xi32, #tpu.memory_space<hbm>>) dst(%arg13 : memref<32xi32, #tpu.memory_space<vmem>>)
      tpu.yield
    }) : () -> ()
    %get3A = arith.constant 0 : i32
    %get3A_3 = arith.index_cast %get3A : i32 to index
    %get3A_4 = arith.constant 0 : index
    %get3A_5 = tpu.vector_load %arg8[%get3A_3, %get3A_4] {strides = array<i32>} : memref<5x128xi32, #tpu.memory_space<vmem>>, vector<16xi32>,
    %shift_right_logical3A = arith.constant 2 : i32
    %shift_right_logical3A_6 = vector.broadcast %shift_right_logical3A : i32 to vector<16xi32>
    %shift_right_logical3A_7 = arith.shrui %get3A_5, %shift_right_logical3A_6 : vector<16xi32>
    %swap3A = arith.constant 0 : i32
    %swap3A_8 = arith.index_cast %swap3A : i32 to index
    %swap3A_9 = arith.constant 0 : index
    %swap3A_10 = tpu.vector_load %arg11[%swap3A_8, %swap3A_9] {strides = array<i32>} : memref<5x128xi32, #tpu.memory_space<vmem>>, vector<16xi32>,
    tpu.vector_store %arg11[%swap3A_8, %swap3A_9], %shift_right_logical3A_7 {strides = array<i32>} : memref<5x128xi32, #tpu.memory_space<vmem>>, vector<16xi32>,
    %get3A_11 = arith.constant 0 : i32
    %get3A_12 = arith.index_cast %get3A_11 : i32 to index
    %get3A_13 = arith.constant 16 : index
    %get3A_14 = tpu.vector_load %arg8[%get3A_12, %get3A_13] {strides = array<i32>} : memref<5x128xi32, #tpu.memory_space<vmem>>, vector<16xi32>,
    %shift_right_logical3A_15 = arith.constant 2 : i32
    %shift_right_logical3A_16 = vector.broadcast %shift_right_logical3A_15 : i32 to vector<16xi32>
    %shift_right_logical3A_17 = arith.shrui %get3A_14, %shift_right_logical3A_16 : vector<16xi32>
    %swap3A_18 = arith.constant 0 : i32
    %swap3A_19 = arith.index_cast %swap3A_18 : i32 to index
    %swap3A_20 = arith.constant 16 : index
    %swap3A_21 = tpu.vector_load %arg11[%swap3A_19, %swap3A_20] {strides = array<i32>} : memref<5x128xi32, #tpu.memory_space<vmem>>, vector<16xi32>,
    tpu.vector_store %arg11[%swap3A_19, %swap3A_20], %shift_right_logical3A_17 {strides = array<i32>} : memref<5x128xi32, #tpu.memory_space<vmem>>, vector<16xi32>,
    %get3A_22 = arith.constant 0 : i32
    %get3A_23 = arith.index_cast %get3A_22 : i32 to index
    %get3A_24 = arith.constant 32 : index
    %get3A_25 = tpu.vector_load %arg8[%get3A_23, %get3A_24] {strides = array<i32>} : memref<5x128xi32, #tpu.memory_space<vmem>>, vector<16xi32>,
    %shift_right_logical3A_26 = arith.constant 2 : i32
    %shift_right_logical3A_27 = vector.broadcast %shift_right_logical3A_26 : i32 to vector<16xi32>
    %shift_right_logical3A_28 = arith.shrui %get3A_25, %shift_right_logical3A_27 : vector<16xi32>
    %swap3A_29 = arith.constant 0 : i32
    %swap3A_30 = arith.index_cast %swap3A_29 : i32 to index
    %swap3A_31 = arith.constant 32 : index
    %swap3A_32 = tpu.vector_load %arg11[%swap3A_30, %swap3A_31] {strides = array<i32>} : memref<5x128xi32, #tpu.memory_space<vmem>>, vector<16xi32>,
    tpu.vector_store %arg11[%swap3A_30, %swap3A_31], %shift_right_logical3A_28 {strides = array<i32>} : memref<5x128xi32, #tpu.memory_space<vmem>>, vector<16xi32>,
    %get3A_33 = arith.constant 0 : i32
    %get3A_34 = arith.index_cast %get3A_33 : i32 to index
    %get3A_35 = arith.constant 48 : index
    %get3A_36 = tpu.vector_load %arg8[%get3A_34, %get3A_35] {strides = array<i32>} : memref<5x128xi32, #tpu.memory_space<vmem>>, vector<16xi32>,
    %shift_right_logical3A_37 = arith.constant 2 : i32
    %shift_right_logical3A_38 = vector.broadcast %shift_right_logical3A_37 : i32 to vector<16xi32>
    %shift_right_logical3A_39 = arith.shrui %get3A_36, %shift_right_logical3A_38 : vector<16xi32>
    %swap3A_40 = arith.constant 0 : i32
    %swap3A_41 = arith.index_cast %swap3A_40 : i32 to index
    %swap3A_42 = arith.constant 48 : index
    %swap3A_43 = tpu.vector_load %arg11[%swap3A_41, %swap3A_42] {strides = array<i32>} : memref<5x128xi32, #tpu.memory_space<vmem>>, vector<16xi32>,
    tpu.vector_store %arg11[%swap3A_41, %swap3A_42], %shift_right_logical3A_39 {strides = array<i32>} : memref<5x128xi32, #tpu.memory_space<vmem>>, vector<16xi32>,
    %get3A_44 = arith.constant 0 : i32
    %get3A_45 = arith.index_cast %get3A_44 : i32 to index
    %get3A_46 = arith.constant 64 : index
    %get3A_47 = tpu.vector_load %arg8[%get3A_45, %get3A_46] {strides = array<i32>} : memref<5x128xi32, #tpu.memory_space<vmem>>, vector<16xi32>,
    %shift_right_logical3A_48 = arith.constant 2 : i32
    %shift_right_logical3A_49 = vector.broadcast %shift_right_logical3A_48 : i32 to vector<16xi32>
    %shift_right_logical3A_50 = arith.shrui %get3A_47, %shift_right_logical3A_49 : vector<16xi32>
    %swap3A_51 = arith.constant 0 : i32
    %swap3A_52 = arith.index_cast %swap3A_51 : i32 to index
    %swap3A_53 = arith.constant 64 : index
    %swap3A_54 = tpu.vector_load %arg11[%swap3A_52, %swap3A_53] {strides = array<i32>} : memref<5x128xi32, #tpu.memory_space<vmem>>, vector<16xi32>,
    tpu.vector_store %arg11[%swap3A_52, %swap3A_53], %shift_right_logical3A_50 {strides = array<i32>} : memref<5x128xi32, #tpu.memory_space<vmem>>, vector<16xi32>,
    %get3A_55 = arith.constant 0 : i32
    %get3A_56 = arith.index_cast %get3A_55 : i32 to index
    %get3A_57 = arith.constant 80 : index
    %get3A_58 = tpu.vector_load %arg8[%get3A_56, %get3A_57] {strides = array<i32>} : memref<5x128xi32, #tpu.memory_space<vmem>>, vector<16xi32>,
    %shift_right_logical3A_59 = arith.constant 2 : i32
    %shift_right_logical3A_60 = vector.broadcast %shift_right_logical3A_59 : i32 to vector<16xi32>
    %shift_right_logical3A_61 = arith.shrui %get3A_58, %shift_right_logical3A_60 : vector<16xi32>
    %swap3A_62 = arith.constant 0 : i32
    %swap3A_63 = arith.index_cast %swap3A_62 : i32 to index
    %swap3A_64 = arith.constant 80 : index
    %swap3A_65 = tpu.vector_load %arg11[%swap3A_63, %swap3A_64] {strides = array<i32>} : memref<5x128xi32, #tpu.memory_space<vmem>>, vector<16xi32>,
    tpu.vector_store %arg11[%swap3A_63, %swap3A_64], %shift_right_logical3A_61 {strides = array<i32>} : memref<5x128xi32, #tpu.memory_space<vmem>>, vector<16xi32>,
    %get3A_66 = arith.constant 0 : i32
    %get3A_67 = arith.index_cast %get3A_66 : i32 to index
    %get3A_68 = arith.constant 96 : index
    %get3A_69 = tpu.vector_load %arg8[%get3A_67, %get3A_68] {strides = array<i32>} : memref<5x128xi32, #tpu.memory_space<vmem>>, vector<16xi32>,
    %shift_right_logical3A_70 = arith.constant 2 : i32
    %shift_right_logical3A_71 = vector.broadcast %shift_right_logical3A_70 : i32 to vector<16xi32>
    %shift_right_logical3A_72 = arith.shrui %get3A_69, %shift_right_logical3A_71 : vector<16xi32>
    %swap3A_73 = arith.constant 0 : i32
    %swap3A_74 = arith.index_cast %swap3A_73 : i32 to index
    %swap3A_75 = arith.constant 96 : index
    %swap3A_76 = tpu.vector_load %arg11[%swap3A_74, %swap3A_75] {strides = array<i32>} : memref<5x128xi32, #tpu.memory_space<vmem>>, vector<16xi32>,
    tpu.vector_store %arg11[%swap3A_74, %swap3A_75], %shift_right_logical3A_72 {strides = array<i32>} : memref<5x128xi32, #tpu.memory_space<vmem>>, vector<16xi32>,
    %get3A_77 = arith.constant 0 : i32
    %get3A_78 = arith.index_cast %get3A_77 : i32 to index
    %get3A_79 = arith.constant 112 : index
    %get3A_80 = tpu.vector_load %arg8[%get3A_78, %get3A_79] {strides = array<i32>} : memref<5x128xi32, #tpu.memory_space<vmem>>, vector<16xi32>,
    %shift_right_logical3A_81 = arith.constant 2 : i32
    %shift_right_logical3A_82 = vector.broadcast %shift_right_logical3A_81 : i32 to vector<16xi32>
    %shift_right_logical3A_83 = arith.shrui %get3A_80, %shift_right_logical3A_82 : vector<16xi32>
    %swap3A_84 = arith.constant 0 : i32
    %swap3A_85 = arith.index_cast %swap3A_84 : i32 to index
    %swap3A_86 = arith.constant 112 : index
    %swap3A_87 = tpu.vector_load %arg11[%swap3A_85, %swap3A_86] {strides = array<i32>} : memref<5x128xi32, #tpu.memory_space<vmem>>, vector<16xi32>,
    tpu.vector_store %arg11[%swap3A_85, %swap3A_86], %shift_right_logical3A_83 {strides = array<i32>} : memref<5x128xi32, #tpu.memory_space<vmem>>, vector<16xi32>,
    %get3A_88 = arith.constant 1 : i32
    %get3A_89 = arith.index_cast %get3A_88 : i32 to index
    %get3A_90 = arith.constant 0 : index
    %get3A_91 = tpu.vector_load %arg8[%get3A_89, %get3A_90] {strides = array<i32>} : memref<5x128xi32, #tpu.memory_space<vmem>>, vector<16xi32>,
    %shift_right_logical3A_92 = arith.constant 2 : i32
    %shift_right_logical3A_93 = vector.broadcast %shift_right_logical3A_92 : i32 to vector<16xi32>
    %shift_right_logical3A_94 = arith.shrui %get3A_91, %shift_right_logical3A_93 : vector<16xi32>
    %swap3A_95 = arith.constant 1 : i32
    %swap3A_96 = arith.index_cast %swap3A_95 : i32 to index
    %swap3A_97 = arith.constant 0 : index
    %swap3A_98 = tpu.vector_load %arg11[%swap3A_96, %swap3A_97] {strides = array<i32>} : memref<5x128xi32, #tpu.memory_space<vmem>>, vector<16xi32>,
    tpu.vector_store %arg11[%swap3A_96, %swap3A_97], %shift_right_logical3A_94 {strides = array<i32>} : memref<5x128xi32, #tpu.memory_space<vmem>>, vector<16xi32>,
    %get3A_99 = arith.constant 1 : i32
    %get3A_100 = arith.index_cast %get3A_99 : i32 to index
    %get3A_101 = arith.constant 16 : index
    %get3A_102 = tpu.vector_load %arg8[%get3A_100, %get3A_101] {strides = array<i32>} : memref<5x128xi32, #tpu.memory_space<vmem>>, vector<16xi32>,
    %shift_right_logical3A_103 = arith.constant 2 : i32
    %shift_right_logical3A_104 = vector.broadcast %shift_right_logical3A_103 : i32 to vector<16xi32>
    %shift_right_logical3A_105 = arith.shrui %get3A_102, %shift_right_logical3A_104 : vector<16xi32>
    %swap3A_106 = arith.constant 1 : i32
    %swap3A_107 = arith.index_cast %swap3A_106 : i32 to index
    %swap3A_108 = arith.constant 16 : index
    %swap3A_109 = tpu.vector_load %arg11[%swap3A_107, %swap3A_108] {strides = array<i32>} : memref<5x128xi32, #tpu.memory_space<vmem>>, vector<16xi32>,
    tpu.vector_store %arg11[%swap3A_107, %swap3A_108], %shift_right_logical3A_105 {strides = array<i32>} : memref<5x128xi32, #tpu.memory_space<vmem>>, vector<16xi32>,
    %get3A_110 = arith.constant 1 : i32
    %get3A_111 = arith.index_cast %get3A_110 : i32 to index
    %get3A_112 = arith.constant 32 : index
    %get3A_113 = tpu.vector_load %arg8[%get3A_111, %get3A_112] {strides = array<i32>} : memref<5x128xi32, #tpu.memory_space<vmem>>, vector<16xi32>,
    %shift_right_logical3A_114 = arith.constant 2 : i32
    %shift_right_logical3A_115 = vector.broadcast %shift_right_logical3A_114 : i32 to vector<16xi32>
    %shift_right_logical3A_116 = arith.shrui %get3A_113, %shift_right_logical3A_115 : vector<16xi32>
    %swap3A_117 = arith.constant 1 : i32
    %swap3A_118 = arith.index_cast %swap3A_117 : i32 to index
    %swap3A_119 = arith.constant 32 : index
    %swap3A_120 = tpu.vector_load %arg11[%swap3A_118, %swap3A_119] {strides = array<i32>} : memref<5x128xi32, #tpu.memory_space<vmem>>, vector<16xi32>,
    tpu.vector_store %arg11[%swap3A_118, %swap3A_119], %shift_right_logical3A_116 {strides = array<i32>} : memref<5x128xi32, #tpu.memory_space<vmem>>, vector<16xi32>,
    %get3A_121 = arith.constant 1 : i32
    %get3A_122 = arith.index_cast %get3A_121 : i32 to index
    %get3A_123 = arith.constant 48 : index
    %get3A_124 = tpu.vector_load %arg8[%get3A_122, %get3A_123] {strides = array<i32>} : memref<5x128xi32, #tpu.memory_space<vmem>>, vector<16xi32>,
    %shift_right_logical3A_125 = arith.constant 2 : i32
    %shift_right_logical3A_126 = vector.broadcast %shift_right_logical3A_125 : i32 to vector<16xi32>
    %shift_right_logical3A_127 = arith.shrui %get3A_124, %shift_right_logical3A_126 : vector<16xi32>
    %swap3A_128 = arith.constant 1 : i32
    %swap3A_129 = arith.index_cast %swap3A_128 : i32 to index
    %swap3A_130 = arith.constant 48 : index
    %swap3A_131 = tpu.vector_load %arg11[%swap3A_129, %swap3A_130] {strides = array<i32>} : memref<5x128xi32, #tpu.memory_space<vmem>>, vector<16xi32>,
    tpu.vector_store %arg11[%swap3A_129, %swap3A_130], %shift_right_logical3A_127 {strides = array<i32>} : memref<5x128xi32, #tpu.memory_space<vmem>>, vector<16xi32>,
    %get3A_132 = arith.constant 1 : i32
    %get3A_133 = arith.index_cast %get3A_132 : i32 to index
    %get3A_134 = arith.constant 64 : index
    %get3A_135 = tpu.vector_load %arg8[%get3A_133, %get3A_134] {strides = array<i32>} : memref<5x128xi32, #tpu.memory_space<vmem>>, vector<16xi32>,
    %shift_right_logical3A_136 = arith.constant 2 : i32
    %shift_right_logical3A_137 = vector.broadcast %shift_right_logical3A_136 : i32 to vector<16xi32>
    %shift_right_logical3A_138 = arith.shrui %get3A_135, %shift_right_logical3A_137 : vector<16xi32>
    %swap3A_139 = arith.constant 1 : i32
    %swap3A_140 = arith.index_cast %swap3A_139 : i32 to index
    %swap3A_141 = arith.constant 64 : index
    %swap3A_142 = tpu.vector_load %arg11[%swap3A_140, %swap3A_141] {strides = array<i32>} : memref<5x128xi32, #tpu.memory_space<vmem>>, vector<16xi32>,
    tpu.vector_store %arg11[%swap3A_140, %swap3A_141], %shift_right_logical3A_138 {strides = array<i32>} : memref<5x128xi32, #tpu.memory_space<vmem>>, vector<16xi32>,
    %get3A_143 = arith.constant 1 : i32
    %get3A_144 = arith.index_cast %get3A_143 : i32 to index
    %get3A_145 = arith.constant 80 : index
    %get3A_146 = tpu.vector_load %arg8[%get3A_144, %get3A_145] {strides = array<i32>} : memref<5x128xi32, #tpu.memory_space<vmem>>, vector<16xi32>,
    %shift_right_logical3A_147 = arith.constant 2 : i32
    %shift_right_logical3A_148 = vector.broadcast %shift_right_logical3A_147 : i32 to vector<16xi32>
    %shift_right_logical3A_149 = arith.shrui %get3A_146, %shift_right_logical3A_148 : vector<16xi32>
    %swap3A_150 = arith.constant 1 : i32
    %swap3A_151 = arith.index_cast %swap3A_150 : i32 to index
    %swap3A_152 = arith.constant 80 : index
    %swap3A_153 = tpu.vector_load %arg11[%swap3A_151, %swap3A_152] {strides = array<i32>} : memref<5x128xi32, #tpu.memory_space<vmem>>, vector<16xi32>,
    tpu.vector_store %arg11[%swap3A_151, %swap3A_152], %shift_right_logical3A_149 {strides = array<i32>} : memref<5x128xi32, #tpu.memory_space<vmem>>, vector<16xi32>,
    %get3A_154 = arith.constant 1 : i32
    %get3A_155 = arith.index_cast %get3A_154 : i32 to index
    %get3A_156 = arith.constant 96 : index
    %get3A_157 = tpu.vector_load %arg8[%get3A_155, %get3A_156] {strides = array<i32>} : memref<5x128xi32, #tpu.memory_space<vmem>>, vector<16xi32>,
    %shift_right_logical3A_158 = arith.constant 2 : i32
    %shift_right_logical3A_159 = vector.broadcast %shift_right_logical3A_158 : i32 to vector<16xi32>
    %shift_right_logical3A_160 = arith.shrui %get3A_157, %shift_right_logical3A_159 : vector<16xi32>
    %swap3A_161 = arith.constant 1 : i32
    %swap3A_162 = arith.index_cast %swap3A_161 : i32 to index
    %swap3A_163 = arith.constant 96 : index
    %swap3A_164 = tpu.vector_load %arg11[%swap3A_162, %swap3A_163] {strides = array<i32>} : memref<5x128xi32, #tpu.memory_space<vmem>>, vector<16xi32>,
    tpu.vector_store %arg11[%swap3A_162, %swap3A_163], %shift_right_logical3A_160 {strides = array<i32>} : memref<5x128xi32, #tpu.memory_space<vmem>>, vector<16xi32>,
    %get3A_165 = arith.constant 1 : i32
    %get3A_166 = arith.index_cast %get3A_165 : i32 to index
    %get3A_167 = arith.constant 112 : index
    %get3A_168 = tpu.vector_load %arg8[%get3A_166, %get3A_167] {strides = array<i32>} : memref<5x128xi32, #tpu.memory_space<vmem>>, vector<16xi32>,
    %shift_right_logical3A_169 = arith.constant 2 : i32
    %shift_right_logical3A_170 = vector.broadcast %shift_right_logical3A_169 : i32 to vector<16xi32>
    %shift_right_logical3A_171 = arith.shrui %get3A_168, %shift_right_logical3A_170 : vector<16xi32>
    %swap3A_172 = arith.constant 1 : i32
    %swap3A_173 = arith.index_cast %swap3A_172 : i32 to index
    %swap3A_174 = arith.constant 112 : index
    %swap3A_175 = tpu.vector_load %arg11[%swap3A_173, %swap3A_174] {strides = array<i32>} : memref<5x128xi32, #tpu.memory_space<vmem>>, vector<16xi32>,
    tpu.vector_store %arg11[%swap3A_173, %swap3A_174], %shift_right_logical3A_171 {strides = array<i32>} : memref<5x128xi32, #tpu.memory_space<vmem>>, vector<16xi32>,
    %get3A_176 = arith.constant 2 : i32
    %get3A_177 = arith.index_cast %get3A_176 : i32 to index
    %get3A_178 = arith.constant 0 : index
    %get3A_179 = tpu.vector_load %arg8[%get3A_177, %get3A_178] {strides = array<i32>} : memref<5x128xi32, #tpu.memory_space<vmem>>, vector<16xi32>,
    %shift_right_logical3A_180 = arith.constant 2 : i32
    %shift_right_logical3A_181 = vector.broadcast %shift_right_logical3A_180 : i32 to vector<16xi32>
    %shift_right_logical3A_182 = arith.shrui %get3A_179, %shift_right_logical3A_181 : vector<16xi32>
    %swap3A_183 = arith.constant 2 : i32
    %swap3A_184 = arith.index_cast %swap3A_183 : i32 to index
    %swap3A_185 = arith.constant 0 : index
    %swap3A_186 = tpu.vector_load %arg11[%swap3A_184, %swap3A_185] {strides = array<i32>} : memref<5x128xi32, #tpu.memory_space<vmem>>, vector<16xi32>,
    tpu.vector_store %arg11[%swap3A_184, %swap3A_185], %shift_right_logical3A_182 {strides = array<i32>} : memref<5x128xi32, #tpu.memory_space<vmem>>, vector<16xi32>,
    %get3A_187 = arith.constant 2 : i32
    %get3A_188 = arith.index_cast %get3A_187 : i32 to index
    %get3A_189 = arith.constant 16 : index
    %get3A_190 = tpu.vector_load %arg8[%get3A_188, %get3A_189] {strides = array<i32>} : memref<5x128xi32, #tpu.memory_space<vmem>>, vector<16xi32>,
    %shift_right_logical3A_191 = arith.constant 2 : i32
    %shift_right_logical3A_192 = vector.broadcast %shift_right_logical3A_191 : i32 to vector<16xi32>
    %shift_right_logical3A_193 = arith.shrui %get3A_190, %shift_right_logical3A_192 : vector<16xi32>
    %swap3A_194 = arith.constant 2 : i32
    %swap3A_195 = arith.index_cast %swap3A_194 : i32 to index
    %swap3A_196 = arith.constant 16 : index
    %swap3A_197 = tpu.vector_load %arg11[%swap3A_195, %swap3A_196] {strides = array<i32>} : memref<5x128xi32, #tpu.memory_space<vmem>>, vector<16xi32>,
    tpu.vector_store %arg11[%swap3A_195, %swap3A_196], %shift_right_logical3A_193 {strides = array<i32>} : memref<5x128xi32, #tpu.memory_space<vmem>>, vector<16xi32>,
    %get3A_198 = arith.constant 2 : i32
    %get3A_199 = arith.index_cast %get3A_198 : i32 to index
    %get3A_200 = arith.constant 32 : index
    %get3A_201 = tpu.vector_load %arg8[%get3A_199, %get3A_200] {strides = array<i32>} : memref<5x128xi32, #tpu.memory_space<vmem>>, vector<16xi32>,
    %shift_right_logical3A_202 = arith.constant 2 : i32
    %shift_right_logical3A_203 = vector.broadcast %shift_right_logical3A_202 : i32 to vector<16xi32>
    %shift_right_logical3A_204 = arith.shrui %get3A_201, %shift_right_logical3A_203 : vector<16xi32>
    %swap3A_205 = arith.constant 2 : i32
    %swap3A_206 = arith.index_cast %swap3A_205 : i32 to index
    %swap3A_207 = arith.constant 32 : index
    %swap3A_208 = tpu.vector_load %arg11[%swap3A_206, %swap3A_207] {strides = array<i32>} : memref<5x128xi32, #tpu.memory_space<vmem>>, vector<16xi32>,
    tpu.vector_store %arg11[%swap3A_206, %swap3A_207], %shift_right_logical3A_204 {strides = array<i32>} : memref<5x128xi32, #tpu.memory_space<vmem>>, vector<16xi32>,
    %get3A_209 = arith.constant 2 : i32
    %get3A_210 = arith.index_cast %get3A_209 : i32 to index
    %get3A_211 = arith.constant 48 : index
    %get3A_212 = tpu.vector_load %arg8[%get3A_210, %get3A_211] {strides = array<i32>} : memref<5x128xi32, #tpu.memory_space<vmem>>, vector<16xi32>,
    %shift_right_logical3A_213 = arith.constant 2 : i32
    %shift_right_logical3A_214 = vector.broadcast %shift_right_logical3A_213 : i32 to vector<16xi32>
    %shift_right_logical3A_215 = arith.shrui %get3A_212, %shift_right_logical3A_214 : vector<16xi32>
    %swap3A_216 = arith.constant 2 : i32
    %swap3A_217 = arith.index_cast %swap3A_216 : i32 to index
    %swap3A_218 = arith.constant 48 : index
    %swap3A_219 = tpu.vector_load %arg11[%swap3A_217, %swap3A_218] {strides = array<i32>} : memref<5x128xi32, #tpu.memory_space<vmem>>, vector<16xi32>,
    tpu.vector_store %arg11[%swap3A_217, %swap3A_218], %shift_right_logical3A_215 {strides = array<i32>} : memref<5x128xi32, #tpu.memory_space<vmem>>, vector<16xi32>,
    %get3A_220 = arith.constant 2 : i32
    %get3A_221 = arith.index_cast %get3A_220 : i32 to index
    %get3A_222 = arith.constant 64 : index
    %get3A_223 = tpu.vector_load %arg8[%get3A_221, %get3A_222] {strides = array<i32>} : memref<5x128xi32, #tpu.memory_space<vmem>>, vector<16xi32>,
    %shift_right_logical3A_224 = arith.constant 2 : i32
    %shift_right_logical3A_225 = vector.broadcast %shift_right_logical3A_224 : i32 to vector<16xi32>
    %shift_right_logical3A_226 = arith.shrui %get3A_223, %shift_right_logical3A_225 : vector<16xi32>
    %swap3A_227 = arith.constant 2 : i32
    %swap3A_228 = arith.index_cast %swap3A_227 : i32 to index
    %swap3A_229 = arith.constant 64 : index
    %swap3A_230 = tpu.vector_load %arg11[%swap3A_228, %swap3A_229] {strides = array<i32>} : memref<5x128xi32, #tpu.memory_space<vmem>>, vector<16xi32>,
    tpu.vector_store %arg11[%swap3A_228, %swap3A_229], %shift_right_logical3A_226 {strides = array<i32>} : memref<5x128xi32, #tpu.memory_space<vmem>>, vector<16xi32>,
    %get3A_231 = arith.constant 2 : i32
    %get3A_232 = arith.index_cast %get3A_231 : i32 to index
    %get3A_233 = arith.constant 80 : index
    %get3A_234 = tpu.vector_load %arg8[%get3A_232, %get3A_233] {strides = array<i32>} : memref<5x128xi32, #tpu.memory_space<vmem>>, vector<16xi32>,
    %shift_right_logical3A_235 = arith.constant 2 : i32
    %shift_right_logical3A_236 = vector.broadcast %shift_right_logical3A_235 : i32 to vector<16xi32>
    %shift_right_logical3A_237 = arith.shrui %get3A_234, %shift_right_logical3A_236 : vector<16xi32>
    %swap3A_238 = arith.constant 2 : i32
    %swap3A_239 = arith.index_cast %swap3A_238 : i32 to index
    %swap3A_240 = arith.constant 80 : index
    %swap3A_241 = tpu.vector_load %arg11[%swap3A_239, %swap3A_240] {strides = array<i32>} : memref<5x128xi32, #tpu.memory_space<vmem>>, vector<16xi32>,
    tpu.vector_store %arg11[%swap3A_239, %swap3A_240], %shift_right_logical3A_237 {strides = array<i32>} : memref<5x128xi32, #tpu.memory_space<vmem>>, vector<16xi32>,
    %get3A_242 = arith.constant 2 : i32
    %get3A_243 = arith.index_cast %get3A_242 : i32 to index
    %get3A_244 = arith.constant 96 : index
    %get3A_245 = tpu.vector_load %arg8[%get3A_243, %get3A_244] {strides = array<i32>} : memref<5x128xi32, #tpu.memory_space<vmem>>, vector<16xi32>,
    %shift_right_logical3A_246 = arith.constant 2 : i32
    %shift_right_logical3A_247 = vector.broadcast %shift_right_logical3A_246 : i32 to vector<16xi32>
    %shift_right_logical3A_248 = arith.shrui %get3A_245, %shift_right_logical3A_247 : vector<16xi32>
    %swap3A_249 = arith.constant 2 : i32
    %swap3A_250 = arith.index_cast %swap3A_249 : i32 to index
    %swap3A_251 = arith.constant 96 : index
    %swap3A_252 = tpu.vector_load %arg11[%swap3A_250, %swap3A_251] {strides = array<i32>} : memref<5x128xi32, #tpu.memory_space<vmem>>, vector<16xi32>,
    tpu.vector_store %arg11[%swap3A_250, %swap3A_251], %shift_right_logical3A_248 {strides = array<i32>} : memref<5x128xi32, #tpu.memory_space<vmem>>, vector<16xi32>,
    %get3A_253 = arith.constant 2 : i32
    %get3A_254 = arith.index_cast %get3A_253 : i32 to index
    %get3A_255 = arith.constant 112 : index
    %get3A_256 = tpu.vector_load %arg8[%get3A_254, %get3A_255] {strides = array<i32>} : memref<5x128xi32, #tpu.memory_space<vmem>>, vector<16xi32>,
    %shift_right_logical3A_257 = arith.constant 2 : i32
    %shift_right_logical3A_258 = vector.broadcast %shift_right_logical3A_257 : i32 to vector<16xi32>
    %shift_right_logical3A_259 = arith.shrui %get3A_256, %shift_right_logical3A_258 : vector<16xi32>
    %swap3A_260 = arith.constant 2 : i32
    %swap3A_261 = arith.index_cast %swap3A_260 : i32 to index
    %swap3A_262 = arith.constant 112 : index
    %swap3A_263 = tpu.vector_load %arg11[%swap3A_261, %swap3A_262] {strides = array<i32>} : memref<5x128xi32, #tpu.memory_space<vmem>>, vector<16xi32>,
    tpu.vector_store %arg11[%swap3A_261, %swap3A_262], %shift_right_logical3A_259 {strides = array<i32>} : memref<5x128xi32, #tpu.memory_space<vmem>>, vector<16xi32>,
    %get3A_264 = arith.constant 3 : i32
    %get3A_265 = arith.index_cast %get3A_264 : i32 to index
    %get3A_266 = arith.constant 0 : index
    %get3A_267 = tpu.vector_load %arg8[%get3A_265, %get3A_266] {strides = array<i32>} : memref<5x128xi32, #tpu.memory_space<vmem>>, vector<16xi32>,
    %shift_right_logical3A_268 = arith.constant 2 : i32
    %shift_right_logical3A_269 = vector.broadcast %shift_right_logical3A_268 : i32 to vector<16xi32>
    %shift_right_logical3A_270 = arith.shrui %get3A_267, %shift_right_logical3A_269 : vector<16xi32>
    %swap3A_271 = arith.constant 3 : i32
    %swap3A_272 = arith.index_cast %swap3A_271 : i32 to index
    %swap3A_273 = arith.constant 0 : index
    %swap3A_274 = tpu.vector_load %arg11[%swap3A_272, %swap3A_273] {strides = array<i32>} : memref<5x128xi32, #tpu.memory_space<vmem>>, vector<16xi32>,
    tpu.vector_store %arg11[%swap3A_272, %swap3A_273], %shift_right_logical3A_270 {strides = array<i32>} : memref<5x128xi32, #tpu.memory_space<vmem>>, vector<16xi32>,
    %get3A_275 = arith.constant 3 : i32
    %get3A_276 = arith.index_cast %get3A_275 : i32 to index
    %get3A_277 = arith.constant 16 : index
    %get3A_278 = tpu.vector_load %arg8[%get3A_276, %get3A_277] {strides = array<i32>} : memref<5x128xi32, #tpu.memory_space<vmem>>, vector<16xi32>,
    %shift_right_logical3A_279 = arith.constant 2 : i32
    %shift_right_logical3A_280 = vector.broadcast %shift_right_logical3A_279 : i32 to vector<16xi32>
    %shift_right_logical3A_281 = arith.shrui %get3A_278, %shift_right_logical3A_280 : vector<16xi32>
    %swap3A_282 = arith.constant 3 : i32
    %swap3A_283 = arith.index_cast %swap3A_282 : i32 to index
    %swap3A_284 = arith.constant 16 : index
    %swap3A_285 = tpu.vector_load %arg11[%swap3A_283, %swap3A_284] {strides = array<i32>} : memref<5x128xi32, #tpu.memory_space<vmem>>, vector<16xi32>,
    tpu.vector_store %arg11[%swap3A_283, %swap3A_284], %shift_right_logical3A_281 {strides = array<i32>} : memref<5x128xi32, #tpu.memory_space<vmem>>, vector<16xi32>,
    %get3A_286 = arith.constant 3 : i32
    %get3A_287 = arith.index_cast %get3A_286 : i32 to index
    %get3A_288 = arith.constant 32 : index
    %get3A_289 = tpu.vector_load %arg8[%get3A_287, %get3A_288] {strides = array<i32>} : memref<5x128xi32, #tpu.memory_space<vmem>>, vector<16xi32>,
    %shift_right_logical3A_290 = arith.constant 2 : i32
    %shift_right_logical3A_291 = vector.broadcast %shift_right_logical3A_290 : i32 to vector<16xi32>
    %shift_right_logical3A_292 = arith.shrui %get3A_289, %shift_right_logical3A_291 : vector<16xi32>
    %swap3A_293 = arith.constant 3 : i32
    %swap3A_294 = arith.index_cast %swap3A_293 : i32 to index
    %swap3A_295 = arith.constant 32 : index
    %swap3A_296 = tpu.vector_load %arg11[%swap3A_294, %swap3A_295] {strides = array<i32>} : memref<5x128xi32, #tpu.memory_space<vmem>>, vector<16xi32>,
    tpu.vector_store %arg11[%swap3A_294, %swap3A_295], %shift_right_logical3A_292 {strides = array<i32>} : memref<5x128xi32, #tpu.memory_space<vmem>>, vector<16xi32>,
    %get3A_297 = arith.constant 3 : i32
    %get3A_298 = arith.index_cast %get3A_297 : i32 to index
    %get3A_299 = arith.constant 48 : index
    %get3A_300 = tpu.vector_load %arg8[%get3A_298, %get3A_299] {strides = array<i32>} : memref<5x128xi32, #tpu.memory_space<vmem>>, vector<16xi32>,
    %shift_right_logical3A_301 = arith.constant 2 : i32
    %shift_right_logical3A_302 = vector.broadcast %shift_right_logical3A_301 : i32 to vector<16xi32>
    %shift_right_logical3A_303 = arith.shrui %get3A_300, %shift_right_logical3A_302 : vector<16xi32>
    %swap3A_304 = arith.constant 3 : i32
    %swap3A_305 = arith.index_cast %swap3A_304 : i32 to index
    %swap3A_306 = arith.constant 48 : index
    %swap3A_307 = tpu.vector_load %arg11[%swap3A_305, %swap3A_306] {strides = array<i32>} : memref<5x128xi32, #tpu.memory_space<vmem>>, vector<16xi32>,
    tpu.vector_store %arg11[%swap3A_305, %swap3A_306], %shift_right_logical3A_303 {strides = array<i32>} : memref<5x128xi32, #tpu.memory_space<vmem>>, vector<16xi32>,
    %get3A_308 = arith.constant 3 : i32
    %get3A_309 = arith.index_cast %get3A_308 : i32 to index
    %get3A_310 = arith.constant 64 : index
    %get3A_311 = tpu.vector_load %arg8[%get3A_309, %get3A_310] {strides = array<i32>} : memref<5x128xi32, #tpu.memory_space<vmem>>, vector<16xi32>,
    %shift_right_logical3A_312 = arith.constant 2 : i32
    %shift_right_logical3A_313 = vector.broadcast %shift_right_logical3A_312 : i32 to vector<16xi32>
    %shift_right_logical3A_314 = arith.shrui %get3A_311, %shift_right_logical3A_313 : vector<16xi32>
    %swap3A_315 = arith.constant 3 : i32
    %swap3A_316 = arith.index_cast %swap3A_315 : i32 to index
    %swap3A_317 = arith.constant 64 : index
    %swap3A_318 = tpu.vector_load %arg11[%swap3A_316, %swap3A_317] {strides = array<i32>} : memref<5x128xi32, #tpu.memory_space<vmem>>, vector<16xi32>,
    tpu.vector_store %arg11[%swap3A_316, %swap3A_317], %shift_right_logical3A_314 {strides = array<i32>} : memref<5x128xi32, #tpu.memory_space<vmem>>, vector<16xi32>,
    %get3A_319 = arith.constant 3 : i32
    %get3A_320 = arith.index_cast %get3A_319 : i32 to index
    %get3A_321 = arith.constant 80 : index
    %get3A_322 = tpu.vector_load %arg8[%get3A_320, %get3A_321] {strides = array<i32>} : memref<5x128xi32, #tpu.memory_space<vmem>>, vector<16xi32>,
    %shift_right_logical3A_323 = arith.constant 2 : i32
    %shift_right_logical3A_324 = vector.broadcast %shift_right_logical3A_323 : i32 to vector<16xi32>
    %shift_right_logical3A_325 = arith.shrui %get3A_322, %shift_right_logical3A_324 : vector<16xi32>
    %swap3A_326 = arith.constant 3 : i32
    %swap3A_327 = arith.index_cast %swap3A_326 : i32 to index
    %swap3A_328 = arith.constant 80 : index
    %swap3A_329 = tpu.vector_load %arg11[%swap3A_327, %swap3A_328] {strides = array<i32>} : memref<5x128xi32, #tpu.memory_space<vmem>>, vector<16xi32>,
    tpu.vector_store %arg11[%swap3A_327, %swap3A_328], %shift_right_logical3A_325 {strides = array<i32>} : memref<5x128xi32, #tpu.memory_space<vmem>>, vector<16xi32>,
    %get3A_330 = arith.constant 3 : i32
    %get3A_331 = arith.index_cast %get3A_330 : i32 to index
    %get3A_332 = arith.constant 96 : index
    %get3A_333 = tpu.vector_load %arg8[%get3A_331, %get3A_332] {strides = array<i32>} : memref<5x128xi32, #tpu.memory_space<vmem>>, vector<16xi32>,
    %shift_right_logical3A_334 = arith.constant 2 : i32
    %shift_right_logical3A_335 = vector.broadcast %shift_right_logical3A_334 : i32 to vector<16xi32>
    %shift_right_logical3A_336 = arith.shrui %get3A_333, %shift_right_logical3A_335 : vector<16xi32>
    %swap3A_337 = arith.constant 3 : i32
    %swap3A_338 = arith.index_cast %swap3A_337 : i32 to index
    %swap3A_339 = arith.constant 96 : index
    %swap3A_340 = tpu.vector_load %arg11[%swap3A_338, %swap3A_339] {strides = array<i32>} : memref<5x128xi32, #tpu.memory_space<vmem>>, vector<16xi32>,
    tpu.vector_store %arg11[%swap3A_338, %swap3A_339], %shift_right_logical3A_336 {strides = array<i32>} : memref<5x128xi32, #tpu.memory_space<vmem>>, vector<16xi32>,
    %get3A_341 = arith.constant 3 : i32
    %get3A_342 = arith.index_cast %get3A_341 : i32 to index
    %get3A_343 = arith.constant 112 : index
    %get3A_344 = tpu.vector_load %arg8[%get3A_342, %get3A_343] {strides = array<i32>} : memref<5x128xi32, #tpu.memory_space<vmem>>, vector<16xi32>,
    %shift_right_logical3A_345 = arith.constant 2 : i32
    %shift_right_logical3A_346 = vector.broadcast %shift_right_logical3A_345 : i32 to vector<16xi32>
    %shift_right_logical3A_347 = arith.shrui %get3A_344, %shift_right_logical3A_346 : vector<16xi32>
    %swap3A_348 = arith.constant 3 : i32
    %swap3A_349 = arith.index_cast %swap3A_348 : i32 to index
    %swap3A_350 = arith.constant 112 : index
    %swap3A_351 = tpu.vector_load %arg11[%swap3A_349, %swap3A_350] {strides = array<i32>} : memref<5x128xi32, #tpu.memory_space<vmem>>, vector<16xi32>,
    tpu.vector_store %arg11[%swap3A_349, %swap3A_350], %shift_right_logical3A_347 {strides = array<i32>} : memref<5x128xi32, #tpu.memory_space<vmem>>, vector<16xi32>,
    %get3A_352 = arith.constant 4 : i32
    %get3A_353 = arith.index_cast %get3A_352 : i32 to index
    %get3A_354 = arith.constant 0 : index
    %get3A_355 = tpu.vector_load %arg8[%get3A_353, %get3A_354] {strides = array<i32>} : memref<5x128xi32, #tpu.memory_space<vmem>>, vector<16xi32>,
    %shift_right_logical3A_356 = arith.constant 2 : i32
    %shift_right_logical3A_357 = vector.broadcast %shift_right_logical3A_356 : i32 to vector<16xi32>
    %shift_right_logical3A_358 = arith.shrui %get3A_355, %shift_right_logical3A_357 : vector<16xi32>
    %swap3A_359 = arith.constant 4 : i32
    %swap3A_360 = arith.index_cast %swap3A_359 : i32 to index
    %swap3A_361 = arith.constant 0 : index
    %swap3A_362 = tpu.vector_load %arg11[%swap3A_360, %swap3A_361] {strides = array<i32>} : memref<5x128xi32, #tpu.memory_space<vmem>>, vector<16xi32>,
    tpu.vector_store %arg11[%swap3A_360, %swap3A_361], %shift_right_logical3A_358 {strides = array<i32>} : memref<5x128xi32, #tpu.memory_space<vmem>>, vector<16xi32>,
    %get3A_363 = arith.constant 4 : i32
    %get3A_364 = arith.index_cast %get3A_363 : i32 to index
    %get3A_365 = arith.constant 16 : index
    %get3A_366 = tpu.vector_load %arg8[%get3A_364, %get3A_365] {strides = array<i32>} : memref<5x128xi32, #tpu.memory_space<vmem>>, vector<16xi32>,
    %shift_right_logical3A_367 = arith.constant 2 : i32
    %shift_right_logical3A_368 = vector.broadcast %shift_right_logical3A_367 : i32 to vector<16xi32>
    %shift_right_logical3A_369 = arith.shrui %get3A_366, %shift_right_logical3A_368 : vector<16xi32>
    %swap3A_370 = arith.constant 4 : i32
    %swap3A_371 = arith.index_cast %swap3A_370 : i32 to index
    %swap3A_372 = arith.constant 16 : index
    %swap3A_373 = tpu.vector_load %arg11[%swap3A_371, %swap3A_372] {strides = array<i32>} : memref<5x128xi32, #tpu.memory_space<vmem>>, vector<16xi32>,
    tpu.vector_store %arg11[%swap3A_371, %swap3A_372], %shift_right_logical3A_369 {strides = array<i32>} : memref<5x128xi32, #tpu.memory_space<vmem>>, vector<16xi32>,
    %get3A_374 = arith.constant 4 : i32
    %get3A_375 = arith.index_cast %get3A_374 : i32 to index
    %get3A_376 = arith.constant 32 : index
    %get3A_377 = tpu.vector_load %arg8[%get3A_375, %get3A_376] {strides = array<i32>} : memref<5x128xi32, #tpu.memory_space<vmem>>, vector<16xi32>,
    %shift_right_logical3A_378 = arith.constant 2 : i32
    %shift_right_logical3A_379 = vector.broadcast %shift_right_logical3A_378 : i32 to vector<16xi32>
    %shift_right_logical3A_380 = arith.shrui %get3A_377, %shift_right_logical3A_379 : vector<16xi32>
    %swap3A_381 = arith.constant 4 : i32
    %swap3A_382 = arith.index_cast %swap3A_381 : i32 to index
    %swap3A_383 = arith.constant 32 : index
    %swap3A_384 = tpu.vector_load %arg11[%swap3A_382, %swap3A_383] {strides = array<i32>} : memref<5x128xi32, #tpu.memory_space<vmem>>, vector<16xi32>,
    tpu.vector_store %arg11[%swap3A_382, %swap3A_383], %shift_right_logical3A_380 {strides = array<i32>} : memref<5x128xi32, #tpu.memory_space<vmem>>, vector<16xi32>,
    %get3A_385 = arith.constant 4 : i32
    %get3A_386 = arith.index_cast %get3A_385 : i32 to index
    %get3A_387 = arith.constant 48 : index
    %get3A_388 = tpu.vector_load %arg8[%get3A_386, %get3A_387] {strides = array<i32>} : memref<5x128xi32, #tpu.memory_space<vmem>>, vector<16xi32>,
    %shift_right_logical3A_389 = arith.constant 2 : i32
    %shift_right_logical3A_390 = vector.broadcast %shift_right_logical3A_389 : i32 to vector<16xi32>
    %shift_right_logical3A_391 = arith.shrui %get3A_388, %shift_right_logical3A_390 : vector<16xi32>
    %swap3A_392 = arith.constant 4 : i32
    %swap3A_393 = arith.index_cast %swap3A_392 : i32 to index
    %swap3A_394 = arith.constant 48 : index
    %swap3A_395 = tpu.vector_load %arg11[%swap3A_393, %swap3A_394] {strides = array<i32>} : memref<5x128xi32, #tpu.memory_space<vmem>>, vector<16xi32>,
    tpu.vector_store %arg11[%swap3A_393, %swap3A_394], %shift_right_logical3A_391 {strides = array<i32>} : memref<5x128xi32, #tpu.memory_space<vmem>>, vector<16xi32>,
    %get3A_396 = arith.constant 4 : i32
    %get3A_397 = arith.index_cast %get3A_396 : i32 to index
    %get3A_398 = arith.constant 64 : index
    %get3A_399 = tpu.vector_load %arg8[%get3A_397, %get3A_398] {strides = array<i32>} : memref<5x128xi32, #tpu.memory_space<vmem>>, vector<16xi32>,
    %shift_right_logical3A_400 = arith.constant 2 : i32
    %shift_right_logical3A_401 = vector.broadcast %shift_right_logical3A_400 : i32 to vector<16xi32>
    %shift_right_logical3A_402 = arith.shrui %get3A_399, %shift_right_logical3A_401 : vector<16xi32>
    %swap3A_403 = arith.constant 4 : i32
    %swap3A_404 = arith.index_cast %swap3A_403 : i32 to index
    %swap3A_405 = arith.constant 64 : index
    %swap3A_406 = tpu.vector_load %arg11[%swap3A_404, %swap3A_405] {strides = array<i32>} : memref<5x128xi32, #tpu.memory_space<vmem>>, vector<16xi32>,
    tpu.vector_store %arg11[%swap3A_404, %swap3A_405], %shift_right_logical3A_402 {strides = array<i32>} : memref<5x128xi32, #tpu.memory_space<vmem>>, vector<16xi32>,
    %get3A_407 = arith.constant 4 : i32
    %get3A_408 = arith.index_cast %get3A_407 : i32 to index
    %get3A_409 = arith.constant 80 : index
    %get3A_410 = tpu.vector_load %arg8[%get3A_408, %get3A_409] {strides = array<i32>} : memref<5x128xi32, #tpu.memory_space<vmem>>, vector<16xi32>,
    %shift_right_logical3A_411 = arith.constant 2 : i32
    %shift_right_logical3A_412 = vector.broadcast %shift_right_logical3A_411 : i32 to vector<16xi32>
    %shift_right_logical3A_413 = arith.shrui %get3A_410, %shift_right_logical3A_412 : vector<16xi32>
    %swap3A_414 = arith.constant 4 : i32
    %swap3A_415 = arith.index_cast %swap3A_414 : i32 to index
    %swap3A_416 = arith.constant 80 : index
    %swap3A_417 = tpu.vector_load %arg11[%swap3A_415, %swap3A_416] {strides = array<i32>} : memref<5x128xi32, #tpu.memory_space<vmem>>, vector<16xi32>,
    tpu.vector_store %arg11[%swap3A_415, %swap3A_416], %shift_right_logical3A_413 {strides = array<i32>} : memref<5x128xi32, #tpu.memory_space<vmem>>, vector<16xi32>,
    %get3A_418 = arith.constant 4 : i32
    %get3A_419 = arith.index_cast %get3A_418 : i32 to index
    %get3A_420 = arith.constant 96 : index
    %get3A_421 = tpu.vector_load %arg8[%get3A_419, %get3A_420] {strides = array<i32>} : memref<5x128xi32, #tpu.memory_space<vmem>>, vector<16xi32>,
    %shift_right_logical3A_422 = arith.constant 2 : i32
    %shift_right_logical3A_423 = vector.broadcast %shift_right_logical3A_422 : i32 to vector<16xi32>
    %shift_right_logical3A_424 = arith.shrui %get3A_421, %shift_right_logical3A_423 : vector<16xi32>
    %swap3A_425 = arith.constant 4 : i32
    %swap3A_426 = arith.index_cast %swap3A_425 : i32 to index
    %swap3A_427 = arith.constant 96 : index
    %swap3A_428 = tpu.vector_load %arg11[%swap3A_426, %swap3A_427] {strides = array<i32>} : memref<5x128xi32, #tpu.memory_space<vmem>>, vector<16xi32>,
    tpu.vector_store %arg11[%swap3A_426, %swap3A_427], %shift_right_logical3A_424 {strides = array<i32>} : memref<5x128xi32, #tpu.memory_space<vmem>>, vector<16xi32>,
    %get3A_429 = arith.constant 4 : i32
    %get3A_430 = arith.index_cast %get3A_429 : i32 to index
    %get3A_431 = arith.constant 112 : index
    %get3A_432 = tpu.vector_load %arg8[%get3A_430, %get3A_431] {strides = array<i32>} : memref<5x128xi32, #tpu.memory_space<vmem>>, vector<16xi32>,
    %shift_right_logical3A_433 = arith.constant 2 : i32
    %shift_right_logical3A_434 = vector.broadcast %shift_right_logical3A_433 : i32 to vector<16xi32>
    %shift_right_logical3A_435 = arith.shrui %get3A_432, %shift_right_logical3A_434 : vector<16xi32>
    %swap3A_436 = arith.constant 4 : i32
    %swap3A_437 = arith.index_cast %swap3A_436 : i32 to index
    %swap3A_438 = arith.constant 112 : index
    %swap3A_439 = tpu.vector_load %arg11[%swap3A_437, %swap3A_438] {strides = array<i32>} : memref<5x128xi32, #tpu.memory_space<vmem>>, vector<16xi32>,
    tpu.vector_store %arg11[%swap3A_437, %swap3A_438], %shift_right_logical3A_435 {strides = array<i32>} : memref<5x128xi32, #tpu.memory_space<vmem>>, vector<16xi32>,
    %get3A_440 = arith.constant 0 : index
    %get3A_441 = tpu.vector_load %arg13[%get3A_440] {strides = array<i32>} : memref<32xi32, #tpu.memory_space<vmem>>, vector<16xi32>,
    %and3A = arith.constant 3 : i32
    %and3A_442 = vector.broadcast %and3A : i32 to vector<16xi32>
    %and3A_443 = arith.andi %get3A_441, %and3A_442 : vector<16xi32>
    %shift_left3A = arith.constant 5 : i32
    %shift_left3A_444 = vector.broadcast %shift_left3A : i32 to vector<16xi32>
    %shift_left3A_445 = arith.shli %and3A_443, %shift_left3A_444 : vector<16xi32>
    %swap3A_446 = arith.constant 0 : index
    %swap3A_447 = tpu.vector_load %arg14[%swap3A_446] {strides = array<i32>} : memref<32xi32, #tpu.memory_space<vmem>>, vector<16xi32>,
    tpu.vector_store %arg14[%swap3A_446], %shift_left3A_445 {strides = array<i32>} : memref<32xi32, #tpu.memory_space<vmem>>, vector<16xi32>,
    %shift_right_logical3A_448 = arith.constant 2 : i32
    %shift_right_logical3A_449 = vector.broadcast %shift_right_logical3A_448 : i32 to vector<16xi32>
    %shift_right_logical3A_450 = arith.shrui %get3A_441, %shift_right_logical3A_449 : vector<16xi32>
    %swap3A_451 = arith.constant 0 : index
    %swap3A_452 = tpu.vector_load %arg13[%swap3A_451] {strides = array<i32>} : memref<32xi32, #tpu.memory_space<vmem>>, vector<16xi32>,
    tpu.vector_store %arg13[%swap3A_451], %shift_right_logical3A_450 {strides = array<i32>} : memref<32xi32, #tpu.memory_space<vmem>>, vector<16xi32>,
    %get3A_453 = arith.constant 16 : index
    %get3A_454 = tpu.vector_load %arg13[%get3A_453] {strides = array<i32>} : memref<32xi32, #tpu.memory_space<vmem>>, vector<16xi32>,
    %and3A_455 = arith.constant 3 : i32
    %and3A_456 = vector.broadcast %and3A_455 : i32 to vector<16xi32>
    %and3A_457 = arith.andi %get3A_454, %and3A_456 : vector<16xi32>
    %shift_left3A_458 = arith.constant 5 : i32
    %shift_left3A_459 = vector.broadcast %shift_left3A_458 : i32 to vector<16xi32>
    %shift_left3A_460 = arith.shli %and3A_457, %shift_left3A_459 : vector<16xi32>
    %swap3A_461 = arith.constant 16 : index
    %swap3A_462 = tpu.vector_load %arg14[%swap3A_461] {strides = array<i32>} : memref<32xi32, #tpu.memory_space<vmem>>, vector<16xi32>,
    tpu.vector_store %arg14[%swap3A_461], %shift_left3A_460 {strides = array<i32>} : memref<32xi32, #tpu.memory_space<vmem>>, vector<16xi32>,
    %shift_right_logical3A_463 = arith.constant 2 : i32
    %shift_right_logical3A_464 = vector.broadcast %shift_right_logical3A_463 : i32 to vector<16xi32>
    %shift_right_logical3A_465 = arith.shrui %get3A_454, %shift_right_logical3A_464 : vector<16xi32>
    %swap3A_466 = arith.constant 16 : index
    %swap3A_467 = tpu.vector_load %arg13[%swap3A_466] {strides = array<i32>} : memref<32xi32, #tpu.memory_space<vmem>>, vector<16xi32>,
    tpu.vector_store %arg13[%swap3A_466], %shift_right_logical3A_465 {strides = array<i32>} : memref<32xi32, #tpu.memory_space<vmem>>, vector<16xi32>,
    %dma_start3A = arith.constant 0 : i32
    %dma_start3A_468 = arith.constant 0 : i32
    %dma_start3A_469 = arith.constant 0 : i32
    %dma_start3A_470 = tpu.memref_slice %arg12[%dma_start3A_468, %dma_start3A_469] : memref<640x128xf32, #tpu.memory_space<vmem>> -> memref<128x128xf32, #tpu.memory_space<vmem>>
    %dma_start3A_471 = arith.constant 0 : i32
    %dma_start3A_472 = tpu.memref_slice %arg11[%dma_start3A, %dma_start3A_471] : memref<5x128xi32, #tpu.memory_space<vmem>> -> memref<1x128xi32, #tpu.memory_space<vmem>>
    %dma_start3A_473 = tpu.memref_squeeze %dma_start3A_472 : memref<1x128xi32, #tpu.memory_space<vmem>> -> memref<128xi32, #tpu.memory_space<vmem>>
    %dma_start3A_474 = arith.constant 0 : i32
    %dma_start3A_475 = arith.constant 0 : i32
    %dma_start3A_476 = tpu.memref_slice %arg4[%dma_start3A_474, %dma_start3A_475] : memref<25000x128xf32, #tpu.memory_space<hbm>> -> memref<25000x128xf32, #tpu.memory_space<hbm>>
    tpu.enqueue_indirect_dma source(%dma_start3A_476 : memref<25000x128xf32, #tpu.memory_space<hbm>>) target(%dma_start3A_470 : memref<128x128xf32, #tpu.memory_space<vmem>>) offsets(%dma_start3A_473 : memref<128xi32, #tpu.memory_space<vmem>>) semaphore(%arg18 : memref<!tpu.dma_semaphore, #tpu.memory_space<semaphore_mem>>)
    %dma_start3A_477 = arith.constant 1 : i32
    %dma_start3A_478 = arith.constant 128 : i32
    %dma_start3A_479 = arith.constant 0 : i32
    %dma_start3A_480 = tpu.memref_slice %arg12[%dma_start3A_478, %dma_start3A_479] : memref<640x128xf32, #tpu.memory_space<vmem>> -> memref<128x128xf32, #tpu.memory_space<vmem>>
    %dma_start3A_481 = arith.constant 0 : i32
    %dma_start3A_482 = tpu.memref_slice %arg11[%dma_start3A_477, %dma_start3A_481] : memref<5x128xi32, #tpu.memory_space<vmem>> -> memref<1x128xi32, #tpu.memory_space<vmem>>
    %dma_start3A_483 = tpu.memref_squeeze %dma_start3A_482 : memref<1x128xi32, #tpu.memory_space<vmem>> -> memref<128xi32, #tpu.memory_space<vmem>>
    %dma_start3A_484 = arith.constant 0 : i32
    %dma_start3A_485 = arith.constant 0 : i32
    %dma_start3A_486 = tpu.memref_slice %arg4[%dma_start3A_484, %dma_start3A_485] : memref<25000x128xf32, #tpu.memory_space<hbm>> -> memref<25000x128xf32, #tpu.memory_space<hbm>>
    tpu.enqueue_indirect_dma source(%dma_start3A_486 : memref<25000x128xf32, #tpu.memory_space<hbm>>) target(%dma_start3A_480 : memref<128x128xf32, #tpu.memory_space<vmem>>) offsets(%dma_start3A_483 : memref<128xi32, #tpu.memory_space<vmem>>) semaphore(%arg18 : memref<!tpu.dma_semaphore, #tpu.memory_space<semaphore_mem>>)
    %dma_start3A_487 = arith.constant 2 : i32
    %dma_start3A_488 = arith.constant 256 : i32
    %dma_start3A_489 = arith.constant 0 : i32
    %dma_start3A_490 = tpu.memref_slice %arg12[%dma_start3A_488, %dma_start3A_489] : memref<640x128xf32, #tpu.memory_space<vmem>> -> memref<128x128xf32, #tpu.memory_space<vmem>>
    %dma_start3A_491 = arith.constant 0 : i32
    %dma_start3A_492 = tpu.memref_slice %arg11[%dma_start3A_487, %dma_start3A_491] : memref<5x128xi32, #tpu.memory_space<vmem>> -> memref<1x128xi32, #tpu.memory_space<vmem>>
    %dma_start3A_493 = tpu.memref_squeeze %dma_start3A_492 : memref<1x128xi32, #tpu.memory_space<vmem>> -> memref<128xi32, #tpu.memory_space<vmem>>
    %dma_start3A_494 = arith.constant 0 : i32
    %dma_start3A_495 = arith.constant 0 : i32
    %dma_start3A_496 = tpu.memref_slice %arg4[%dma_start3A_494, %dma_start3A_495] : memref<25000x128xf32, #tpu.memory_space<hbm>> -> memref<25000x128xf32, #tpu.memory_space<hbm>>
    tpu.enqueue_indirect_dma source(%dma_start3A_496 : memref<25000x128xf32, #tpu.memory_space<hbm>>) target(%dma_start3A_490 : memref<128x128xf32, #tpu.memory_space<vmem>>) offsets(%dma_start3A_493 : memref<128xi32, #tpu.memory_space<vmem>>) semaphore(%arg18 : memref<!tpu.dma_semaphore, #tpu.memory_space<semaphore_mem>>)
    %dma_start3A_497 = arith.constant 3 : i32
    %dma_start3A_498 = arith.constant 384 : i32
    %dma_start3A_499 = arith.constant 0 : i32
    %dma_start3A_500 = tpu.memref_slice %arg12[%dma_start3A_498, %dma_start3A_499] : memref<640x128xf32, #tpu.memory_space<vmem>> -> memref<128x128xf32, #tpu.memory_space<vmem>>
    %dma_start3A_501 = arith.constant 0 : i32
    %dma_start3A_502 = tpu.memref_slice %arg11[%dma_start3A_497, %dma_start3A_501] : memref<5x128xi32, #tpu.memory_space<vmem>> -> memref<1x128xi32, #tpu.memory_space<vmem>>
    %dma_start3A_503 = tpu.memref_squeeze %dma_start3A_502 : memref<1x128xi32, #tpu.memory_space<vmem>> -> memref<128xi32, #tpu.memory_space<vmem>>
    %dma_start3A_504 = arith.constant 0 : i32
    %dma_start3A_505 = arith.constant 0 : i32
    %dma_start3A_506 = tpu.memref_slice %arg4[%dma_start3A_504, %dma_start3A_505] : memref<25000x128xf32, #tpu.memory_space<hbm>> -> memref<25000x128xf32, #tpu.memory_space<hbm>>
    tpu.enqueue_indirect_dma source(%dma_start3A_506 : memref<25000x128xf32, #tpu.memory_space<hbm>>) target(%dma_start3A_500 : memref<128x128xf32, #tpu.memory_space<vmem>>) offsets(%dma_start3A_503 : memref<128xi32, #tpu.memory_space<vmem>>) semaphore(%arg18 : memref<!tpu.dma_semaphore, #tpu.memory_space<semaphore_mem>>)
    %dma_start3A_507 = arith.constant 4 : i32
    %dma_start3A_508 = arith.constant 512 : i32
    %dma_start3A_509 = arith.constant 0 : i32
    %dma_start3A_510 = tpu.memref_slice %arg12[%dma_start3A_508, %dma_start3A_509] : memref<640x128xf32, #tpu.memory_space<vmem>> -> memref<128x128xf32, #tpu.memory_space<vmem>>
    %dma_start3A_511 = arith.constant 0 : i32
    %dma_start3A_512 = tpu.memref_slice %arg11[%dma_start3A_507, %dma_start3A_511] : memref<5x128xi32, #tpu.memory_space<vmem>> -> memref<1x128xi32, #tpu.memory_space<vmem>>
    %dma_start3A_513 = tpu.memref_squeeze %dma_start3A_512 : memref<1x128xi32, #tpu.memory_space<vmem>> -> memref<128xi32, #tpu.memory_space<vmem>>
    %dma_start3A_514 = arith.constant 0 : i32
    %dma_start3A_515 = arith.constant 0 : i32
    %dma_start3A_516 = tpu.memref_slice %arg4[%dma_start3A_514, %dma_start3A_515] : memref<25000x128xf32, #tpu.memory_space<hbm>> -> memref<25000x128xf32, #tpu.memory_space<hbm>>
    tpu.enqueue_indirect_dma source(%dma_start3A_516 : memref<25000x128xf32, #tpu.memory_space<hbm>>) target(%dma_start3A_510 : memref<128x128xf32, #tpu.memory_space<vmem>>) offsets(%dma_start3A_513 : memref<128xi32, #tpu.memory_space<vmem>>) semaphore(%arg18 : memref<!tpu.dma_semaphore, #tpu.memory_space<semaphore_mem>>)
    %dma_start3A_517 = arith.constant 0 : i32
    %dma_start3A_518 = arith.constant 0 : i32
    %dma_start3A_519 = tpu.memref_slice %arg5[%dma_start3A_517, %dma_start3A_518] : memref<25000x128xf32, #tpu.memory_space<hbm>> -> memref<25000x128xf32, #tpu.memory_space<hbm>>
    tpu.enqueue_indirect_dma source(%dma_start3A_519 : memref<25000x128xf32, #tpu.memory_space<hbm>>) target(%arg15 : memref<32x128xf32, #tpu.memory_space<vmem>>) offsets(%arg13 : memref<32xi32, #tpu.memory_space<vmem>>) semaphore(%arg18 : memref<!tpu.dma_semaphore, #tpu.memory_space<semaphore_mem>>)
    %get3A_520 = arith.constant 0 : i32
    %get3A_521 = arith.index_cast %get3A_520 : i32 to index
    %get3A_522 = arith.constant 0 : index
    %get3A_523 = tpu.vector_load %arg8[%get3A_521, %get3A_522] {strides = array<i32>} : memref<5x128xi32, #tpu.memory_space<vmem>>, vector<16xi32>,
    %ne3A = arith.constant 0 : i32
    %ne3A_524 = vector.broadcast %ne3A : i32 to vector<16xi32>
    %ne3A_525 = arith.cmpi ne, %get3A_523, %ne3A_524 : vector<16xi32>
    %jit3A = arith.constant 1.000000e+00 : f32
    %jit3A_526 = arith.constant 0.000000e+00 : f32
    %broadcast_in_dim3A = vector.broadcast %jit3A : f32 to vector<16xf32>
    %broadcast_in_dim3A_527 = vector.broadcast %jit3A_526 : f32 to vector<16xf32>
    %select_n3A = arith.select %ne3A_525, %broadcast_in_dim3A, %broadcast_in_dim3A_527 : vector<16xi1>, vector<16xf32>
    %swap3A_528 = arith.constant 0 : index
    %swap3A_529 = tpu.vector_load %arg9[%swap3A_528] {strides = array<i32>} : memref<640xf32, #tpu.memory_space<vmem>>, vector<16xf32>,
    tpu.vector_store %arg9[%swap3A_528], %select_n3A {strides = array<i32>} : memref<640xf32, #tpu.memory_space<vmem>>, vector<16xf32>,
    %and3A_530 = arith.constant 3 : i32
    %and3A_531 = vector.broadcast %and3A_530 : i32 to vector<16xi32>
    %and3A_532 = arith.andi %get3A_523, %and3A_531 : vector<16xi32>
    %shift_left3A_533 = arith.constant 5 : i32
    %shift_left3A_534 = vector.broadcast %shift_left3A_533 : i32 to vector<16xi32>
    %shift_left3A_535 = arith.shli %and3A_532, %shift_left3A_534 : vector<16xi32>
    %swap3A_536 = arith.constant 0 : index
    %swap3A_537 = tpu.vector_load %arg10[%swap3A_536] {strides = array<i32>} : memref<640xi32, #tpu.memory_space<vmem>>, vector<16xi32>,
    tpu.vector_store %arg10[%swap3A_536], %shift_left3A_535 {strides = array<i32>} : memref<640xi32, #tpu.memory_space<vmem>>, vector<16xi32>,
    %get3A_538 = arith.constant 0 : i32
    %get3A_539 = arith.index_cast %get3A_538 : i32 to index
    %get3A_540 = arith.constant 16 : index
    %get3A_541 = tpu.vector_load %arg8[%get3A_539, %get3A_540] {strides = array<i32>} : memref<5x128xi32, #tpu.memory_space<vmem>>, vector<16xi32>,
    %ne3A_542 = arith.constant 0 : i32
    %ne3A_543 = vector.broadcast %ne3A_542 : i32 to vector<16xi32>
    %ne3A_544 = arith.cmpi ne, %get3A_541, %ne3A_543 : vector<16xi32>
    %jit3A_545 = arith.constant 1.000000e+00 : f32
    %jit3A_546 = arith.constant 0.000000e+00 : f32
    %broadcast_in_dim3A_547 = vector.broadcast %jit3A_545 : f32 to vector<16xf32>
    %broadcast_in_dim3A_548 = vector.broadcast %jit3A_546 : f32 to vector<16xf32>
    %select_n3A_549 = arith.select %ne3A_544, %broadcast_in_dim3A_547, %broadcast_in_dim3A_548 : vector<16xi1>, vector<16xf32>
    %swap3A_550 = arith.constant 16 : index
    %swap3A_551 = tpu.vector_load %arg9[%swap3A_550] {strides = array<i32>} : memref<640xf32, #tpu.memory_space<vmem>>, vector<16xf32>,
    tpu.vector_store %arg9[%swap3A_550], %select_n3A_549 {strides = array<i32>} : memref<640xf32, #tpu.memory_space<vmem>>, vector<16xf32>,
    %and3A_552 = arith.constant 3 : i32
    %and3A_553 = vector.broadcast %and3A_552 : i32 to vector<16xi32>
    %and3A_554 = arith.andi %get3A_541, %and3A_553 : vector<16xi32>
    %shift_left3A_555 = arith.constant 5 : i32
    %shift_left3A_556 = vector.broadcast %shift_left3A_555 : i32 to vector<16xi32>
    %shift_left3A_557 = arith.shli %and3A_554, %shift_left3A_556 : vector<16xi32>
    %swap3A_558 = arith.constant 16 : index
    %swap3A_559 = tpu.vector_load %arg10[%swap3A_558] {strides = array<i32>} : memref<640xi32, #tpu.memory_space<vmem>>, vector<16xi32>,
    tpu.vector_store %arg10[%swap3A_558], %shift_left3A_557 {strides = array<i32>} : memref<640xi32, #tpu.memory_space<vmem>>, vector<16xi32>,
    %get3A_560 = arith.constant 0 : i32
    %get3A_561 = arith.index_cast %get3A_560 : i32 to index
    %get3A_562 = arith.constant 32 : index
    %get3A_563 = tpu.vector_load %arg8[%get3A_561, %get3A_562] {strides = array<i32>} : memref<5x128xi32, #tpu.memory_space<vmem>>, vector<16xi32>,
    %ne3A_564 = arith.constant 0 : i32
    %ne3A_565 = vector.broadcast %ne3A_564 : i32 to vector<16xi32>
    %ne3A_566 = arith.cmpi ne, %get3A_563, %ne3A_565 : vector<16xi32>
    %jit3A_567 = arith.constant 1.000000e+00 : f32
    %jit3A_568 = arith.constant 0.000000e+00 : f32
    %broadcast_in_dim3A_569 = vector.broadcast %jit3A_567 : f32 to vector<16xf32>
    %broadcast_in_dim3A_570 = vector.broadcast %jit3A_568 : f32 to vector<16xf32>
    %select_n3A_571 = arith.select %ne3A_566, %broadcast_in_dim3A_569, %broadcast_in_dim3A_570 : vector<16xi1>, vector<16xf32>
    %swap3A_572 = arith.constant 32 : index
    %swap3A_573 = tpu.vector_load %arg9[%swap3A_572] {strides = array<i32>} : memref<640xf32, #tpu.memory_space<vmem>>, vector<16xf32>,
    tpu.vector_store %arg9[%swap3A_572], %select_n3A_571 {strides = array<i32>} : memref<640xf32, #tpu.memory_space<vmem>>, vector<16xf32>,
    %and3A_574 = arith.constant 3 : i32
    %and3A_575 = vector.broadcast %and3A_574 : i32 to vector<16xi32>
    %and3A_576 = arith.andi %get3A_563, %and3A_575 : vector<16xi32>
    %shift_left3A_577 = arith.constant 5 : i32
    %shift_left3A_578 = vector.broadcast %shift_left3A_577 : i32 to vector<16xi32>
    %shift_left3A_579 = arith.shli %and3A_576, %shift_left3A_578 : vector<16xi32>
    %swap3A_580 = arith.constant 32 : index
    %swap3A_581 = tpu.vector_load %arg10[%swap3A_580] {strides = array<i32>} : memref<640xi32, #tpu.memory_space<vmem>>, vector<16xi32>,
    tpu.vector_store %arg10[%swap3A_580], %shift_left3A_579 {strides = array<i32>} : memref<640xi32, #tpu.memory_space<vmem>>, vector<16xi32>,
    %get3A_582 = arith.constant 0 : i32
    %get3A_583 = arith.index_cast %get3A_582 : i32 to index
    %get3A_584 = arith.constant 48 : index
    %get3A_585 = tpu.vector_load %arg8[%get3A_583, %get3A_584] {strides = array<i32>} : memref<5x128xi32, #tpu.memory_space<vmem>>, vector<16xi32>,
    %ne3A_586 = arith.constant 0 : i32
    %ne3A_587 = vector.broadcast %ne3A_586 : i32 to vector<16xi32>
    %ne3A_588 = arith.cmpi ne, %get3A_585, %ne3A_587 : vector<16xi32>
    %jit3A_589 = arith.constant 1.000000e+00 : f32
    %jit3A_590 = arith.constant 0.000000e+00 : f32
    %broadcast_in_dim3A_591 = vector.broadcast %jit3A_589 : f32 to vector<16xf32>
    %broadcast_in_dim3A_592 = vector.broadcast %jit3A_590 : f32 to vector<16xf32>
    %select_n3A_593 = arith.select %ne3A_588, %broadcast_in_dim3A_591, %broadcast_in_dim3A_592 : vector<16xi1>, vector<16xf32>
    %swap3A_594 = arith.constant 48 : index
    %swap3A_595 = tpu.vector_load %arg9[%swap3A_594] {strides = array<i32>} : memref<640xf32, #tpu.memory_space<vmem>>, vector<16xf32>,
    tpu.vector_store %arg9[%swap3A_594], %select_n3A_593 {strides = array<i32>} : memref<640xf32, #tpu.memory_space<vmem>>, vector<16xf32>,
    %and3A_596 = arith.constant 3 : i32
    %and3A_597 = vector.broadcast %and3A_596 : i32 to vector<16xi32>
    %and3A_598 = arith.andi %get3A_585, %and3A_597 : vector<16xi32>
    %shift_left3A_599 = arith.constant 5 : i32
    %shift_left3A_600 = vector.broadcast %shift_left3A_599 : i32 to vector<16xi32>
    %shift_left3A_601 = arith.shli %and3A_598, %shift_left3A_600 : vector<16xi32>
    %swap3A_602 = arith.constant 48 : index
    %swap3A_603 = tpu.vector_load %arg10[%swap3A_602] {strides = array<i32>} : memref<640xi32, #tpu.memory_space<vmem>>, vector<16xi32>,
    tpu.vector_store %arg10[%swap3A_602], %shift_left3A_601 {strides = array<i32>} : memref<640xi32, #tpu.memory_space<vmem>>, vector<16xi32>,
    %get3A_604 = arith.constant 0 : i32
    %get3A_605 = arith.index_cast %get3A_604 : i32 to index
    %get3A_606 = arith.constant 64 : index
    %get3A_607 = tpu.vector_load %arg8[%get3A_605, %get3A_606] {strides = array<i32>} : memref<5x128xi32, #tpu.memory_space<vmem>>, vector<16xi32>,
    %ne3A_608 = arith.constant 0 : i32
    %ne3A_609 = vector.broadcast %ne3A_608 : i32 to vector<16xi32>
    %ne3A_610 = arith.cmpi ne, %get3A_607, %ne3A_609 : vector<16xi32>
    %jit3A_611 = arith.constant 1.000000e+00 : f32
    %jit3A_612 = arith.constant 0.000000e+00 : f32
    %broadcast_in_dim3A_613 = vector.broadcast %jit3A_611 : f32 to vector<16xf32>
    %broadcast_in_dim3A_614 = vector.broadcast %jit3A_612 : f32 to vector<16xf32>
    %select_n3A_615 = arith.select %ne3A_610, %broadcast_in_dim3A_613, %broadcast_in_dim3A_614 : vector<16xi1>, vector<16xf32>
    %swap3A_616 = arith.constant 64 : index
    %swap3A_617 = tpu.vector_load %arg9[%swap3A_616] {strides = array<i32>} : memref<640xf32, #tpu.memory_space<vmem>>, vector<16xf32>,
    tpu.vector_store %arg9[%swap3A_616], %select_n3A_615 {strides = array<i32>} : memref<640xf32, #tpu.memory_space<vmem>>, vector<16xf32>,
    %and3A_618 = arith.constant 3 : i32
    %and3A_619 = vector.broadcast %and3A_618 : i32 to vector<16xi32>
    %and3A_620 = arith.andi %get3A_607, %and3A_619 : vector<16xi32>
    %shift_left3A_621 = arith.constant 5 : i32
    %shift_left3A_622 = vector.broadcast %shift_left3A_621 : i32 to vector<16xi32>
    %shift_left3A_623 = arith.shli %and3A_620, %shift_left3A_622 : vector<16xi32>
    %swap3A_624 = arith.constant 64 : index
    %swap3A_625 = tpu.vector_load %arg10[%swap3A_624] {strides = array<i32>} : memref<640xi32, #tpu.memory_space<vmem>>, vector<16xi32>,
    tpu.vector_store %arg10[%swap3A_624], %shift_left3A_623 {strides = array<i32>} : memref<640xi32, #tpu.memory_space<vmem>>, vector<16xi32>,
    %get3A_626 = arith.constant 0 : i32
    %get3A_627 = arith.index_cast %get3A_626 : i32 to index
    %get3A_628 = arith.constant 80 : index
    %get3A_629 = tpu.vector_load %arg8[%get3A_627, %get3A_628] {strides = array<i32>} : memref<5x128xi32, #tpu.memory_space<vmem>>, vector<16xi32>,
    %ne3A_630 = arith.constant 0 : i32
    %ne3A_631 = vector.broadcast %ne3A_630 : i32 to vector<16xi32>
    %ne3A_632 = arith.cmpi ne, %get3A_629, %ne3A_631 : vector<16xi32>
    %jit3A_633 = arith.constant 1.000000e+00 : f32
    %jit3A_634 = arith.constant 0.000000e+00 : f32
    %broadcast_in_dim3A_635 = vector.broadcast %jit3A_633 : f32 to vector<16xf32>
    %broadcast_in_dim3A_636 = vector.broadcast %jit3A_634 : f32 to vector<16xf32>
    %select_n3A_637 = arith.select %ne3A_632, %broadcast_in_dim3A_635, %broadcast_in_dim3A_636 : vector<16xi1>, vector<16xf32>
    %swap3A_638 = arith.constant 80 : index
    %swap3A_639 = tpu.vector_load %arg9[%swap3A_638] {strides = array<i32>} : memref<640xf32, #tpu.memory_space<vmem>>, vector<16xf32>,
    tpu.vector_store %arg9[%swap3A_638], %select_n3A_637 {strides = array<i32>} : memref<640xf32, #tpu.memory_space<vmem>>, vector<16xf32>,
    %and3A_640 = arith.constant 3 : i32
    %and3A_641 = vector.broadcast %and3A_640 : i32 to vector<16xi32>
    %and3A_642 = arith.andi %get3A_629, %and3A_641 : vector<16xi32>
    %shift_left3A_643 = arith.constant 5 : i32
    %shift_left3A_644 = vector.broadcast %shift_left3A_643 : i32 to vector<16xi32>
    %shift_left3A_645 = arith.shli %and3A_642, %shift_left3A_644 : vector<16xi32>
    %swap3A_646 = arith.constant 80 : index
    %swap3A_647 = tpu.vector_load %arg10[%swap3A_646] {strides = array<i32>} : memref<640xi32, #tpu.memory_space<vmem>>, vector<16xi32>,
    tpu.vector_store %arg10[%swap3A_646], %shift_left3A_645 {strides = array<i32>} : memref<640xi32, #tpu.memory_space<vmem>>, vector<16xi32>,
    %get3A_648 = arith.constant 0 : i32
    %get3A_649 = arith.index_cast %get3A_648 : i32 to index
    %get3A_650 = arith.constant 96 : index
    %get3A_651 = tpu.vector_load %arg8[%get3A_649, %get3A_650] {strides = array<i32>} : memref<5x128xi32, #tpu.memory_space<vmem>>, vector<16xi32>,
    %ne3A_652 = arith.constant 0 : i32
    %ne3A_653 = vector.broadcast %ne3A_652 : i32 to vector<16xi32>
    %ne3A_654 = arith.cmpi ne, %get3A_651, %ne3A_653 : vector<16xi32>
    %jit3A_655 = arith.constant 1.000000e+00 : f32
    %jit3A_656 = arith.constant 0.000000e+00 : f32
    %broadcast_in_dim3A_657 = vector.broadcast %jit3A_655 : f32 to vector<16xf32>
    %broadcast_in_dim3A_658 = vector.broadcast %jit3A_656 : f32 to vector<16xf32>
    %select_n3A_659 = arith.select %ne3A_654, %broadcast_in_dim3A_657, %broadcast_in_dim3A_658 : vector<16xi1>, vector<16xf32>
    %swap3A_660 = arith.constant 96 : index
    %swap3A_661 = tpu.vector_load %arg9[%swap3A_660] {strides = array<i32>} : memref<640xf32, #tpu.memory_space<vmem>>, vector<16xf32>,
    tpu.vector_store %arg9[%swap3A_660], %select_n3A_659 {strides = array<i32>} : memref<640xf32, #tpu.memory_space<vmem>>, vector<16xf32>,
    %and3A_662 = arith.constant 3 : i32
    %and3A_663 = vector.broadcast %and3A_662 : i32 to vector<16xi32>
    %and3A_664 = arith.andi %get3A_651, %and3A_663 : vector<16xi32>
    %shift_left3A_665 = arith.constant 5 : i32
    %shift_left3A_666 = vector.broadcast %shift_left3A_665 : i32 to vector<16xi32>
    %shift_left3A_667 = arith.shli %and3A_664, %shift_left3A_666 : vector<16xi32>
    %swap3A_668 = arith.constant 96 : index
    %swap3A_669 = tpu.vector_load %arg10[%swap3A_668] {strides = array<i32>} : memref<640xi32, #tpu.memory_space<vmem>>, vector<16xi32>,
    tpu.vector_store %arg10[%swap3A_668], %shift_left3A_667 {strides = array<i32>} : memref<640xi32, #tpu.memory_space<vmem>>, vector<16xi32>,
    %get3A_670 = arith.constant 0 : i32
    %get3A_671 = arith.index_cast %get3A_670 : i32 to index
    %get3A_672 = arith.constant 112 : index
    %get3A_673 = tpu.vector_load %arg8[%get3A_671, %get3A_672] {strides = array<i32>} : memref<5x128xi32, #tpu.memory_space<vmem>>, vector<16xi32>,
    %ne3A_674 = arith.constant 0 : i32
    %ne3A_675 = vector.broadcast %ne3A_674 : i32 to vector<16xi32>
    %ne3A_676 = arith.cmpi ne, %get3A_673, %ne3A_675 : vector<16xi32>
    %jit3A_677 = arith.constant 1.000000e+00 : f32
    %jit3A_678 = arith.constant 0.000000e+00 : f32
    %broadcast_in_dim3A_679 = vector.broadcast %jit3A_677 : f32 to vector<16xf32>
    %broadcast_in_dim3A_680 = vector.broadcast %jit3A_678 : f32 to vector<16xf32>
    %select_n3A_681 = arith.select %ne3A_676, %broadcast_in_dim3A_679, %broadcast_in_dim3A_680 : vector<16xi1>, vector<16xf32>
    %swap3A_682 = arith.constant 112 : index
    %swap3A_683 = tpu.vector_load %arg9[%swap3A_682] {strides = array<i32>} : memref<640xf32, #tpu.memory_space<vmem>>, vector<16xf32>,
    tpu.vector_store %arg9[%swap3A_682], %select_n3A_681 {strides = array<i32>} : memref<640xf32, #tpu.memory_space<vmem>>, vector<16xf32>,
    %and3A_684 = arith.constant 3 : i32
    %and3A_685 = vector.broadcast %and3A_684 : i32 to vector<16xi32>
    %and3A_686 = arith.andi %get3A_673, %and3A_685 : vector<16xi32>
    %shift_left3A_687 = arith.constant 5 : i32
    %shift_left3A_688 = vector.broadcast %shift_left3A_687 : i32 to vector<16xi32>
    %shift_left3A_689 = arith.shli %and3A_686, %shift_left3A_688 : vector<16xi32>
    %swap3A_690 = arith.constant 112 : index
    %swap3A_691 = tpu.vector_load %arg10[%swap3A_690] {strides = array<i32>} : memref<640xi32, #tpu.memory_space<vmem>>, vector<16xi32>,
    tpu.vector_store %arg10[%swap3A_690], %shift_left3A_689 {strides = array<i32>} : memref<640xi32, #tpu.memory_space<vmem>>, vector<16xi32>,
    %get3A_692 = arith.constant 1 : i32
    %get3A_693 = arith.index_cast %get3A_692 : i32 to index
    %get3A_694 = arith.constant 0 : index
    %get3A_695 = tpu.vector_load %arg8[%get3A_693, %get3A_694] {strides = array<i32>} : memref<5x128xi32, #tpu.memory_space<vmem>>, vector<16xi32>,
    %ne3A_696 = arith.constant 0 : i32
    %ne3A_697 = vector.broadcast %ne3A_696 : i32 to vector<16xi32>
    %ne3A_698 = arith.cmpi ne, %get3A_695, %ne3A_697 : vector<16xi32>
    %jit3A_699 = arith.constant 1.000000e+00 : f32
    %jit3A_700 = arith.constant 0.000000e+00 : f32
    %broadcast_in_dim3A_701 = vector.broadcast %jit3A_699 : f32 to vector<16xf32>
    %broadcast_in_dim3A_702 = vector.broadcast %jit3A_700 : f32 to vector<16xf32>
    %select_n3A_703 = arith.select %ne3A_698, %broadcast_in_dim3A_701, %broadcast_in_dim3A_702 : vector<16xi1>, vector<16xf32>
    %swap3A_704 = arith.constant 128 : index
    %swap3A_705 = tpu.vector_load %arg9[%swap3A_704] {strides = array<i32>} : memref<640xf32, #tpu.memory_space<vmem>>, vector<16xf32>,
    tpu.vector_store %arg9[%swap3A_704], %select_n3A_703 {strides = array<i32>} : memref<640xf32, #tpu.memory_space<vmem>>, vector<16xf32>,
    %and3A_706 = arith.constant 3 : i32
    %and3A_707 = vector.broadcast %and3A_706 : i32 to vector<16xi32>
    %and3A_708 = arith.andi %get3A_695, %and3A_707 : vector<16xi32>
    %shift_left3A_709 = arith.constant 5 : i32
    %shift_left3A_710 = vector.broadcast %shift_left3A_709 : i32 to vector<16xi32>
    %shift_left3A_711 = arith.shli %and3A_708, %shift_left3A_710 : vector<16xi32>
    %swap3A_712 = arith.constant 128 : index
    %swap3A_713 = tpu.vector_load %arg10[%swap3A_712] {strides = array<i32>} : memref<640xi32, #tpu.memory_space<vmem>>, vector<16xi32>,
    tpu.vector_store %arg10[%swap3A_712], %shift_left3A_711 {strides = array<i32>} : memref<640xi32, #tpu.memory_space<vmem>>, vector<16xi32>,
    %get3A_714 = arith.constant 1 : i32
    %get3A_715 = arith.index_cast %get3A_714 : i32 to index
    %get3A_716 = arith.constant 16 : index
    %get3A_717 = tpu.vector_load %arg8[%get3A_715, %get3A_716] {strides = array<i32>} : memref<5x128xi32, #tpu.memory_space<vmem>>, vector<16xi32>,
    %ne3A_718 = arith.constant 0 : i32
    %ne3A_719 = vector.broadcast %ne3A_718 : i32 to vector<16xi32>
    %ne3A_720 = arith.cmpi ne, %get3A_717, %ne3A_719 : vector<16xi32>
    %jit3A_721 = arith.constant 1.000000e+00 : f32
    %jit3A_722 = arith.constant 0.000000e+00 : f32
    %broadcast_in_dim3A_723 = vector.broadcast %jit3A_721 : f32 to vector<16xf32>
    %broadcast_in_dim3A_724 = vector.broadcast %jit3A_722 : f32 to vector<16xf32>
    %select_n3A_725 = arith.select %ne3A_720, %broadcast_in_dim3A_723, %broadcast_in_dim3A_724 : vector<16xi1>, vector<16xf32>
    %swap3A_726 = arith.constant 144 : index
    %swap3A_727 = tpu.vector_load %arg9[%swap3A_726] {strides = array<i32>} : memref<640xf32, #tpu.memory_space<vmem>>, vector<16xf32>,
    tpu.vector_store %arg9[%swap3A_726], %select_n3A_725 {strides = array<i32>} : memref<640xf32, #tpu.memory_space<vmem>>, vector<16xf32>,
    %and3A_728 = arith.constant 3 : i32
    %and3A_729 = vector.broadcast %and3A_728 : i32 to vector<16xi32>
    %and3A_730 = arith.andi %get3A_717, %and3A_729 : vector<16xi32>
    %shift_left3A_731 = arith.constant 5 : i32
    %shift_left3A_732 = vector.broadcast %shift_left3A_731 : i32 to vector<16xi32>
    %shift_left3A_733 = arith.shli %and3A_730, %shift_left3A_732 : vector<16xi32>
    %swap3A_734 = arith.constant 144 : index
    %swap3A_735 = tpu.vector_load %arg10[%swap3A_734] {strides = array<i32>} : memref<640xi32, #tpu.memory_space<vmem>>, vector<16xi32>,
    tpu.vector_store %arg10[%swap3A_734], %shift_left3A_733 {strides = array<i32>} : memref<640xi32, #tpu.memory_space<vmem>>, vector<16xi32>,
    %get3A_736 = arith.constant 1 : i32
    %get3A_737 = arith.index_cast %get3A_736 : i32 to index
    %get3A_738 = arith.constant 32 : index
    %get3A_739 = tpu.vector_load %arg8[%get3A_737, %get3A_738] {strides = array<i32>} : memref<5x128xi32, #tpu.memory_space<vmem>>, vector<16xi32>,
    %ne3A_740 = arith.constant 0 : i32
    %ne3A_741 = vector.broadcast %ne3A_740 : i32 to vector<16xi32>
    %ne3A_742 = arith.cmpi ne, %get3A_739, %ne3A_741 : vector<16xi32>
    %jit3A_743 = arith.constant 1.000000e+00 : f32
    %jit3A_744 = arith.constant 0.000000e+00 : f32
    %broadcast_in_dim3A_745 = vector.broadcast %jit3A_743 : f32 to vector<16xf32>
    %broadcast_in_dim3A_746 = vector.broadcast %jit3A_744 : f32 to vector<16xf32>
    %select_n3A_747 = arith.select %ne3A_742, %broadcast_in_dim3A_745, %broadcast_in_dim3A_746 : vector<16xi1>, vector<16xf32>
    %swap3A_748 = arith.constant 160 : index
    %swap3A_749 = tpu.vector_load %arg9[%swap3A_748] {strides = array<i32>} : memref<640xf32, #tpu.memory_space<vmem>>, vector<16xf32>,
    tpu.vector_store %arg9[%swap3A_748], %select_n3A_747 {strides = array<i32>} : memref<640xf32, #tpu.memory_space<vmem>>, vector<16xf32>,
    %and3A_750 = arith.constant 3 : i32
    %and3A_751 = vector.broadcast %and3A_750 : i32 to vector<16xi32>
    %and3A_752 = arith.andi %get3A_739, %and3A_751 : vector<16xi32>
    %shift_left3A_753 = arith.constant 5 : i32
    %shift_left3A_754 = vector.broadcast %shift_left3A_753 : i32 to vector<16xi32>
    %shift_left3A_755 = arith.shli %and3A_752, %shift_left3A_754 : vector<16xi32>
    %swap3A_756 = arith.constant 160 : index
    %swap3A_757 = tpu.vector_load %arg10[%swap3A_756] {strides = array<i32>} : memref<640xi32, #tpu.memory_space<vmem>>, vector<16xi32>,
    tpu.vector_store %arg10[%swap3A_756], %shift_left3A_755 {strides = array<i32>} : memref<640xi32, #tpu.memory_space<vmem>>, vector<16xi32>,
    %get3A_758 = arith.constant 1 : i32
    %get3A_759 = arith.index_cast %get3A_758 : i32 to index
    %get3A_760 = arith.constant 48 : index
    %get3A_761 = tpu.vector_load %arg8[%get3A_759, %get3A_760] {strides = array<i32>} : memref<5x128xi32, #tpu.memory_space<vmem>>, vector<16xi32>,
    %ne3A_762 = arith.constant 0 : i32
    %ne3A_763 = vector.broadcast %ne3A_762 : i32 to vector<16xi32>
    %ne3A_764 = arith.cmpi ne, %get3A_761, %ne3A_763 : vector<16xi32>
    %jit3A_765 = arith.constant 1.000000e+00 : f32
    %jit3A_766 = arith.constant 0.000000e+00 : f32
    %broadcast_in_dim3A_767 = vector.broadcast %jit3A_765 : f32 to vector<16xf32>
    %broadcast_in_dim3A_768 = vector.broadcast %jit3A_766 : f32 to vector<16xf32>
    %select_n3A_769 = arith.select %ne3A_764, %broadcast_in_dim3A_767, %broadcast_in_dim3A_768 : vector<16xi1>, vector<16xf32>
    %swap3A_770 = arith.constant 176 : index
    %swap3A_771 = tpu.vector_load %arg9[%swap3A_770] {strides = array<i32>} : memref<640xf32, #tpu.memory_space<vmem>>, vector<16xf32>,
    tpu.vector_store %arg9[%swap3A_770], %select_n3A_769 {strides = array<i32>} : memref<640xf32, #tpu.memory_space<vmem>>, vector<16xf32>,
    %and3A_772 = arith.constant 3 : i32
    %and3A_773 = vector.broadcast %and3A_772 : i32 to vector<16xi32>
    %and3A_774 = arith.andi %get3A_761, %and3A_773 : vector<16xi32>
    %shift_left3A_775 = arith.constant 5 : i32
    %shift_left3A_776 = vector.broadcast %shift_left3A_775 : i32 to vector<16xi32>
    %shift_left3A_777 = arith.shli %and3A_774, %shift_left3A_776 : vector<16xi32>
    %swap3A_778 = arith.constant 176 : index
    %swap3A_779 = tpu.vector_load %arg10[%swap3A_778] {strides = array<i32>} : memref<640xi32, #tpu.memory_space<vmem>>, vector<16xi32>,
    tpu.vector_store %arg10[%swap3A_778], %shift_left3A_777 {strides = array<i32>} : memref<640xi32, #tpu.memory_space<vmem>>, vector<16xi32>,
    %get3A_780 = arith.constant 1 : i32
    %get3A_781 = arith.index_cast %get3A_780 : i32 to index
    %get3A_782 = arith.constant 64 : index
    %get3A_783 = tpu.vector_load %arg8[%get3A_781, %get3A_782] {strides = array<i32>} : memref<5x128xi32, #tpu.memory_space<vmem>>, vector<16xi32>,
    %ne3A_784 = arith.constant 0 : i32
    %ne3A_785 = vector.broadcast %ne3A_784 : i32 to vector<16xi32>
    %ne3A_786 = arith.cmpi ne, %get3A_783, %ne3A_785 : vector<16xi32>
    %jit3A_787 = arith.constant 1.000000e+00 : f32
    %jit3A_788 = arith.constant 0.000000e+00 : f32
    %broadcast_in_dim3A_789 = vector.broadcast %jit3A_787 : f32 to vector<16xf32>
    %broadcast_in_dim3A_790 = vector.broadcast %jit3A_788 : f32 to vector<16xf32>
    %select_n3A_791 = arith.select %ne3A_786, %broadcast_in_dim3A_789, %broadcast_in_dim3A_790 : vector<16xi1>, vector<16xf32>
    %swap3A_792 = arith.constant 192 : index
    %swap3A_793 = tpu.vector_load %arg9[%swap3A_792] {strides = array<i32>} : memref<640xf32, #tpu.memory_space<vmem>>, vector<16xf32>,
    tpu.vector_store %arg9[%swap3A_792], %select_n3A_791 {strides = array<i32>} : memref<640xf32, #tpu.memory_space<vmem>>, vector<16xf32>,
    %and3A_794 = arith.constant 3 : i32
    %and3A_795 = vector.broadcast %and3A_794 : i32 to vector<16xi32>
    %and3A_796 = arith.andi %get3A_783, %and3A_795 : vector<16xi32>
    %shift_left3A_797 = arith.constant 5 : i32
    %shift_left3A_798 = vector.broadcast %shift_left3A_797 : i32 to vector<16xi32>
    %shift_left3A_799 = arith.shli %and3A_796, %shift_left3A_798 : vector<16xi32>
    %swap3A_800 = arith.constant 192 : index
    %swap3A_801 = tpu.vector_load %arg10[%swap3A_800] {strides = array<i32>} : memref<640xi32, #tpu.memory_space<vmem>>, vector<16xi32>,
    tpu.vector_store %arg10[%swap3A_800], %shift_left3A_799 {strides = array<i32>} : memref<640xi32, #tpu.memory_space<vmem>>, vector<16xi32>,
    %get3A_802 = arith.constant 1 : i32
    %get3A_803 = arith.index_cast %get3A_802 : i32 to index
    %get3A_804 = arith.constant 80 : index
    %get3A_805 = tpu.vector_load %arg8[%get3A_803, %get3A_804] {strides = array<i32>} : memref<5x128xi32, #tpu.memory_space<vmem>>, vector<16xi32>,
    %ne3A_806 = arith.constant 0 : i32
    %ne3A_807 = vector.broadcast %ne3A_806 : i32 to vector<16xi32>
    %ne3A_808 = arith.cmpi ne, %get3A_805, %ne3A_807 : vector<16xi32>
    %jit3A_809 = arith.constant 1.000000e+00 : f32
    %jit3A_810 = arith.constant 0.000000e+00 : f32
    %broadcast_in_dim3A_811 = vector.broadcast %jit3A_809 : f32 to vector<16xf32>
    %broadcast_in_dim3A_812 = vector.broadcast %jit3A_810 : f32 to vector<16xf32>
    %select_n3A_813 = arith.select %ne3A_808, %broadcast_in_dim3A_811, %broadcast_in_dim3A_812 : vector<16xi1>, vector<16xf32>
    %swap3A_814 = arith.constant 208 : index
    %swap3A_815 = tpu.vector_load %arg9[%swap3A_814] {strides = array<i32>} : memref<640xf32, #tpu.memory_space<vmem>>, vector<16xf32>,
    tpu.vector_store %arg9[%swap3A_814], %select_n3A_813 {strides = array<i32>} : memref<640xf32, #tpu.memory_space<vmem>>, vector<16xf32>,
    %and3A_816 = arith.constant 3 : i32
    %and3A_817 = vector.broadcast %and3A_816 : i32 to vector<16xi32>
    %and3A_818 = arith.andi %get3A_805, %and3A_817 : vector<16xi32>
    %shift_left3A_819 = arith.constant 5 : i32
    %shift_left3A_820 = vector.broadcast %shift_left3A_819 : i32 to vector<16xi32>
    %shift_left3A_821 = arith.shli %and3A_818, %shift_left3A_820 : vector<16xi32>
    %swap3A_822 = arith.constant 208 : index
    %swap3A_823 = tpu.vector_load %arg10[%swap3A_822] {strides = array<i32>} : memref<640xi32, #tpu.memory_space<vmem>>, vector<16xi32>,
    tpu.vector_store %arg10[%swap3A_822], %shift_left3A_821 {strides = array<i32>} : memref<640xi32, #tpu.memory_space<vmem>>, vector<16xi32>,
    %get3A_824 = arith.constant 1 : i32
    %get3A_825 = arith.index_cast %get3A_824 : i32 to index
    %get3A_826 = arith.constant 96 : index
    %get3A_827 = tpu.vector_load %arg8[%get3A_825, %get3A_826] {strides = array<i32>} : memref<5x128xi32, #tpu.memory_space<vmem>>, vector<16xi32>,
    %ne3A_828 = arith.constant 0 : i32
    %ne3A_829 = vector.broadcast %ne3A_828 : i32 to vector<16xi32>
    %ne3A_830 = arith.cmpi ne, %get3A_827, %ne3A_829 : vector<16xi32>
    %jit3A_831 = arith.constant 1.000000e+00 : f32
    %jit3A_832 = arith.constant 0.000000e+00 : f32
    %broadcast_in_dim3A_833 = vector.broadcast %jit3A_831 : f32 to vector<16xf32>
    %broadcast_in_dim3A_834 = vector.broadcast %jit3A_832 : f32 to vector<16xf32>
    %select_n3A_835 = arith.select %ne3A_830, %broadcast_in_dim3A_833, %broadcast_in_dim3A_834 : vector<16xi1>, vector<16xf32>
    %swap3A_836 = arith.constant 224 : index
    %swap3A_837 = tpu.vector_load %arg9[%swap3A_836] {strides = array<i32>} : memref<640xf32, #tpu.memory_space<vmem>>, vector<16xf32>,
    tpu.vector_store %arg9[%swap3A_836], %select_n3A_835 {strides = array<i32>} : memref<640xf32, #tpu.memory_space<vmem>>, vector<16xf32>,
    %and3A_838 = arith.constant 3 : i32
    %and3A_839 = vector.broadcast %and3A_838 : i32 to vector<16xi32>
    %and3A_840 = arith.andi %get3A_827, %and3A_839 : vector<16xi32>
    %shift_left3A_841 = arith.constant 5 : i32
    %shift_left3A_842 = vector.broadcast %shift_left3A_841 : i32 to vector<16xi32>
    %shift_left3A_843 = arith.shli %and3A_840, %shift_left3A_842 : vector<16xi32>
    %swap3A_844 = arith.constant 224 : index
    %swap3A_845 = tpu.vector_load %arg10[%swap3A_844] {strides = array<i32>} : memref<640xi32, #tpu.memory_space<vmem>>, vector<16xi32>,
    tpu.vector_store %arg10[%swap3A_844], %shift_left3A_843 {strides = array<i32>} : memref<640xi32, #tpu.memory_space<vmem>>, vector<16xi32>,
    %get3A_846 = arith.constant 1 : i32
    %get3A_847 = arith.index_cast %get3A_846 : i32 to index
    %get3A_848 = arith.constant 112 : index
    %get3A_849 = tpu.vector_load %arg8[%get3A_847, %get3A_848] {strides = array<i32>} : memref<5x128xi32, #tpu.memory_space<vmem>>, vector<16xi32>,
    %ne3A_850 = arith.constant 0 : i32
    %ne3A_851 = vector.broadcast %ne3A_850 : i32 to vector<16xi32>
    %ne3A_852 = arith.cmpi ne, %get3A_849, %ne3A_851 : vector<16xi32>
    %jit3A_853 = arith.constant 1.000000e+00 : f32
    %jit3A_854 = arith.constant 0.000000e+00 : f32
    %broadcast_in_dim3A_855 = vector.broadcast %jit3A_853 : f32 to vector<16xf32>
    %broadcast_in_dim3A_856 = vector.broadcast %jit3A_854 : f32 to vector<16xf32>
    %select_n3A_857 = arith.select %ne3A_852, %broadcast_in_dim3A_855, %broadcast_in_dim3A_856 : vector<16xi1>, vector<16xf32>
    %swap3A_858 = arith.constant 240 : index
    %swap3A_859 = tpu.vector_load %arg9[%swap3A_858] {strides = array<i32>} : memref<640xf32, #tpu.memory_space<vmem>>, vector<16xf32>,
    tpu.vector_store %arg9[%swap3A_858], %select_n3A_857 {strides = array<i32>} : memref<640xf32, #tpu.memory_space<vmem>>, vector<16xf32>,
    %and3A_860 = arith.constant 3 : i32
    %and3A_861 = vector.broadcast %and3A_860 : i32 to vector<16xi32>
    %and3A_862 = arith.andi %get3A_849, %and3A_861 : vector<16xi32>
    %shift_left3A_863 = arith.constant 5 : i32
    %shift_left3A_864 = vector.broadcast %shift_left3A_863 : i32 to vector<16xi32>
    %shift_left3A_865 = arith.shli %and3A_862, %shift_left3A_864 : vector<16xi32>
    %swap3A_866 = arith.constant 240 : index
    %swap3A_867 = tpu.vector_load %arg10[%swap3A_866] {strides = array<i32>} : memref<640xi32, #tpu.memory_space<vmem>>, vector<16xi32>,
    tpu.vector_store %arg10[%swap3A_866], %shift_left3A_865 {strides = array<i32>} : memref<640xi32, #tpu.memory_space<vmem>>, vector<16xi32>,
    %get3A_868 = arith.constant 2 : i32
    %get3A_869 = arith.index_cast %get3A_868 : i32 to index
    %get3A_870 = arith.constant 0 : index
    %get3A_871 = tpu.vector_load %arg8[%get3A_869, %get3A_870] {strides = array<i32>} : memref<5x128xi32, #tpu.memory_space<vmem>>, vector<16xi32>,
    %ne3A_872 = arith.constant 0 : i32
    %ne3A_873 = vector.broadcast %ne3A_872 : i32 to vector<16xi32>
    %ne3A_874 = arith.cmpi ne, %get3A_871, %ne3A_873 : vector<16xi32>
    %jit3A_875 = arith.constant 1.000000e+00 : f32
    %jit3A_876 = arith.constant 0.000000e+00 : f32
    %broadcast_in_dim3A_877 = vector.broadcast %jit3A_875 : f32 to vector<16xf32>
    %broadcast_in_dim3A_878 = vector.broadcast %jit3A_876 : f32 to vector<16xf32>
    %select_n3A_879 = arith.select %ne3A_874, %broadcast_in_dim3A_877, %broadcast_in_dim3A_878 : vector<16xi1>, vector<16xf32>
    %swap3A_880 = arith.constant 256 : index
    %swap3A_881 = tpu.vector_load %arg9[%swap3A_880] {strides = array<i32>} : memref<640xf32, #tpu.memory_space<vmem>>, vector<16xf32>,
    tpu.vector_store %arg9[%swap3A_880], %select_n3A_879 {strides = array<i32>} : memref<640xf32, #tpu.memory_space<vmem>>, vector<16xf32>,
    %and3A_882 = arith.constant 3 : i32
    %and3A_883 = vector.broadcast %and3A_882 : i32 to vector<16xi32>
    %and3A_884 = arith.andi %get3A_871, %and3A_883 : vector<16xi32>
    %shift_left3A_885 = arith.constant 5 : i32
    %shift_left3A_886 = vector.broadcast %shift_left3A_885 : i32 to vector<16xi32>
    %shift_left3A_887 = arith.shli %and3A_884, %shift_left3A_886 : vector<16xi32>
    %swap3A_888 = arith.constant 256 : index
    %swap3A_889 = tpu.vector_load %arg10[%swap3A_888] {strides = array<i32>} : memref<640xi32, #tpu.memory_space<vmem>>, vector<16xi32>,
    tpu.vector_store %arg10[%swap3A_888], %shift_left3A_887 {strides = array<i32>} : memref<640xi32, #tpu.memory_space<vmem>>, vector<16xi32>,
    %get3A_890 = arith.constant 2 : i32
    %get3A_891 = arith.index_cast %get3A_890 : i32 to index
    %get3A_892 = arith.constant 16 : index
    %get3A_893 = tpu.vector_load %arg8[%get3A_891, %get3A_892] {strides = array<i32>} : memref<5x128xi32, #tpu.memory_space<vmem>>, vector<16xi32>,
    %ne3A_894 = arith.constant 0 : i32
    %ne3A_895 = vector.broadcast %ne3A_894 : i32 to vector<16xi32>
    %ne3A_896 = arith.cmpi ne, %get3A_893, %ne3A_895 : vector<16xi32>
    %jit3A_897 = arith.constant 1.000000e+00 : f32
    %jit3A_898 = arith.constant 0.000000e+00 : f32
    %broadcast_in_dim3A_899 = vector.broadcast %jit3A_897 : f32 to vector<16xf32>
    %broadcast_in_dim3A_900 = vector.broadcast %jit3A_898 : f32 to vector<16xf32>
    %select_n3A_901 = arith.select %ne3A_896, %broadcast_in_dim3A_899, %broadcast_in_dim3A_900 : vector<16xi1>, vector<16xf32>
    %swap3A_902 = arith.constant 272 : index
    %swap3A_903 = tpu.vector_load %arg9[%swap3A_902] {strides = array<i32>} : memref<640xf32, #tpu.memory_space<vmem>>, vector<16xf32>,
    tpu.vector_store %arg9[%swap3A_902], %select_n3A_901 {strides = array<i32>} : memref<640xf32, #tpu.memory_space<vmem>>, vector<16xf32>,
    %and3A_904 = arith.constant 3 : i32
    %and3A_905 = vector.broadcast %and3A_904 : i32 to vector<16xi32>
    %and3A_906 = arith.andi %get3A_893, %and3A_905 : vector<16xi32>
    %shift_left3A_907 = arith.constant 5 : i32
    %shift_left3A_908 = vector.broadcast %shift_left3A_907 : i32 to vector<16xi32>
    %shift_left3A_909 = arith.shli %and3A_906, %shift_left3A_908 : vector<16xi32>
    %swap3A_910 = arith.constant 272 : index
    %swap3A_911 = tpu.vector_load %arg10[%swap3A_910] {strides = array<i32>} : memref<640xi32, #tpu.memory_space<vmem>>, vector<16xi32>,
    tpu.vector_store %arg10[%swap3A_910], %shift_left3A_909 {strides = array<i32>} : memref<640xi32, #tpu.memory_space<vmem>>, vector<16xi32>,
    %get3A_912 = arith.constant 2 : i32
    %get3A_913 = arith.index_cast %get3A_912 : i32 to index
    %get3A_914 = arith.constant 32 : index
    %get3A_915 = tpu.vector_load %arg8[%get3A_913, %get3A_914] {strides = array<i32>} : memref<5x128xi32, #tpu.memory_space<vmem>>, vector<16xi32>,
    %ne3A_916 = arith.constant 0 : i32
    %ne3A_917 = vector.broadcast %ne3A_916 : i32 to vector<16xi32>
    %ne3A_918 = arith.cmpi ne, %get3A_915, %ne3A_917 : vector<16xi32>
    %jit3A_919 = arith.constant 1.000000e+00 : f32
    %jit3A_920 = arith.constant 0.000000e+00 : f32
    %broadcast_in_dim3A_921 = vector.broadcast %jit3A_919 : f32 to vector<16xf32>
    %broadcast_in_dim3A_922 = vector.broadcast %jit3A_920 : f32 to vector<16xf32>
    %select_n3A_923 = arith.select %ne3A_918, %broadcast_in_dim3A_921, %broadcast_in_dim3A_922 : vector<16xi1>, vector<16xf32>
    %swap3A_924 = arith.constant 288 : index
    %swap3A_925 = tpu.vector_load %arg9[%swap3A_924] {strides = array<i32>} : memref<640xf32, #tpu.memory_space<vmem>>, vector<16xf32>,
    tpu.vector_store %arg9[%swap3A_924], %select_n3A_923 {strides = array<i32>} : memref<640xf32, #tpu.memory_space<vmem>>, vector<16xf32>,
    %and3A_926 = arith.constant 3 : i32
    %and3A_927 = vector.broadcast %and3A_926 : i32 to vector<16xi32>
    %and3A_928 = arith.andi %get3A_915, %and3A_927 : vector<16xi32>
    %shift_left3A_929 = arith.constant 5 : i32
    %shift_left3A_930 = vector.broadcast %shift_left3A_929 : i32 to vector<16xi32>
    %shift_left3A_931 = arith.shli %and3A_928, %shift_left3A_930 : vector<16xi32>
    %swap3A_932 = arith.constant 288 : index
    %swap3A_933 = tpu.vector_load %arg10[%swap3A_932] {strides = array<i32>} : memref<640xi32, #tpu.memory_space<vmem>>, vector<16xi32>,
    tpu.vector_store %arg10[%swap3A_932], %shift_left3A_931 {strides = array<i32>} : memref<640xi32, #tpu.memory_space<vmem>>, vector<16xi32>,
    %get3A_934 = arith.constant 2 : i32
    %get3A_935 = arith.index_cast %get3A_934 : i32 to index
    %get3A_936 = arith.constant 48 : index
    %get3A_937 = tpu.vector_load %arg8[%get3A_935, %get3A_936] {strides = array<i32>} : memref<5x128xi32, #tpu.memory_space<vmem>>, vector<16xi32>,
    %ne3A_938 = arith.constant 0 : i32
    %ne3A_939 = vector.broadcast %ne3A_938 : i32 to vector<16xi32>
    %ne3A_940 = arith.cmpi ne, %get3A_937, %ne3A_939 : vector<16xi32>
    %jit3A_941 = arith.constant 1.000000e+00 : f32
    %jit3A_942 = arith.constant 0.000000e+00 : f32
    %broadcast_in_dim3A_943 = vector.broadcast %jit3A_941 : f32 to vector<16xf32>
    %broadcast_in_dim3A_944 = vector.broadcast %jit3A_942 : f32 to vector<16xf32>
    %select_n3A_945 = arith.select %ne3A_940, %broadcast_in_dim3A_943, %broadcast_in_dim3A_944 : vector<16xi1>, vector<16xf32>
    %swap3A_946 = arith.constant 304 : index
    %swap3A_947 = tpu.vector_load %arg9[%swap3A_946] {strides = array<i32>} : memref<640xf32, #tpu.memory_space<vmem>>, vector<16xf32>,
    tpu.vector_store %arg9[%swap3A_946], %select_n3A_945 {strides = array<i32>} : memref<640xf32, #tpu.memory_space<vmem>>, vector<16xf32>,
    %and3A_948 = arith.constant 3 : i32
    %and3A_949 = vector.broadcast %and3A_948 : i32 to vector<16xi32>
    %and3A_950 = arith.andi %get3A_937, %and3A_949 : vector<16xi32>
    %shift_left3A_951 = arith.constant 5 : i32
    %shift_left3A_952 = vector.broadcast %shift_left3A_951 : i32 to vector<16xi32>
    %shift_left3A_953 = arith.shli %and3A_950, %shift_left3A_952 : vector<16xi32>
    %swap3A_954 = arith.constant 304 : index
    %swap3A_955 = tpu.vector_load %arg10[%swap3A_954] {strides = array<i32>} : memref<640xi32, #tpu.memory_space<vmem>>, vector<16xi32>,
    tpu.vector_store %arg10[%swap3A_954], %shift_left3A_953 {strides = array<i32>} : memref<640xi32, #tpu.memory_space<vmem>>, vector<16xi32>,
    %get3A_956 = arith.constant 2 : i32
    %get3A_957 = arith.index_cast %get3A_956 : i32 to index
    %get3A_958 = arith.constant 64 : index
    %get3A_959 = tpu.vector_load %arg8[%get3A_957, %get3A_958] {strides = array<i32>} : memref<5x128xi32, #tpu.memory_space<vmem>>, vector<16xi32>,
    %ne3A_960 = arith.constant 0 : i32
    %ne3A_961 = vector.broadcast %ne3A_960 : i32 to vector<16xi32>
    %ne3A_962 = arith.cmpi ne, %get3A_959, %ne3A_961 : vector<16xi32>
    %jit3A_963 = arith.constant 1.000000e+00 : f32
    %jit3A_964 = arith.constant 0.000000e+00 : f32
    %broadcast_in_dim3A_965 = vector.broadcast %jit3A_963 : f32 to vector<16xf32>
    %broadcast_in_dim3A_966 = vector.broadcast %jit3A_964 : f32 to vector<16xf32>
    %select_n3A_967 = arith.select %ne3A_962, %broadcast_in_dim3A_965, %broadcast_in_dim3A_966 : vector<16xi1>, vector<16xf32>
    %swap3A_968 = arith.constant 320 : index
    %swap3A_969 = tpu.vector_load %arg9[%swap3A_968] {strides = array<i32>} : memref<640xf32, #tpu.memory_space<vmem>>, vector<16xf32>,
    tpu.vector_store %arg9[%swap3A_968], %select_n3A_967 {strides = array<i32>} : memref<640xf32, #tpu.memory_space<vmem>>, vector<16xf32>,
    %and3A_970 = arith.constant 3 : i32
    %and3A_971 = vector.broadcast %and3A_970 : i32 to vector<16xi32>
    %and3A_972 = arith.andi %get3A_959, %and3A_971 : vector<16xi32>
    %shift_left3A_973 = arith.constant 5 : i32
    %shift_left3A_974 = vector.broadcast %shift_left3A_973 : i32 to vector<16xi32>
    %shift_left3A_975 = arith.shli %and3A_972, %shift_left3A_974 : vector<16xi32>
    %swap3A_976 = arith.constant 320 : index
    %swap3A_977 = tpu.vector_load %arg10[%swap3A_976] {strides = array<i32>} : memref<640xi32, #tpu.memory_space<vmem>>, vector<16xi32>,
    tpu.vector_store %arg10[%swap3A_976], %shift_left3A_975 {strides = array<i32>} : memref<640xi32, #tpu.memory_space<vmem>>, vector<16xi32>,
    %get3A_978 = arith.constant 2 : i32
    %get3A_979 = arith.index_cast %get3A_978 : i32 to index
    %get3A_980 = arith.constant 80 : index
    %get3A_981 = tpu.vector_load %arg8[%get3A_979, %get3A_980] {strides = array<i32>} : memref<5x128xi32, #tpu.memory_space<vmem>>, vector<16xi32>,
    %ne3A_982 = arith.constant 0 : i32
    %ne3A_983 = vector.broadcast %ne3A_982 : i32 to vector<16xi32>
    %ne3A_984 = arith.cmpi ne, %get3A_981, %ne3A_983 : vector<16xi32>
    %jit3A_985 = arith.constant 1.000000e+00 : f32
    %jit3A_986 = arith.constant 0.000000e+00 : f32
    %broadcast_in_dim3A_987 = vector.broadcast %jit3A_985 : f32 to vector<16xf32>
    %broadcast_in_dim3A_988 = vector.broadcast %jit3A_986 : f32 to vector<16xf32>
    %select_n3A_989 = arith.select %ne3A_984, %broadcast_in_dim3A_987, %broadcast_in_dim3A_988 : vector<16xi1>, vector<16xf32>
    %swap3A_990 = arith.constant 336 : index
    %swap3A_991 = tpu.vector_load %arg9[%swap3A_990] {strides = array<i32>} : memref<640xf32, #tpu.memory_space<vmem>>, vector<16xf32>,
    tpu.vector_store %arg9[%swap3A_990], %select_n3A_989 {strides = array<i32>} : memref<640xf32, #tpu.memory_space<vmem>>, vector<16xf32>,
    %and3A_992 = arith.constant 3 : i32
    %and3A_993 = vector.broadcast %and3A_992 : i32 to vector<16xi32>
    %and3A_994 = arith.andi %get3A_981, %and3A_993 : vector<16xi32>
    %shift_left3A_995 = arith.constant 5 : i32
    %shift_left3A_996 = vector.broadcast %shift_left3A_995 : i32 to vector<16xi32>
    %shift_left3A_997 = arith.shli %and3A_994, %shift_left3A_996 : vector<16xi32>
    %swap3A_998 = arith.constant 336 : index
    %swap3A_999 = tpu.vector_load %arg10[%swap3A_998] {strides = array<i32>} : memref<640xi32, #tpu.memory_space<vmem>>, vector<16xi32>,
    tpu.vector_store %arg10[%swap3A_998], %shift_left3A_997 {strides = array<i32>} : memref<640xi32, #tpu.memory_space<vmem>>, vector<16xi32>,
    %get3A_1000 = arith.constant 2 : i32
    %get3A_1001 = arith.index_cast %get3A_1000 : i32 to index
    %get3A_1002 = arith.constant 96 : index
    %get3A_1003 = tpu.vector_load %arg8[%get3A_1001, %get3A_1002] {strides = array<i32>} : memref<5x128xi32, #tpu.memory_space<vmem>>, vector<16xi32>,
    %ne3A_1004 = arith.constant 0 : i32
    %ne3A_1005 = vector.broadcast %ne3A_1004 : i32 to vector<16xi32>
    %ne3A_1006 = arith.cmpi ne, %get3A_1003, %ne3A_1005 : vector<16xi32>
    %jit3A_1007 = arith.constant 1.000000e+00 : f32
    %jit3A_1008 = arith.constant 0.000000e+00 : f32
    %broadcast_in_dim3A_1009 = vector.broadcast %jit3A_1007 : f32 to vector<16xf32>
    %broadcast_in_dim3A_1010 = vector.broadcast %jit3A_1008 : f32 to vector<16xf32>
    %select_n3A_1011 = arith.select %ne3A_1006, %broadcast_in_dim3A_1009, %broadcast_in_dim3A_1010 : vector<16xi1>, vector<16xf32>
    %swap3A_1012 = arith.constant 352 : index
    %swap3A_1013 = tpu.vector_load %arg9[%swap3A_1012] {strides = array<i32>} : memref<640xf32, #tpu.memory_space<vmem>>, vector<16xf32>,
    tpu.vector_store %arg9[%swap3A_1012], %select_n3A_1011 {strides = array<i32>} : memref<640xf32, #tpu.memory_space<vmem>>, vector<16xf32>,
    %and3A_1014 = arith.constant 3 : i32
    %and3A_1015 = vector.broadcast %and3A_1014 : i32 to vector<16xi32>
    %and3A_1016 = arith.andi %get3A_1003, %and3A_1015 : vector<16xi32>
    %shift_left3A_1017 = arith.constant 5 : i32
    %shift_left3A_1018 = vector.broadcast %shift_left3A_1017 : i32 to vector<16xi32>
    %shift_left3A_1019 = arith.shli %and3A_1016, %shift_left3A_1018 : vector<16xi32>
    %swap3A_1020 = arith.constant 352 : index
    %swap3A_1021 = tpu.vector_load %arg10[%swap3A_1020] {strides = array<i32>} : memref<640xi32, #tpu.memory_space<vmem>>, vector<16xi32>,
    tpu.vector_store %arg10[%swap3A_1020], %shift_left3A_1019 {strides = array<i32>} : memref<640xi32, #tpu.memory_space<vmem>>, vector<16xi32>,
    %get3A_1022 = arith.constant 2 : i32
    %get3A_1023 = arith.index_cast %get3A_1022 : i32 to index
    %get3A_1024 = arith.constant 112 : index
    %get3A_1025 = tpu.vector_load %arg8[%get3A_1023, %get3A_1024] {strides = array<i32>} : memref<5x128xi32, #tpu.memory_space<vmem>>, vector<16xi32>,
    %ne3A_1026 = arith.constant 0 : i32
    %ne3A_1027 = vector.broadcast %ne3A_1026 : i32 to vector<16xi32>
    %ne3A_1028 = arith.cmpi ne, %get3A_1025, %ne3A_1027 : vector<16xi32>
    %jit3A_1029 = arith.constant 1.000000e+00 : f32
    %jit3A_1030 = arith.constant 0.000000e+00 : f32
    %broadcast_in_dim3A_1031 = vector.broadcast %jit3A_1029 : f32 to vector<16xf32>
    %broadcast_in_dim3A_1032 = vector.broadcast %jit3A_1030 : f32 to vector<16xf32>
    %select_n3A_1033 = arith.select %ne3A_1028, %broadcast_in_dim3A_1031, %broadcast_in_dim3A_1032 : vector<16xi1>, vector<16xf32>
    %swap3A_1034 = arith.constant 368 : index
    %swap3A_1035 = tpu.vector_load %arg9[%swap3A_1034] {strides = array<i32>} : memref<640xf32, #tpu.memory_space<vmem>>, vector<16xf32>,
    tpu.vector_store %arg9[%swap3A_1034], %select_n3A_1033 {strides = array<i32>} : memref<640xf32, #tpu.memory_space<vmem>>, vector<16xf32>,
    %and3A_1036 = arith.constant 3 : i32
    %and3A_1037 = vector.broadcast %and3A_1036 : i32 to vector<16xi32>
    %and3A_1038 = arith.andi %get3A_1025, %and3A_1037 : vector<16xi32>
    %shift_left3A_1039 = arith.constant 5 : i32
    %shift_left3A_1040 = vector.broadcast %shift_left3A_1039 : i32 to vector<16xi32>
    %shift_left3A_1041 = arith.shli %and3A_1038, %shift_left3A_1040 : vector<16xi32>
    %swap3A_1042 = arith.constant 368 : index
    %swap3A_1043 = tpu.vector_load %arg10[%swap3A_1042] {strides = array<i32>} : memref<640xi32, #tpu.memory_space<vmem>>, vector<16xi32>,
    tpu.vector_store %arg10[%swap3A_1042], %shift_left3A_1041 {strides = array<i32>} : memref<640xi32, #tpu.memory_space<vmem>>, vector<16xi32>,
    %get3A_1044 = arith.constant 3 : i32
    %get3A_1045 = arith.index_cast %get3A_1044 : i32 to index
    %get3A_1046 = arith.constant 0 : index
    %get3A_1047 = tpu.vector_load %arg8[%get3A_1045, %get3A_1046] {strides = array<i32>} : memref<5x128xi32, #tpu.memory_space<vmem>>, vector<16xi32>,
    %ne3A_1048 = arith.constant 0 : i32
    %ne3A_1049 = vector.broadcast %ne3A_1048 : i32 to vector<16xi32>
    %ne3A_1050 = arith.cmpi ne, %get3A_1047, %ne3A_1049 : vector<16xi32>
    %jit3A_1051 = arith.constant 1.000000e+00 : f32
    %jit3A_1052 = arith.constant 0.000000e+00 : f32
    %broadcast_in_dim3A_1053 = vector.broadcast %jit3A_1051 : f32 to vector<16xf32>
    %broadcast_in_dim3A_1054 = vector.broadcast %jit3A_1052 : f32 to vector<16xf32>
    %select_n3A_1055 = arith.select %ne3A_1050, %broadcast_in_dim3A_1053, %broadcast_in_dim3A_1054 : vector<16xi1>, vector<16xf32>
    %swap3A_1056 = arith.constant 384 : index
    %swap3A_1057 = tpu.vector_load %arg9[%swap3A_1056] {strides = array<i32>} : memref<640xf32, #tpu.memory_space<vmem>>, vector<16xf32>,
    tpu.vector_store %arg9[%swap3A_1056], %select_n3A_1055 {strides = array<i32>} : memref<640xf32, #tpu.memory_space<vmem>>, vector<16xf32>,
    %and3A_1058 = arith.constant 3 : i32
    %and3A_1059 = vector.broadcast %and3A_1058 : i32 to vector<16xi32>
    %and3A_1060 = arith.andi %get3A_1047, %and3A_1059 : vector<16xi32>
    %shift_left3A_1061 = arith.constant 5 : i32
    %shift_left3A_1062 = vector.broadcast %shift_left3A_1061 : i32 to vector<16xi32>
    %shift_left3A_1063 = arith.shli %and3A_1060, %shift_left3A_1062 : vector<16xi32>
    %swap3A_1064 = arith.constant 384 : index
    %swap3A_1065 = tpu.vector_load %arg10[%swap3A_1064] {strides = array<i32>} : memref<640xi32, #tpu.memory_space<vmem>>, vector<16xi32>,
    tpu.vector_store %arg10[%swap3A_1064], %shift_left3A_1063 {strides = array<i32>} : memref<640xi32, #tpu.memory_space<vmem>>, vector<16xi32>,
    %get3A_1066 = arith.constant 3 : i32
    %get3A_1067 = arith.index_cast %get3A_1066 : i32 to index
    %get3A_1068 = arith.constant 16 : index
    %get3A_1069 = tpu.vector_load %arg8[%get3A_1067, %get3A_1068] {strides = array<i32>} : memref<5x128xi32, #tpu.memory_space<vmem>>, vector<16xi32>,
    %ne3A_1070 = arith.constant 0 : i32
    %ne3A_1071 = vector.broadcast %ne3A_1070 : i32 to vector<16xi32>
    %ne3A_1072 = arith.cmpi ne, %get3A_1069, %ne3A_1071 : vector<16xi32>
    %jit3A_1073 = arith.constant 1.000000e+00 : f32
    %jit3A_1074 = arith.constant 0.000000e+00 : f32
    %broadcast_in_dim3A_1075 = vector.broadcast %jit3A_1073 : f32 to vector<16xf32>
    %broadcast_in_dim3A_1076 = vector.broadcast %jit3A_1074 : f32 to vector<16xf32>
    %select_n3A_1077 = arith.select %ne3A_1072, %broadcast_in_dim3A_1075, %broadcast_in_dim3A_1076 : vector<16xi1>, vector<16xf32>
    %swap3A_1078 = arith.constant 400 : index
    %swap3A_1079 = tpu.vector_load %arg9[%swap3A_1078] {strides = array<i32>} : memref<640xf32, #tpu.memory_space<vmem>>, vector<16xf32>,
    tpu.vector_store %arg9[%swap3A_1078], %select_n3A_1077 {strides = array<i32>} : memref<640xf32, #tpu.memory_space<vmem>>, vector<16xf32>,
    %and3A_1080 = arith.constant 3 : i32
    %and3A_1081 = vector.broadcast %and3A_1080 : i32 to vector<16xi32>
    %and3A_1082 = arith.andi %get3A_1069, %and3A_1081 : vector<16xi32>
    %shift_left3A_1083 = arith.constant 5 : i32
    %shift_left3A_1084 = vector.broadcast %shift_left3A_1083 : i32 to vector<16xi32>
    %shift_left3A_1085 = arith.shli %and3A_1082, %shift_left3A_1084 : vector<16xi32>
    %swap3A_1086 = arith.constant 400 : index
    %swap3A_1087 = tpu.vector_load %arg10[%swap3A_1086] {strides = array<i32>} : memref<640xi32, #tpu.memory_space<vmem>>, vector<16xi32>,
    tpu.vector_store %arg10[%swap3A_1086], %shift_left3A_1085 {strides = array<i32>} : memref<640xi32, #tpu.memory_space<vmem>>, vector<16xi32>,
    %get3A_1088 = arith.constant 3 : i32
    %get3A_1089 = arith.index_cast %get3A_1088 : i32 to index
    %get3A_1090 = arith.constant 32 : index
    %get3A_1091 = tpu.vector_load %arg8[%get3A_1089, %get3A_1090] {strides = array<i32>} : memref<5x128xi32, #tpu.memory_space<vmem>>, vector<16xi32>,
    %ne3A_1092 = arith.constant 0 : i32
    %ne3A_1093 = vector.broadcast %ne3A_1092 : i32 to vector<16xi32>
    %ne3A_1094 = arith.cmpi ne, %get3A_1091, %ne3A_1093 : vector<16xi32>
    %jit3A_1095 = arith.constant 1.000000e+00 : f32
    %jit3A_1096 = arith.constant 0.000000e+00 : f32
    %broadcast_in_dim3A_1097 = vector.broadcast %jit3A_1095 : f32 to vector<16xf32>
    %broadcast_in_dim3A_1098 = vector.broadcast %jit3A_1096 : f32 to vector<16xf32>
    %select_n3A_1099 = arith.select %ne3A_1094, %broadcast_in_dim3A_1097, %broadcast_in_dim3A_1098 : vector<16xi1>, vector<16xf32>
    %swap3A_1100 = arith.constant 416 : index
    %swap3A_1101 = tpu.vector_load %arg9[%swap3A_1100] {strides = array<i32>} : memref<640xf32, #tpu.memory_space<vmem>>, vector<16xf32>,
    tpu.vector_store %arg9[%swap3A_1100], %select_n3A_1099 {strides = array<i32>} : memref<640xf32, #tpu.memory_space<vmem>>, vector<16xf32>,
    %and3A_1102 = arith.constant 3 : i32
    %and3A_1103 = vector.broadcast %and3A_1102 : i32 to vector<16xi32>
    %and3A_1104 = arith.andi %get3A_1091, %and3A_1103 : vector<16xi32>
    %shift_left3A_1105 = arith.constant 5 : i32
    %shift_left3A_1106 = vector.broadcast %shift_left3A_1105 : i32 to vector<16xi32>
    %shift_left3A_1107 = arith.shli %and3A_1104, %shift_left3A_1106 : vector<16xi32>
    %swap3A_1108 = arith.constant 416 : index
    %swap3A_1109 = tpu.vector_load %arg10[%swap3A_1108] {strides = array<i32>} : memref<640xi32, #tpu.memory_space<vmem>>, vector<16xi32>,
    tpu.vector_store %arg10[%swap3A_1108], %shift_left3A_1107 {strides = array<i32>} : memref<640xi32, #tpu.memory_space<vmem>>, vector<16xi32>,
    %get3A_1110 = arith.constant 3 : i32
    %get3A_1111 = arith.index_cast %get3A_1110 : i32 to index
    %get3A_1112 = arith.constant 48 : index
    %get3A_1113 = tpu.vector_load %arg8[%get3A_1111, %get3A_1112] {strides = array<i32>} : memref<5x128xi32, #tpu.memory_space<vmem>>, vector<16xi32>,
    %ne3A_1114 = arith.constant 0 : i32
    %ne3A_1115 = vector.broadcast %ne3A_1114 : i32 to vector<16xi32>
    %ne3A_1116 = arith.cmpi ne, %get3A_1113, %ne3A_1115 : vector<16xi32>
    %jit3A_1117 = arith.constant 1.000000e+00 : f32
    %jit3A_1118 = arith.constant 0.000000e+00 : f32
    %broadcast_in_dim3A_1119 = vector.broadcast %jit3A_1117 : f32 to vector<16xf32>
    %broadcast_in_dim3A_1120 = vector.broadcast %jit3A_1118 : f32 to vector<16xf32>
    %select_n3A_1121 = arith.select %ne3A_1116, %broadcast_in_dim3A_1119, %broadcast_in_dim3A_1120 : vector<16xi1>, vector<16xf32>
    %swap3A_1122 = arith.constant 432 : index
    %swap3A_1123 = tpu.vector_load %arg9[%swap3A_1122] {strides = array<i32>} : memref<640xf32, #tpu.memory_space<vmem>>, vector<16xf32>,
    tpu.vector_store %arg9[%swap3A_1122], %select_n3A_1121 {strides = array<i32>} : memref<640xf32, #tpu.memory_space<vmem>>, vector<16xf32>,
    %and3A_1124 = arith.constant 3 : i32
    %and3A_1125 = vector.broadcast %and3A_1124 : i32 to vector<16xi32>
    %and3A_1126 = arith.andi %get3A_1113, %and3A_1125 : vector<16xi32>
    %shift_left3A_1127 = arith.constant 5 : i32
    %shift_left3A_1128 = vector.broadcast %shift_left3A_1127 : i32 to vector<16xi32>
    %shift_left3A_1129 = arith.shli %and3A_1126, %shift_left3A_1128 : vector<16xi32>
    %swap3A_1130 = arith.constant 432 : index
    %swap3A_1131 = tpu.vector_load %arg10[%swap3A_1130] {strides = array<i32>} : memref<640xi32, #tpu.memory_space<vmem>>, vector<16xi32>,
    tpu.vector_store %arg10[%swap3A_1130], %shift_left3A_1129 {strides = array<i32>} : memref<640xi32, #tpu.memory_space<vmem>>, vector<16xi32>,
    %get3A_1132 = arith.constant 3 : i32
    %get3A_1133 = arith.index_cast %get3A_1132 : i32 to index
    %get3A_1134 = arith.constant 64 : index
    %get3A_1135 = tpu.vector_load %arg8[%get3A_1133, %get3A_1134] {strides = array<i32>} : memref<5x128xi32, #tpu.memory_space<vmem>>, vector<16xi32>,
    %ne3A_1136 = arith.constant 0 : i32
    %ne3A_1137 = vector.broadcast %ne3A_1136 : i32 to vector<16xi32>
    %ne3A_1138 = arith.cmpi ne, %get3A_1135, %ne3A_1137 : vector<16xi32>
    %jit3A_1139 = arith.constant 1.000000e+00 : f32
    %jit3A_1140 = arith.constant 0.000000e+00 : f32
    %broadcast_in_dim3A_1141 = vector.broadcast %jit3A_1139 : f32 to vector<16xf32>
    %broadcast_in_dim3A_1142 = vector.broadcast %jit3A_1140 : f32 to vector<16xf32>
    %select_n3A_1143 = arith.select %ne3A_1138, %broadcast_in_dim3A_1141, %broadcast_in_dim3A_1142 : vector<16xi1>, vector<16xf32>
    %swap3A_1144 = arith.constant 448 : index
    %swap3A_1145 = tpu.vector_load %arg9[%swap3A_1144] {strides = array<i32>} : memref<640xf32, #tpu.memory_space<vmem>>, vector<16xf32>,
    tpu.vector_store %arg9[%swap3A_1144], %select_n3A_1143 {strides = array<i32>} : memref<640xf32, #tpu.memory_space<vmem>>, vector<16xf32>,
    %and3A_1146 = arith.constant 3 : i32
    %and3A_1147 = vector.broadcast %and3A_1146 : i32 to vector<16xi32>
    %and3A_1148 = arith.andi %get3A_1135, %and3A_1147 : vector<16xi32>
    %shift_left3A_1149 = arith.constant 5 : i32
    %shift_left3A_1150 = vector.broadcast %shift_left3A_1149 : i32 to vector<16xi32>
    %shift_left3A_1151 = arith.shli %and3A_1148, %shift_left3A_1150 : vector<16xi32>
    %swap3A_1152 = arith.constant 448 : index
    %swap3A_1153 = tpu.vector_load %arg10[%swap3A_1152] {strides = array<i32>} : memref<640xi32, #tpu.memory_space<vmem>>, vector<16xi32>,
    tpu.vector_store %arg10[%swap3A_1152], %shift_left3A_1151 {strides = array<i32>} : memref<640xi32, #tpu.memory_space<vmem>>, vector<16xi32>,
    %get3A_1154 = arith.constant 3 : i32
    %get3A_1155 = arith.index_cast %get3A_1154 : i32 to index
    %get3A_1156 = arith.constant 80 : index
    %get3A_1157 = tpu.vector_load %arg8[%get3A_1155, %get3A_1156] {strides = array<i32>} : memref<5x128xi32, #tpu.memory_space<vmem>>, vector<16xi32>,
    %ne3A_1158 = arith.constant 0 : i32
    %ne3A_1159 = vector.broadcast %ne3A_1158 : i32 to vector<16xi32>
    %ne3A_1160 = arith.cmpi ne, %get3A_1157, %ne3A_1159 : vector<16xi32>
    %jit3A_1161 = arith.constant 1.000000e+00 : f32
    %jit3A_1162 = arith.constant 0.000000e+00 : f32
    %broadcast_in_dim3A_1163 = vector.broadcast %jit3A_1161 : f32 to vector<16xf32>
    %broadcast_in_dim3A_1164 = vector.broadcast %jit3A_1162 : f32 to vector<16xf32>
    %select_n3A_1165 = arith.select %ne3A_1160, %broadcast_in_dim3A_1163, %broadcast_in_dim3A_1164 : vector<16xi1>, vector<16xf32>
    %swap3A_1166 = arith.constant 464 : index
    %swap3A_1167 = tpu.vector_load %arg9[%swap3A_1166] {strides = array<i32>} : memref<640xf32, #tpu.memory_space<vmem>>, vector<16xf32>,
    tpu.vector_store %arg9[%swap3A_1166], %select_n3A_1165 {strides = array<i32>} : memref<640xf32, #tpu.memory_space<vmem>>, vector<16xf32>,
    %and3A_1168 = arith.constant 3 : i32
    %and3A_1169 = vector.broadcast %and3A_1168 : i32 to vector<16xi32>
    %and3A_1170 = arith.andi %get3A_1157, %and3A_1169 : vector<16xi32>
    %shift_left3A_1171 = arith.constant 5 : i32
    %shift_left3A_1172 = vector.broadcast %shift_left3A_1171 : i32 to vector<16xi32>
    %shift_left3A_1173 = arith.shli %and3A_1170, %shift_left3A_1172 : vector<16xi32>
    %swap3A_1174 = arith.constant 464 : index
    %swap3A_1175 = tpu.vector_load %arg10[%swap3A_1174] {strides = array<i32>} : memref<640xi32, #tpu.memory_space<vmem>>, vector<16xi32>,
    tpu.vector_store %arg10[%swap3A_1174], %shift_left3A_1173 {strides = array<i32>} : memref<640xi32, #tpu.memory_space<vmem>>, vector<16xi32>,
    %get3A_1176 = arith.constant 3 : i32
    %get3A_1177 = arith.index_cast %get3A_1176 : i32 to index
    %get3A_1178 = arith.constant 96 : index
    %get3A_1179 = tpu.vector_load %arg8[%get3A_1177, %get3A_1178] {strides = array<i32>} : memref<5x128xi32, #tpu.memory_space<vmem>>, vector<16xi32>,
    %ne3A_1180 = arith.constant 0 : i32
    %ne3A_1181 = vector.broadcast %ne3A_1180 : i32 to vector<16xi32>
    %ne3A_1182 = arith.cmpi ne, %get3A_1179, %ne3A_1181 : vector<16xi32>
    %jit3A_1183 = arith.constant 1.000000e+00 : f32
    %jit3A_1184 = arith.constant 0.000000e+00 : f32
    %broadcast_in_dim3A_1185 = vector.broadcast %jit3A_1183 : f32 to vector<16xf32>
    %broadcast_in_dim3A_1186 = vector.broadcast %jit3A_1184 : f32 to vector<16xf32>
    %select_n3A_1187 = arith.select %ne3A_1182, %broadcast_in_dim3A_1185, %broadcast_in_dim3A_1186 : vector<16xi1>, vector<16xf32>
    %swap3A_1188 = arith.constant 480 : index
    %swap3A_1189 = tpu.vector_load %arg9[%swap3A_1188] {strides = array<i32>} : memref<640xf32, #tpu.memory_space<vmem>>, vector<16xf32>,
    tpu.vector_store %arg9[%swap3A_1188], %select_n3A_1187 {strides = array<i32>} : memref<640xf32, #tpu.memory_space<vmem>>, vector<16xf32>,
    %and3A_1190 = arith.constant 3 : i32
    %and3A_1191 = vector.broadcast %and3A_1190 : i32 to vector<16xi32>
    %and3A_1192 = arith.andi %get3A_1179, %and3A_1191 : vector<16xi32>
    %shift_left3A_1193 = arith.constant 5 : i32
    %shift_left3A_1194 = vector.broadcast %shift_left3A_1193 : i32 to vector<16xi32>
    %shift_left3A_1195 = arith.shli %and3A_1192, %shift_left3A_1194 : vector<16xi32>
    %swap3A_1196 = arith.constant 480 : index
    %swap3A_1197 = tpu.vector_load %arg10[%swap3A_1196] {strides = array<i32>} : memref<640xi32, #tpu.memory_space<vmem>>, vector<16xi32>,
    tpu.vector_store %arg10[%swap3A_1196], %shift_left3A_1195 {strides = array<i32>} : memref<640xi32, #tpu.memory_space<vmem>>, vector<16xi32>,
    %get3A_1198 = arith.constant 3 : i32
    %get3A_1199 = arith.index_cast %get3A_1198 : i32 to index
    %get3A_1200 = arith.constant 112 : index
    %get3A_1201 = tpu.vector_load %arg8[%get3A_1199, %get3A_1200] {strides = array<i32>} : memref<5x128xi32, #tpu.memory_space<vmem>>, vector<16xi32>,
    %ne3A_1202 = arith.constant 0 : i32
    %ne3A_1203 = vector.broadcast %ne3A_1202 : i32 to vector<16xi32>
    %ne3A_1204 = arith.cmpi ne, %get3A_1201, %ne3A_1203 : vector<16xi32>
    %jit3A_1205 = arith.constant 1.000000e+00 : f32
    %jit3A_1206 = arith.constant 0.000000e+00 : f32
    %broadcast_in_dim3A_1207 = vector.broadcast %jit3A_1205 : f32 to vector<16xf32>
    %broadcast_in_dim3A_1208 = vector.broadcast %jit3A_1206 : f32 to vector<16xf32>
    %select_n3A_1209 = arith.select %ne3A_1204, %broadcast_in_dim3A_1207, %broadcast_in_dim3A_1208 : vector<16xi1>, vector<16xf32>
    %swap3A_1210 = arith.constant 496 : index
    %swap3A_1211 = tpu.vector_load %arg9[%swap3A_1210] {strides = array<i32>} : memref<640xf32, #tpu.memory_space<vmem>>, vector<16xf32>,
    tpu.vector_store %arg9[%swap3A_1210], %select_n3A_1209 {strides = array<i32>} : memref<640xf32, #tpu.memory_space<vmem>>, vector<16xf32>,
    %and3A_1212 = arith.constant 3 : i32
    %and3A_1213 = vector.broadcast %and3A_1212 : i32 to vector<16xi32>
    %and3A_1214 = arith.andi %get3A_1201, %and3A_1213 : vector<16xi32>
    %shift_left3A_1215 = arith.constant 5 : i32
    %shift_left3A_1216 = vector.broadcast %shift_left3A_1215 : i32 to vector<16xi32>
    %shift_left3A_1217 = arith.shli %and3A_1214, %shift_left3A_1216 : vector<16xi32>
    %swap3A_1218 = arith.constant 496 : index
    %swap3A_1219 = tpu.vector_load %arg10[%swap3A_1218] {strides = array<i32>} : memref<640xi32, #tpu.memory_space<vmem>>, vector<16xi32>,
    tpu.vector_store %arg10[%swap3A_1218], %shift_left3A_1217 {strides = array<i32>} : memref<640xi32, #tpu.memory_space<vmem>>, vector<16xi32>,
    %get3A_1220 = arith.constant 4 : i32
    %get3A_1221 = arith.index_cast %get3A_1220 : i32 to index
    %get3A_1222 = arith.constant 0 : index
    %get3A_1223 = tpu.vector_load %arg8[%get3A_1221, %get3A_1222] {strides = array<i32>} : memref<5x128xi32, #tpu.memory_space<vmem>>, vector<16xi32>,
    %ne3A_1224 = arith.constant 0 : i32
    %ne3A_1225 = vector.broadcast %ne3A_1224 : i32 to vector<16xi32>
    %ne3A_1226 = arith.cmpi ne, %get3A_1223, %ne3A_1225 : vector<16xi32>
    %jit3A_1227 = arith.constant 1.000000e+00 : f32
    %jit3A_1228 = arith.constant 0.000000e+00 : f32
    %broadcast_in_dim3A_1229 = vector.broadcast %jit3A_1227 : f32 to vector<16xf32>
    %broadcast_in_dim3A_1230 = vector.broadcast %jit3A_1228 : f32 to vector<16xf32>
    %select_n3A_1231 = arith.select %ne3A_1226, %broadcast_in_dim3A_1229, %broadcast_in_dim3A_1230 : vector<16xi1>, vector<16xf32>
    %swap3A_1232 = arith.constant 512 : index
    %swap3A_1233 = tpu.vector_load %arg9[%swap3A_1232] {strides = array<i32>} : memref<640xf32, #tpu.memory_space<vmem>>, vector<16xf32>,
    tpu.vector_store %arg9[%swap3A_1232], %select_n3A_1231 {strides = array<i32>} : memref<640xf32, #tpu.memory_space<vmem>>, vector<16xf32>,
    %and3A_1234 = arith.constant 3 : i32
    %and3A_1235 = vector.broadcast %and3A_1234 : i32 to vector<16xi32>
    %and3A_1236 = arith.andi %get3A_1223, %and3A_1235 : vector<16xi32>
    %shift_left3A_1237 = arith.constant 5 : i32
    %shift_left3A_1238 = vector.broadcast %shift_left3A_1237 : i32 to vector<16xi32>
    %shift_left3A_1239 = arith.shli %and3A_1236, %shift_left3A_1238 : vector<16xi32>
    %swap3A_1240 = arith.constant 512 : index
    %swap3A_1241 = tpu.vector_load %arg10[%swap3A_1240] {strides = array<i32>} : memref<640xi32, #tpu.memory_space<vmem>>, vector<16xi32>,
    tpu.vector_store %arg10[%swap3A_1240], %shift_left3A_1239 {strides = array<i32>} : memref<640xi32, #tpu.memory_space<vmem>>, vector<16xi32>,
    %get3A_1242 = arith.constant 4 : i32
    %get3A_1243 = arith.index_cast %get3A_1242 : i32 to index
    %get3A_1244 = arith.constant 16 : index
    %get3A_1245 = tpu.vector_load %arg8[%get3A_1243, %get3A_1244] {strides = array<i32>} : memref<5x128xi32, #tpu.memory_space<vmem>>, vector<16xi32>,
    %ne3A_1246 = arith.constant 0 : i32
    %ne3A_1247 = vector.broadcast %ne3A_1246 : i32 to vector<16xi32>
    %ne3A_1248 = arith.cmpi ne, %get3A_1245, %ne3A_1247 : vector<16xi32>
    %jit3A_1249 = arith.constant 1.000000e+00 : f32
    %jit3A_1250 = arith.constant 0.000000e+00 : f32
    %broadcast_in_dim3A_1251 = vector.broadcast %jit3A_1249 : f32 to vector<16xf32>
    %broadcast_in_dim3A_1252 = vector.broadcast %jit3A_1250 : f32 to vector<16xf32>
    %select_n3A_1253 = arith.select %ne3A_1248, %broadcast_in_dim3A_1251, %broadcast_in_dim3A_1252 : vector<16xi1>, vector<16xf32>
    %swap3A_1254 = arith.constant 528 : index
    %swap3A_1255 = tpu.vector_load %arg9[%swap3A_1254] {strides = array<i32>} : memref<640xf32, #tpu.memory_space<vmem>>, vector<16xf32>,
    tpu.vector_store %arg9[%swap3A_1254], %select_n3A_1253 {strides = array<i32>} : memref<640xf32, #tpu.memory_space<vmem>>, vector<16xf32>,
    %and3A_1256 = arith.constant 3 : i32
    %and3A_1257 = vector.broadcast %and3A_1256 : i32 to vector<16xi32>
    %and3A_1258 = arith.andi %get3A_1245, %and3A_1257 : vector<16xi32>
    %shift_left3A_1259 = arith.constant 5 : i32
    %shift_left3A_1260 = vector.broadcast %shift_left3A_1259 : i32 to vector<16xi32>
    %shift_left3A_1261 = arith.shli %and3A_1258, %shift_left3A_1260 : vector<16xi32>
    %swap3A_1262 = arith.constant 528 : index
    %swap3A_1263 = tpu.vector_load %arg10[%swap3A_1262] {strides = array<i32>} : memref<640xi32, #tpu.memory_space<vmem>>, vector<16xi32>,
    tpu.vector_store %arg10[%swap3A_1262], %shift_left3A_1261 {strides = array<i32>} : memref<640xi32, #tpu.memory_space<vmem>>, vector<16xi32>,
    %get3A_1264 = arith.constant 4 : i32
    %get3A_1265 = arith.index_cast %get3A_1264 : i32 to index
    %get3A_1266 = arith.constant 32 : index
    %get3A_1267 = tpu.vector_load %arg8[%get3A_1265, %get3A_1266] {strides = array<i32>} : memref<5x128xi32, #tpu.memory_space<vmem>>, vector<16xi32>,
    %ne3A_1268 = arith.constant 0 : i32
    %ne3A_1269 = vector.broadcast %ne3A_1268 : i32 to vector<16xi32>
    %ne3A_1270 = arith.cmpi ne, %get3A_1267, %ne3A_1269 : vector<16xi32>
    %jit3A_1271 = arith.constant 1.000000e+00 : f32
    %jit3A_1272 = arith.constant 0.000000e+00 : f32
    %broadcast_in_dim3A_1273 = vector.broadcast %jit3A_1271 : f32 to vector<16xf32>
    %broadcast_in_dim3A_1274 = vector.broadcast %jit3A_1272 : f32 to vector<16xf32>
    %select_n3A_1275 = arith.select %ne3A_1270, %broadcast_in_dim3A_1273, %broadcast_in_dim3A_1274 : vector<16xi1>, vector<16xf32>
    %swap3A_1276 = arith.constant 544 : index
    %swap3A_1277 = tpu.vector_load %arg9[%swap3A_1276] {strides = array<i32>} : memref<640xf32, #tpu.memory_space<vmem>>, vector<16xf32>,
    tpu.vector_store %arg9[%swap3A_1276], %select_n3A_1275 {strides = array<i32>} : memref<640xf32, #tpu.memory_space<vmem>>, vector<16xf32>,
    %and3A_1278 = arith.constant 3 : i32
    %and3A_1279 = vector.broadcast %and3A_1278 : i32 to vector<16xi32>
    %and3A_1280 = arith.andi %get3A_1267, %and3A_1279 : vector<16xi32>
    %shift_left3A_1281 = arith.constant 5 : i32
    %shift_left3A_1282 = vector.broadcast %shift_left3A_1281 : i32 to vector<16xi32>
    %shift_left3A_1283 = arith.shli %and3A_1280, %shift_left3A_1282 : vector<16xi32>
    %swap3A_1284 = arith.constant 544 : index
    %swap3A_1285 = tpu.vector_load %arg10[%swap3A_1284] {strides = array<i32>} : memref<640xi32, #tpu.memory_space<vmem>>, vector<16xi32>,
    tpu.vector_store %arg10[%swap3A_1284], %shift_left3A_1283 {strides = array<i32>} : memref<640xi32, #tpu.memory_space<vmem>>, vector<16xi32>,
    %get3A_1286 = arith.constant 4 : i32
    %get3A_1287 = arith.index_cast %get3A_1286 : i32 to index
    %get3A_1288 = arith.constant 48 : index
    %get3A_1289 = tpu.vector_load %arg8[%get3A_1287, %get3A_1288] {strides = array<i32>} : memref<5x128xi32, #tpu.memory_space<vmem>>, vector<16xi32>,
    %ne3A_1290 = arith.constant 0 : i32
    %ne3A_1291 = vector.broadcast %ne3A_1290 : i32 to vector<16xi32>
    %ne3A_1292 = arith.cmpi ne, %get3A_1289, %ne3A_1291 : vector<16xi32>
    %jit3A_1293 = arith.constant 1.000000e+00 : f32
    %jit3A_1294 = arith.constant 0.000000e+00 : f32
    %broadcast_in_dim3A_1295 = vector.broadcast %jit3A_1293 : f32 to vector<16xf32>
    %broadcast_in_dim3A_1296 = vector.broadcast %jit3A_1294 : f32 to vector<16xf32>
    %select_n3A_1297 = arith.select %ne3A_1292, %broadcast_in_dim3A_1295, %broadcast_in_dim3A_1296 : vector<16xi1>, vector<16xf32>
    %swap3A_1298 = arith.constant 560 : index
    %swap3A_1299 = tpu.vector_load %arg9[%swap3A_1298] {strides = array<i32>} : memref<640xf32, #tpu.memory_space<vmem>>, vector<16xf32>,
    tpu.vector_store %arg9[%swap3A_1298], %select_n3A_1297 {strides = array<i32>} : memref<640xf32, #tpu.memory_space<vmem>>, vector<16xf32>,
    %and3A_1300 = arith.constant 3 : i32
    %and3A_1301 = vector.broadcast %and3A_1300 : i32 to vector<16xi32>
    %and3A_1302 = arith.andi %get3A_1289, %and3A_1301 : vector<16xi32>
    %shift_left3A_1303 = arith.constant 5 : i32
    %shift_left3A_1304 = vector.broadcast %shift_left3A_1303 : i32 to vector<16xi32>
    %shift_left3A_1305 = arith.shli %and3A_1302, %shift_left3A_1304 : vector<16xi32>
    %swap3A_1306 = arith.constant 560 : index
    %swap3A_1307 = tpu.vector_load %arg10[%swap3A_1306] {strides = array<i32>} : memref<640xi32, #tpu.memory_space<vmem>>, vector<16xi32>,
    tpu.vector_store %arg10[%swap3A_1306], %shift_left3A_1305 {strides = array<i32>} : memref<640xi32, #tpu.memory_space<vmem>>, vector<16xi32>,
    %get3A_1308 = arith.constant 4 : i32
    %get3A_1309 = arith.index_cast %get3A_1308 : i32 to index
    %get3A_1310 = arith.constant 64 : index
    %get3A_1311 = tpu.vector_load %arg8[%get3A_1309, %get3A_1310] {strides = array<i32>} : memref<5x128xi32, #tpu.memory_space<vmem>>, vector<16xi32>,
    %ne3A_1312 = arith.constant 0 : i32
    %ne3A_1313 = vector.broadcast %ne3A_1312 : i32 to vector<16xi32>
    %ne3A_1314 = arith.cmpi ne, %get3A_1311, %ne3A_1313 : vector<16xi32>
    %jit3A_1315 = arith.constant 1.000000e+00 : f32
    %jit3A_1316 = arith.constant 0.000000e+00 : f32
    %broadcast_in_dim3A_1317 = vector.broadcast %jit3A_1315 : f32 to vector<16xf32>
    %broadcast_in_dim3A_1318 = vector.broadcast %jit3A_1316 : f32 to vector<16xf32>
    %select_n3A_1319 = arith.select %ne3A_1314, %broadcast_in_dim3A_1317, %broadcast_in_dim3A_1318 : vector<16xi1>, vector<16xf32>
    %swap3A_1320 = arith.constant 576 : index
    %swap3A_1321 = tpu.vector_load %arg9[%swap3A_1320] {strides = array<i32>} : memref<640xf32, #tpu.memory_space<vmem>>, vector<16xf32>,
    tpu.vector_store %arg9[%swap3A_1320], %select_n3A_1319 {strides = array<i32>} : memref<640xf32, #tpu.memory_space<vmem>>, vector<16xf32>,
    %and3A_1322 = arith.constant 3 : i32
    %and3A_1323 = vector.broadcast %and3A_1322 : i32 to vector<16xi32>
    %and3A_1324 = arith.andi %get3A_1311, %and3A_1323 : vector<16xi32>
    %shift_left3A_1325 = arith.constant 5 : i32
    %shift_left3A_1326 = vector.broadcast %shift_left3A_1325 : i32 to vector<16xi32>
    %shift_left3A_1327 = arith.shli %and3A_1324, %shift_left3A_1326 : vector<16xi32>
    %swap3A_1328 = arith.constant 576 : index
    %swap3A_1329 = tpu.vector_load %arg10[%swap3A_1328] {strides = array<i32>} : memref<640xi32, #tpu.memory_space<vmem>>, vector<16xi32>,
    tpu.vector_store %arg10[%swap3A_1328], %shift_left3A_1327 {strides = array<i32>} : memref<640xi32, #tpu.memory_space<vmem>>, vector<16xi32>,
    %get3A_1330 = arith.constant 4 : i32
    %get3A_1331 = arith.index_cast %get3A_1330 : i32 to index
    %get3A_1332 = arith.constant 80 : index
    %get3A_1333 = tpu.vector_load %arg8[%get3A_1331, %get3A_1332] {strides = array<i32>} : memref<5x128xi32, #tpu.memory_space<vmem>>, vector<16xi32>,
    %ne3A_1334 = arith.constant 0 : i32
    %ne3A_1335 = vector.broadcast %ne3A_1334 : i32 to vector<16xi32>
    %ne3A_1336 = arith.cmpi ne, %get3A_1333, %ne3A_1335 : vector<16xi32>
    %jit3A_1337 = arith.constant 1.000000e+00 : f32
    %jit3A_1338 = arith.constant 0.000000e+00 : f32
    %broadcast_in_dim3A_1339 = vector.broadcast %jit3A_1337 : f32 to vector<16xf32>
    %broadcast_in_dim3A_1340 = vector.broadcast %jit3A_1338 : f32 to vector<16xf32>
    %select_n3A_1341 = arith.select %ne3A_1336, %broadcast_in_dim3A_1339, %broadcast_in_dim3A_1340 : vector<16xi1>, vector<16xf32>
    %swap3A_1342 = arith.constant 592 : index
    %swap3A_1343 = tpu.vector_load %arg9[%swap3A_1342] {strides = array<i32>} : memref<640xf32, #tpu.memory_space<vmem>>, vector<16xf32>,
    tpu.vector_store %arg9[%swap3A_1342], %select_n3A_1341 {strides = array<i32>} : memref<640xf32, #tpu.memory_space<vmem>>, vector<16xf32>,
    %and3A_1344 = arith.constant 3 : i32
    %and3A_1345 = vector.broadcast %and3A_1344 : i32 to vector<16xi32>
    %and3A_1346 = arith.andi %get3A_1333, %and3A_1345 : vector<16xi32>
    %shift_left3A_1347 = arith.constant 5 : i32
    %shift_left3A_1348 = vector.broadcast %shift_left3A_1347 : i32 to vector<16xi32>
    %shift_left3A_1349 = arith.shli %and3A_1346, %shift_left3A_1348 : vector<16xi32>
    %swap3A_1350 = arith.constant 592 : index
    %swap3A_1351 = tpu.vector_load %arg10[%swap3A_1350] {strides = array<i32>} : memref<640xi32, #tpu.memory_space<vmem>>, vector<16xi32>,
    tpu.vector_store %arg10[%swap3A_1350], %shift_left3A_1349 {strides = array<i32>} : memref<640xi32, #tpu.memory_space<vmem>>, vector<16xi32>,
    %get3A_1352 = arith.constant 4 : i32
    %get3A_1353 = arith.index_cast %get3A_1352 : i32 to index
    %get3A_1354 = arith.constant 96 : index
    %get3A_1355 = tpu.vector_load %arg8[%get3A_1353, %get3A_1354] {strides = array<i32>} : memref<5x128xi32, #tpu.memory_space<vmem>>, vector<16xi32>,
    %ne3A_1356 = arith.constant 0 : i32
    %ne3A_1357 = vector.broadcast %ne3A_1356 : i32 to vector<16xi32>
    %ne3A_1358 = arith.cmpi ne, %get3A_1355, %ne3A_1357 : vector<16xi32>
    %jit3A_1359 = arith.constant 1.000000e+00 : f32
    %jit3A_1360 = arith.constant 0.000000e+00 : f32
    %broadcast_in_dim3A_1361 = vector.broadcast %jit3A_1359 : f32 to vector<16xf32>
    %broadcast_in_dim3A_1362 = vector.broadcast %jit3A_1360 : f32 to vector<16xf32>
    %select_n3A_1363 = arith.select %ne3A_1358, %broadcast_in_dim3A_1361, %broadcast_in_dim3A_1362 : vector<16xi1>, vector<16xf32>
    %swap3A_1364 = arith.constant 608 : index
    %swap3A_1365 = tpu.vector_load %arg9[%swap3A_1364] {strides = array<i32>} : memref<640xf32, #tpu.memory_space<vmem>>, vector<16xf32>,
    tpu.vector_store %arg9[%swap3A_1364], %select_n3A_1363 {strides = array<i32>} : memref<640xf32, #tpu.memory_space<vmem>>, vector<16xf32>,
    %and3A_1366 = arith.constant 3 : i32
    %and3A_1367 = vector.broadcast %and3A_1366 : i32 to vector<16xi32>
    %and3A_1368 = arith.andi %get3A_1355, %and3A_1367 : vector<16xi32>
    %shift_left3A_1369 = arith.constant 5 : i32
    %shift_left3A_1370 = vector.broadcast %shift_left3A_1369 : i32 to vector<16xi32>
    %shift_left3A_1371 = arith.shli %and3A_1368, %shift_left3A_1370 : vector<16xi32>
    %swap3A_1372 = arith.constant 608 : index
    %swap3A_1373 = tpu.vector_load %arg10[%swap3A_1372] {strides = array<i32>} : memref<640xi32, #tpu.memory_space<vmem>>, vector<16xi32>,
    tpu.vector_store %arg10[%swap3A_1372], %shift_left3A_1371 {strides = array<i32>} : memref<640xi32, #tpu.memory_space<vmem>>, vector<16xi32>,
    %get3A_1374 = arith.constant 4 : i32
    %get3A_1375 = arith.index_cast %get3A_1374 : i32 to index
    %get3A_1376 = arith.constant 112 : index
    %get3A_1377 = tpu.vector_load %arg8[%get3A_1375, %get3A_1376] {strides = array<i32>} : memref<5x128xi32, #tpu.memory_space<vmem>>, vector<16xi32>,
    %ne3A_1378 = arith.constant 0 : i32
    %ne3A_1379 = vector.broadcast %ne3A_1378 : i32 to vector<16xi32>
    %ne3A_1380 = arith.cmpi ne, %get3A_1377, %ne3A_1379 : vector<16xi32>
    %jit3A_1381 = arith.constant 1.000000e+00 : f32
    %jit3A_1382 = arith.constant 0.000000e+00 : f32
    %broadcast_in_dim3A_1383 = vector.broadcast %jit3A_1381 : f32 to vector<16xf32>
    %broadcast_in_dim3A_1384 = vector.broadcast %jit3A_1382 : f32 to vector<16xf32>
    %select_n3A_1385 = arith.select %ne3A_1380, %broadcast_in_dim3A_1383, %broadcast_in_dim3A_1384 : vector<16xi1>, vector<16xf32>
    %swap3A_1386 = arith.constant 624 : index
    %swap3A_1387 = tpu.vector_load %arg9[%swap3A_1386] {strides = array<i32>} : memref<640xf32, #tpu.memory_space<vmem>>, vector<16xf32>,
    tpu.vector_store %arg9[%swap3A_1386], %select_n3A_1385 {strides = array<i32>} : memref<640xf32, #tpu.memory_space<vmem>>, vector<16xf32>,
    %and3A_1388 = arith.constant 3 : i32
    %and3A_1389 = vector.broadcast %and3A_1388 : i32 to vector<16xi32>
    %and3A_1390 = arith.andi %get3A_1377, %and3A_1389 : vector<16xi32>
    %shift_left3A_1391 = arith.constant 5 : i32
    %shift_left3A_1392 = vector.broadcast %shift_left3A_1391 : i32 to vector<16xi32>
    %shift_left3A_1393 = arith.shli %and3A_1390, %shift_left3A_1392 : vector<16xi32>
    %swap3A_1394 = arith.constant 624 : index
    %swap3A_1395 = tpu.vector_load %arg10[%swap3A_1394] {strides = array<i32>} : memref<640xi32, #tpu.memory_space<vmem>>, vector<16xi32>,
    tpu.vector_store %arg10[%swap3A_1394], %shift_left3A_1393 {strides = array<i32>} : memref<640xi32, #tpu.memory_space<vmem>>, vector<16xi32>,
    %dma_wait3A = arith.constant 0 : i32
    %dma_wait3A_1396 = arith.constant 0 : i32
    %dma_wait3A_1397 = arith.constant 0 : i32
    %dma_wait3A_1398 = tpu.memref_slice %arg12[%dma_wait3A_1396, %dma_wait3A_1397] : memref<640x128xf32, #tpu.memory_space<vmem>> -> memref<128x128xf32, #tpu.memory_space<vmem>>
    %dma_wait3A_1399 = arith.constant 0 : i32
    %dma_wait3A_1400 = tpu.memref_slice %arg11[%dma_wait3A, %dma_wait3A_1399] : memref<5x128xi32, #tpu.memory_space<vmem>> -> memref<1x128xi32, #tpu.memory_space<vmem>>
    %dma_wait3A_1401 = tpu.memref_squeeze %dma_wait3A_1400 : memref<1x128xi32, #tpu.memory_space<vmem>> -> memref<128xi32, #tpu.memory_space<vmem>>
    %dma_wait3A_1402 = arith.constant 0 : i32
    %dma_wait3A_1403 = arith.constant 0 : i32
    %dma_wait3A_1404 = tpu.memref_slice %arg4[%dma_wait3A_1402, %dma_wait3A_1403] : memref<25000x128xf32, #tpu.memory_space<hbm>> -> memref<25000x128xf32, #tpu.memory_space<hbm>>
    tpu.wait_indirect_dma semaphore(%arg18 : memref<!tpu.dma_semaphore, #tpu.memory_space<semaphore_mem>>) src(%dma_wait3A_1404 : memref<25000x128xf32, #tpu.memory_space<hbm>>) dst(%dma_wait3A_1398 : memref<128x128xf32, #tpu.memory_space<vmem>>)
    %dma_wait3A_1405 = arith.constant 1 : i32
    %dma_wait3A_1406 = arith.constant 128 : i32
    %dma_wait3A_1407 = arith.constant 0 : i32
    %dma_wait3A_1408 = tpu.memref_slice %arg12[%dma_wait3A_1406, %dma_wait3A_1407] : memref<640x128xf32, #tpu.memory_space<vmem>> -> memref<128x128xf32, #tpu.memory_space<vmem>>
    %dma_wait3A_1409 = arith.constant 0 : i32
    %dma_wait3A_1410 = tpu.memref_slice %arg11[%dma_wait3A_1405, %dma_wait3A_1409] : memref<5x128xi32, #tpu.memory_space<vmem>> -> memref<1x128xi32, #tpu.memory_space<vmem>>
    %dma_wait3A_1411 = tpu.memref_squeeze %dma_wait3A_1410 : memref<1x128xi32, #tpu.memory_space<vmem>> -> memref<128xi32, #tpu.memory_space<vmem>>
    %dma_wait3A_1412 = arith.constant 0 : i32
    %dma_wait3A_1413 = arith.constant 0 : i32
    %dma_wait3A_1414 = tpu.memref_slice %arg4[%dma_wait3A_1412, %dma_wait3A_1413] : memref<25000x128xf32, #tpu.memory_space<hbm>> -> memref<25000x128xf32, #tpu.memory_space<hbm>>
    tpu.wait_indirect_dma semaphore(%arg18 : memref<!tpu.dma_semaphore, #tpu.memory_space<semaphore_mem>>) src(%dma_wait3A_1414 : memref<25000x128xf32, #tpu.memory_space<hbm>>) dst(%dma_wait3A_1408 : memref<128x128xf32, #tpu.memory_space<vmem>>)
    %dma_wait3A_1415 = arith.constant 2 : i32
    %dma_wait3A_1416 = arith.constant 256 : i32
    %dma_wait3A_1417 = arith.constant 0 : i32
    %dma_wait3A_1418 = tpu.memref_slice %arg12[%dma_wait3A_1416, %dma_wait3A_1417] : memref<640x128xf32, #tpu.memory_space<vmem>> -> memref<128x128xf32, #tpu.memory_space<vmem>>
    %dma_wait3A_1419 = arith.constant 0 : i32
    %dma_wait3A_1420 = tpu.memref_slice %arg11[%dma_wait3A_1415, %dma_wait3A_1419] : memref<5x128xi32, #tpu.memory_space<vmem>> -> memref<1x128xi32, #tpu.memory_space<vmem>>
    %dma_wait3A_1421 = tpu.memref_squeeze %dma_wait3A_1420 : memref<1x128xi32, #tpu.memory_space<vmem>> -> memref<128xi32, #tpu.memory_space<vmem>>
    %dma_wait3A_1422 = arith.constant 0 : i32
    %dma_wait3A_1423 = arith.constant 0 : i32
    %dma_wait3A_1424 = tpu.memref_slice %arg4[%dma_wait3A_1422, %dma_wait3A_1423] : memref<25000x128xf32, #tpu.memory_space<hbm>> -> memref<25000x128xf32, #tpu.memory_space<hbm>>
    tpu.wait_indirect_dma semaphore(%arg18 : memref<!tpu.dma_semaphore, #tpu.memory_space<semaphore_mem>>) src(%dma_wait3A_1424 : memref<25000x128xf32, #tpu.memory_space<hbm>>) dst(%dma_wait3A_1418 : memref<128x128xf32, #tpu.memory_space<vmem>>)
    %dma_wait3A_1425 = arith.constant 3 : i32
    %dma_wait3A_1426 = arith.constant 384 : i32
    %dma_wait3A_1427 = arith.constant 0 : i32
    %dma_wait3A_1428 = tpu.memref_slice %arg12[%dma_wait3A_1426, %dma_wait3A_1427] : memref<640x128xf32, #tpu.memory_space<vmem>> -> memref<128x128xf32, #tpu.memory_space<vmem>>
    %dma_wait3A_1429 = arith.constant 0 : i32
    %dma_wait3A_1430 = tpu.memref_slice %arg11[%dma_wait3A_1425, %dma_wait3A_1429] : memref<5x128xi32, #tpu.memory_space<vmem>> -> memref<1x128xi32, #tpu.memory_space<vmem>>
    %dma_wait3A_1431 = tpu.memref_squeeze %dma_wait3A_1430 : memref<1x128xi32, #tpu.memory_space<vmem>> -> memref<128xi32, #tpu.memory_space<vmem>>
    %dma_wait3A_1432 = arith.constant 0 : i32
    %dma_wait3A_1433 = arith.constant 0 : i32
    %dma_wait3A_1434 = tpu.memref_slice %arg4[%dma_wait3A_1432, %dma_wait3A_1433] : memref<25000x128xf32, #tpu.memory_space<hbm>> -> memref<25000x128xf32, #tpu.memory_space<hbm>>
    tpu.wait_indirect_dma semaphore(%arg18 : memref<!tpu.dma_semaphore, #tpu.memory_space<semaphore_mem>>) src(%dma_wait3A_1434 : memref<25000x128xf32, #tpu.memory_space<hbm>>) dst(%dma_wait3A_1428 : memref<128x128xf32, #tpu.memory_space<vmem>>)
    %dma_wait3A_1435 = arith.constant 4 : i32
    %dma_wait3A_1436 = arith.constant 512 : i32
    %dma_wait3A_1437 = arith.constant 0 : i32
    %dma_wait3A_1438 = tpu.memref_slice %arg12[%dma_wait3A_1436, %dma_wait3A_1437] : memref<640x128xf32, #tpu.memory_space<vmem>> -> memref<128x128xf32, #tpu.memory_space<vmem>>
    %dma_wait3A_1439 = arith.constant 0 : i32
    %dma_wait3A_1440 = tpu.memref_slice %arg11[%dma_wait3A_1435, %dma_wait3A_1439] : memref<5x128xi32, #tpu.memory_space<vmem>> -> memref<1x128xi32, #tpu.memory_space<vmem>>
    %dma_wait3A_1441 = tpu.memref_squeeze %dma_wait3A_1440 : memref<1x128xi32, #tpu.memory_space<vmem>> -> memref<128xi32, #tpu.memory_space<vmem>>
    %dma_wait3A_1442 = arith.constant 0 : i32
    %dma_wait3A_1443 = arith.constant 0 : i32
    %dma_wait3A_1444 = tpu.memref_slice %arg4[%dma_wait3A_1442, %dma_wait3A_1443] : memref<25000x128xf32, #tpu.memory_space<hbm>> -> memref<25000x128xf32, #tpu.memory_space<hbm>>
    tpu.wait_indirect_dma semaphore(%arg18 : memref<!tpu.dma_semaphore, #tpu.memory_space<semaphore_mem>>) src(%dma_wait3A_1444 : memref<25000x128xf32, #tpu.memory_space<hbm>>) dst(%dma_wait3A_1438 : memref<128x128xf32, #tpu.memory_space<vmem>>)
    %dma_wait3A_1445 = arith.constant 0 : i32
    %dma_wait3A_1446 = arith.constant 0 : i32
    %dma_wait3A_1447 = tpu.memref_slice %arg5[%dma_wait3A_1445, %dma_wait3A_1446] : memref<25000x128xf32, #tpu.memory_space<hbm>> -> memref<25000x128xf32, #tpu.memory_space<hbm>>
    tpu.wait_indirect_dma semaphore(%arg18 : memref<!tpu.dma_semaphore, #tpu.memory_space<semaphore_mem>>) src(%dma_wait3A_1447 : memref<25000x128xf32, #tpu.memory_space<hbm>>) dst(%arg15 : memref<32x128xf32, #tpu.memory_space<vmem>>)
    %iota3A = tpu.iota {dimensions = array<i32: 0>} : vector<16xi32>
    %scan3A = arith.constant 0 : i32
    %scan3A_1448 = arith.constant 0 : i32
    %scan3A_1449 = arith.constant 32 : i32
    %scan3A_1450 = arith.addi %scan3A_1448, %scan3A_1449 : i32
    %scan3A_1451 = arith.constant 1 : i32
    scf.for %scan3A_1459 = %scan3A_1448 to %scan3A_1450 step %scan3A_1451  : i32 {
      %broadcast_in_dim3A_1460 = arith.constant 0.000000e+00 : f32
      %broadcast_in_dim3A_1461 = vector.broadcast %broadcast_in_dim3A_1460 : f32 to vector<16xf32>
      %broadcast_in_dim3A_1462 = arith.constant 0.000000e+00 : f32
      %broadcast_in_dim3A_1463 = vector.broadcast %broadcast_in_dim3A_1462 : f32 to vector<16xf32>
      %mul3A_1464 = arith.constant 20 : i32
      %mul3A_1465 = arith.muli %scan3A_1459, %mul3A_1464 : i32
      %add3A_1466 = arith.constant 0 : i32
      %add3A_1467 = arith.addi %mul3A_1465, %add3A_1466 : i32
      %broadcast_in_dim3A_1468 = vector.broadcast %add3A_1467 : i32 to vector<16xi32>
      %gather3A = tpu.vector_load_idx %arg9[%broadcast_in_dim3A_1468] : memref<640xf32, #tpu.memory_space<vmem>>[vector<16xi32>], vector<16xf32>,
      %gather3A_1469 = tpu.vector_load_idx %arg10[%broadcast_in_dim3A_1468] : memref<640xi32, #tpu.memory_space<vmem>>[vector<16xi32>], vector<16xi32>,
      %add3A_1470 = arith.addi %gather3A_1469, %iota3A : vector<16xi32>
      %gather3A_1471 = tpu.vector_load_idx %arg12[%broadcast_in_dim3A_1468, %add3A_1470] : memref<640x128xf32, #tpu.memory_space<vmem>>[vector<16xi32>, vector<16xi32>], vector<16xf32>,
      %add3A_1472 = arith.constant 16 : i32
      %add3A_1473 = vector.broadcast %add3A_1472 : i32 to vector<16xi32>
      %add3A_1474 = arith.addi %add3A_1470, %add3A_1473 : vector<16xi32>
      %gather3A_1475 = tpu.vector_load_idx %arg12[%broadcast_in_dim3A_1468, %add3A_1474] : memref<640x128xf32, #tpu.memory_space<vmem>>[vector<16xi32>, vector<16xi32>], vector<16xf32>,
      %mul3A_1476 = arith.mulf %gather3A_1471, %gather3A : vector<16xf32>
      %add3A_1477 = arith.addf %broadcast_in_dim3A_1461, %mul3A_1476 : vector<16xf32>
      %mul3A_1478 = arith.mulf %gather3A_1475, %gather3A : vector<16xf32>
      %add3A_1479 = arith.addf %broadcast_in_dim3A_1463, %mul3A_1478 : vector<16xf32>
      %mul3A_1480 = arith.constant 20 : i32
      %mul3A_1481 = arith.muli %scan3A_1459, %mul3A_1480 : i32
      %add3A_1482 = arith.constant 1 : i32
      %add3A_1483 = arith.addi %mul3A_1481, %add3A_1482 : i32
      %broadcast_in_dim3A_1484 = vector.broadcast %add3A_1483 : i32 to vector<16xi32>
      %gather3A_1485 = tpu.vector_load_idx %arg9[%broadcast_in_dim3A_1484] : memref<640xf32, #tpu.memory_space<vmem>>[vector<16xi32>], vector<16xf32>,
      %gather3A_1486 = tpu.vector_load_idx %arg10[%broadcast_in_dim3A_1484] : memref<640xi32, #tpu.memory_space<vmem>>[vector<16xi32>], vector<16xi32>,
      %add3A_1487 = arith.addi %gather3A_1486, %iota3A : vector<16xi32>
      %gather3A_1488 = tpu.vector_load_idx %arg12[%broadcast_in_dim3A_1484, %add3A_1487] : memref<640x128xf32, #tpu.memory_space<vmem>>[vector<16xi32>, vector<16xi32>], vector<16xf32>,
      %add3A_1489 = arith.constant 16 : i32
      %add3A_1490 = vector.broadcast %add3A_1489 : i32 to vector<16xi32>
      %add3A_1491 = arith.addi %add3A_1487, %add3A_1490 : vector<16xi32>
      %gather3A_1492 = tpu.vector_load_idx %arg12[%broadcast_in_dim3A_1484, %add3A_1491] : memref<640x128xf32, #tpu.memory_space<vmem>>[vector<16xi32>, vector<16xi32>], vector<16xf32>,
      %mul3A_1493 = arith.mulf %gather3A_1488, %gather3A_1485 : vector<16xf32>
      %add3A_1494 = arith.addf %add3A_1477, %mul3A_1493 : vector<16xf32>
      %mul3A_1495 = arith.mulf %gather3A_1492, %gather3A_1485 : vector<16xf32>
      %add3A_1496 = arith.addf %add3A_1479, %mul3A_1495 : vector<16xf32>
      %mul3A_1497 = arith.constant 20 : i32
      %mul3A_1498 = arith.muli %scan3A_1459, %mul3A_1497 : i32
      %add3A_1499 = arith.constant 2 : i32
      %add3A_1500 = arith.addi %mul3A_1498, %add3A_1499 : i32
      %broadcast_in_dim3A_1501 = vector.broadcast %add3A_1500 : i32 to vector<16xi32>
      %gather3A_1502 = tpu.vector_load_idx %arg9[%broadcast_in_dim3A_1501] : memref<640xf32, #tpu.memory_space<vmem>>[vector<16xi32>], vector<16xf32>,
      %gather3A_1503 = tpu.vector_load_idx %arg10[%broadcast_in_dim3A_1501] : memref<640xi32, #tpu.memory_space<vmem>>[vector<16xi32>], vector<16xi32>,
      %add3A_1504 = arith.addi %gather3A_1503, %iota3A : vector<16xi32>
      %gather3A_1505 = tpu.vector_load_idx %arg12[%broadcast_in_dim3A_1501, %add3A_1504] : memref<640x128xf32, #tpu.memory_space<vmem>>[vector<16xi32>, vector<16xi32>], vector<16xf32>,
      %add3A_1506 = arith.constant 16 : i32
      %add3A_1507 = vector.broadcast %add3A_1506 : i32 to vector<16xi32>
      %add3A_1508 = arith.addi %add3A_1504, %add3A_1507 : vector<16xi32>
      %gather3A_1509 = tpu.vector_load_idx %arg12[%broadcast_in_dim3A_1501, %add3A_1508] : memref<640x128xf32, #tpu.memory_space<vmem>>[vector<16xi32>, vector<16xi32>], vector<16xf32>,
      %mul3A_1510 = arith.mulf %gather3A_1505, %gather3A_1502 : vector<16xf32>
      %add3A_1511 = arith.addf %add3A_1494, %mul3A_1510 : vector<16xf32>
      %mul3A_1512 = arith.mulf %gather3A_1509, %gather3A_1502 : vector<16xf32>
      %add3A_1513 = arith.addf %add3A_1496, %mul3A_1512 : vector<16xf32>
      %mul3A_1514 = arith.constant 20 : i32
      %mul3A_1515 = arith.muli %scan3A_1459, %mul3A_1514 : i32
      %add3A_1516 = arith.constant 3 : i32
      %add3A_1517 = arith.addi %mul3A_1515, %add3A_1516 : i32
      %broadcast_in_dim3A_1518 = vector.broadcast %add3A_1517 : i32 to vector<16xi32>
      %gather3A_1519 = tpu.vector_load_idx %arg9[%broadcast_in_dim3A_1518] : memref<640xf32, #tpu.memory_space<vmem>>[vector<16xi32>], vector<16xf32>,
      %gather3A_1520 = tpu.vector_load_idx %arg10[%broadcast_in_dim3A_1518] : memref<640xi32, #tpu.memory_space<vmem>>[vector<16xi32>], vector<16xi32>,
      %add3A_1521 = arith.addi %gather3A_1520, %iota3A : vector<16xi32>
      %gather3A_1522 = tpu.vector_load_idx %arg12[%broadcast_in_dim3A_1518, %add3A_1521] : memref<640x128xf32, #tpu.memory_space<vmem>>[vector<16xi32>, vector<16xi32>], vector<16xf32>,
      %add3A_1523 = arith.constant 16 : i32
      %add3A_1524 = vector.broadcast %add3A_1523 : i32 to vector<16xi32>
      %add3A_1525 = arith.addi %add3A_1521, %add3A_1524 : vector<16xi32>
      %gather3A_1526 = tpu.vector_load_idx %arg12[%broadcast_in_dim3A_1518, %add3A_1525] : memref<640x128xf32, #tpu.memory_space<vmem>>[vector<16xi32>, vector<16xi32>], vector<16xf32>,
      %mul3A_1527 = arith.mulf %gather3A_1522, %gather3A_1519 : vector<16xf32>
      %add3A_1528 = arith.addf %add3A_1511, %mul3A_1527 : vector<16xf32>
      %mul3A_1529 = arith.mulf %gather3A_1526, %gather3A_1519 : vector<16xf32>
      %add3A_1530 = arith.addf %add3A_1513, %mul3A_1529 : vector<16xf32>
      %mul3A_1531 = arith.constant 20 : i32
      %mul3A_1532 = arith.muli %scan3A_1459, %mul3A_1531 : i32
      %add3A_1533 = arith.constant 4 : i32
      %add3A_1534 = arith.addi %mul3A_1532, %add3A_1533 : i32
      %broadcast_in_dim3A_1535 = vector.broadcast %add3A_1534 : i32 to vector<16xi32>
      %gather3A_1536 = tpu.vector_load_idx %arg9[%broadcast_in_dim3A_1535] : memref<640xf32, #tpu.memory_space<vmem>>[vector<16xi32>], vector<16xf32>,
      %gather3A_1537 = tpu.vector_load_idx %arg10[%broadcast_in_dim3A_1535] : memref<640xi32, #tpu.memory_space<vmem>>[vector<16xi32>], vector<16xi32>,
      %add3A_1538 = arith.addi %gather3A_1537, %iota3A : vector<16xi32>
      %gather3A_1539 = tpu.vector_load_idx %arg12[%broadcast_in_dim3A_1535, %add3A_1538] : memref<640x128xf32, #tpu.memory_space<vmem>>[vector<16xi32>, vector<16xi32>], vector<16xf32>,
      %add3A_1540 = arith.constant 16 : i32
      %add3A_1541 = vector.broadcast %add3A_1540 : i32 to vector<16xi32>
      %add3A_1542 = arith.addi %add3A_1538, %add3A_1541 : vector<16xi32>
      %gather3A_1543 = tpu.vector_load_idx %arg12[%broadcast_in_dim3A_1535, %add3A_1542] : memref<640x128xf32, #tpu.memory_space<vmem>>[vector<16xi32>, vector<16xi32>], vector<16xf32>,
      %mul3A_1544 = arith.mulf %gather3A_1539, %gather3A_1536 : vector<16xf32>
      %add3A_1545 = arith.addf %add3A_1528, %mul3A_1544 : vector<16xf32>
      %mul3A_1546 = arith.mulf %gather3A_1543, %gather3A_1536 : vector<16xf32>
      %add3A_1547 = arith.addf %add3A_1530, %mul3A_1546 : vector<16xf32>
      %mul3A_1548 = arith.constant 20 : i32
      %mul3A_1549 = arith.muli %scan3A_1459, %mul3A_1548 : i32
      %add3A_1550 = arith.constant 5 : i32
      %add3A_1551 = arith.addi %mul3A_1549, %add3A_1550 : i32
      %broadcast_in_dim3A_1552 = vector.broadcast %add3A_1551 : i32 to vector<16xi32>
      %gather3A_1553 = tpu.vector_load_idx %arg9[%broadcast_in_dim3A_1552] : memref<640xf32, #tpu.memory_space<vmem>>[vector<16xi32>], vector<16xf32>,
      %gather3A_1554 = tpu.vector_load_idx %arg10[%broadcast_in_dim3A_1552] : memref<640xi32, #tpu.memory_space<vmem>>[vector<16xi32>], vector<16xi32>,
      %add3A_1555 = arith.addi %gather3A_1554, %iota3A : vector<16xi32>
      %gather3A_1556 = tpu.vector_load_idx %arg12[%broadcast_in_dim3A_1552, %add3A_1555] : memref<640x128xf32, #tpu.memory_space<vmem>>[vector<16xi32>, vector<16xi32>], vector<16xf32>,
      %add3A_1557 = arith.constant 16 : i32
      %add3A_1558 = vector.broadcast %add3A_1557 : i32 to vector<16xi32>
      %add3A_1559 = arith.addi %add3A_1555, %add3A_1558 : vector<16xi32>
      %gather3A_1560 = tpu.vector_load_idx %arg12[%broadcast_in_dim3A_1552, %add3A_1559] : memref<640x128xf32, #tpu.memory_space<vmem>>[vector<16xi32>, vector<16xi32>], vector<16xf32>,
      %mul3A_1561 = arith.mulf %gather3A_1556, %gather3A_1553 : vector<16xf32>
      %add3A_1562 = arith.addf %add3A_1545, %mul3A_1561 : vector<16xf32>
      %mul3A_1563 = arith.mulf %gather3A_1560, %gather3A_1553 : vector<16xf32>
      %add3A_1564 = arith.addf %add3A_1547, %mul3A_1563 : vector<16xf32>
      %mul3A_1565 = arith.constant 20 : i32
      %mul3A_1566 = arith.muli %scan3A_1459, %mul3A_1565 : i32
      %add3A_1567 = arith.constant 6 : i32
      %add3A_1568 = arith.addi %mul3A_1566, %add3A_1567 : i32
      %broadcast_in_dim3A_1569 = vector.broadcast %add3A_1568 : i32 to vector<16xi32>
      %gather3A_1570 = tpu.vector_load_idx %arg9[%broadcast_in_dim3A_1569] : memref<640xf32, #tpu.memory_space<vmem>>[vector<16xi32>], vector<16xf32>,
      %gather3A_1571 = tpu.vector_load_idx %arg10[%broadcast_in_dim3A_1569] : memref<640xi32, #tpu.memory_space<vmem>>[vector<16xi32>], vector<16xi32>,
      %add3A_1572 = arith.addi %gather3A_1571, %iota3A : vector<16xi32>
      %gather3A_1573 = tpu.vector_load_idx %arg12[%broadcast_in_dim3A_1569, %add3A_1572] : memref<640x128xf32, #tpu.memory_space<vmem>>[vector<16xi32>, vector<16xi32>], vector<16xf32>,
      %add3A_1574 = arith.constant 16 : i32
      %add3A_1575 = vector.broadcast %add3A_1574 : i32 to vector<16xi32>
      %add3A_1576 = arith.addi %add3A_1572, %add3A_1575 : vector<16xi32>
      %gather3A_1577 = tpu.vector_load_idx %arg12[%broadcast_in_dim3A_1569, %add3A_1576] : memref<640x128xf32, #tpu.memory_space<vmem>>[vector<16xi32>, vector<16xi32>], vector<16xf32>,
      %mul3A_1578 = arith.mulf %gather3A_1573, %gather3A_1570 : vector<16xf32>
      %add3A_1579 = arith.addf %add3A_1562, %mul3A_1578 : vector<16xf32>
      %mul3A_1580 = arith.mulf %gather3A_1577, %gather3A_1570 : vector<16xf32>
      %add3A_1581 = arith.addf %add3A_1564, %mul3A_1580 : vector<16xf32>
      %mul3A_1582 = arith.constant 20 : i32
      %mul3A_1583 = arith.muli %scan3A_1459, %mul3A_1582 : i32
      %add3A_1584 = arith.constant 7 : i32
      %add3A_1585 = arith.addi %mul3A_1583, %add3A_1584 : i32
      %broadcast_in_dim3A_1586 = vector.broadcast %add3A_1585 : i32 to vector<16xi32>
      %gather3A_1587 = tpu.vector_load_idx %arg9[%broadcast_in_dim3A_1586] : memref<640xf32, #tpu.memory_space<vmem>>[vector<16xi32>], vector<16xf32>,
      %gather3A_1588 = tpu.vector_load_idx %arg10[%broadcast_in_dim3A_1586] : memref<640xi32, #tpu.memory_space<vmem>>[vector<16xi32>], vector<16xi32>,
      %add3A_1589 = arith.addi %gather3A_1588, %iota3A : vector<16xi32>
      %gather3A_1590 = tpu.vector_load_idx %arg12[%broadcast_in_dim3A_1586, %add3A_1589] : memref<640x128xf32, #tpu.memory_space<vmem>>[vector<16xi32>, vector<16xi32>], vector<16xf32>,
      %add3A_1591 = arith.constant 16 : i32
      %add3A_1592 = vector.broadcast %add3A_1591 : i32 to vector<16xi32>
      %add3A_1593 = arith.addi %add3A_1589, %add3A_1592 : vector<16xi32>
      %gather3A_1594 = tpu.vector_load_idx %arg12[%broadcast_in_dim3A_1586, %add3A_1593] : memref<640x128xf32, #tpu.memory_space<vmem>>[vector<16xi32>, vector<16xi32>], vector<16xf32>,
      %mul3A_1595 = arith.mulf %gather3A_1590, %gather3A_1587 : vector<16xf32>
      %add3A_1596 = arith.addf %add3A_1579, %mul3A_1595 : vector<16xf32>
      %mul3A_1597 = arith.mulf %gather3A_1594, %gather3A_1587 : vector<16xf32>
      %add3A_1598 = arith.addf %add3A_1581, %mul3A_1597 : vector<16xf32>
      %mul3A_1599 = arith.constant 20 : i32
      %mul3A_1600 = arith.muli %scan3A_1459, %mul3A_1599 : i32
      %add3A_1601 = arith.constant 8 : i32
      %add3A_1602 = arith.addi %mul3A_1600, %add3A_1601 : i32
      %broadcast_in_dim3A_1603 = vector.broadcast %add3A_1602 : i32 to vector<16xi32>
      %gather3A_1604 = tpu.vector_load_idx %arg9[%broadcast_in_dim3A_1603] : memref<640xf32, #tpu.memory_space<vmem>>[vector<16xi32>], vector<16xf32>,
      %gather3A_1605 = tpu.vector_load_idx %arg10[%broadcast_in_dim3A_1603] : memref<640xi32, #tpu.memory_space<vmem>>[vector<16xi32>], vector<16xi32>,
      %add3A_1606 = arith.addi %gather3A_1605, %iota3A : vector<16xi32>
      %gather3A_1607 = tpu.vector_load_idx %arg12[%broadcast_in_dim3A_1603, %add3A_1606] : memref<640x128xf32, #tpu.memory_space<vmem>>[vector<16xi32>, vector<16xi32>], vector<16xf32>,
      %add3A_1608 = arith.constant 16 : i32
      %add3A_1609 = vector.broadcast %add3A_1608 : i32 to vector<16xi32>
      %add3A_1610 = arith.addi %add3A_1606, %add3A_1609 : vector<16xi32>
      %gather3A_1611 = tpu.vector_load_idx %arg12[%broadcast_in_dim3A_1603, %add3A_1610] : memref<640x128xf32, #tpu.memory_space<vmem>>[vector<16xi32>, vector<16xi32>], vector<16xf32>,
      %mul3A_1612 = arith.mulf %gather3A_1607, %gather3A_1604 : vector<16xf32>
      %add3A_1613 = arith.addf %add3A_1596, %mul3A_1612 : vector<16xf32>
      %mul3A_1614 = arith.mulf %gather3A_1611, %gather3A_1604 : vector<16xf32>
      %add3A_1615 = arith.addf %add3A_1598, %mul3A_1614 : vector<16xf32>
      %mul3A_1616 = arith.constant 20 : i32
      %mul3A_1617 = arith.muli %scan3A_1459, %mul3A_1616 : i32
      %add3A_1618 = arith.constant 9 : i32
      %add3A_1619 = arith.addi %mul3A_1617, %add3A_1618 : i32
      %broadcast_in_dim3A_1620 = vector.broadcast %add3A_1619 : i32 to vector<16xi32>
      %gather3A_1621 = tpu.vector_load_idx %arg9[%broadcast_in_dim3A_1620] : memref<640xf32, #tpu.memory_space<vmem>>[vector<16xi32>], vector<16xf32>,
      %gather3A_1622 = tpu.vector_load_idx %arg10[%broadcast_in_dim3A_1620] : memref<640xi32, #tpu.memory_space<vmem>>[vector<16xi32>], vector<16xi32>,
      %add3A_1623 = arith.addi %gather3A_1622, %iota3A : vector<16xi32>
      %gather3A_1624 = tpu.vector_load_idx %arg12[%broadcast_in_dim3A_1620, %add3A_1623] : memref<640x128xf32, #tpu.memory_space<vmem>>[vector<16xi32>, vector<16xi32>], vector<16xf32>,
      %add3A_1625 = arith.constant 16 : i32
      %add3A_1626 = vector.broadcast %add3A_1625 : i32 to vector<16xi32>
      %add3A_1627 = arith.addi %add3A_1623, %add3A_1626 : vector<16xi32>
      %gather3A_1628 = tpu.vector_load_idx %arg12[%broadcast_in_dim3A_1620, %add3A_1627] : memref<640x128xf32, #tpu.memory_space<vmem>>[vector<16xi32>, vector<16xi32>], vector<16xf32>,
      %mul3A_1629 = arith.mulf %gather3A_1624, %gather3A_1621 : vector<16xf32>
      %add3A_1630 = arith.addf %add3A_1613, %mul3A_1629 : vector<16xf32>
      %mul3A_1631 = arith.mulf %gather3A_1628, %gather3A_1621 : vector<16xf32>
      %add3A_1632 = arith.addf %add3A_1615, %mul3A_1631 : vector<16xf32>
      %mul3A_1633 = arith.constant 20 : i32
      %mul3A_1634 = arith.muli %scan3A_1459, %mul3A_1633 : i32
      %add3A_1635 = arith.constant 10 : i32
      %add3A_1636 = arith.addi %mul3A_1634, %add3A_1635 : i32
      %broadcast_in_dim3A_1637 = vector.broadcast %add3A_1636 : i32 to vector<16xi32>
      %gather3A_1638 = tpu.vector_load_idx %arg9[%broadcast_in_dim3A_1637] : memref<640xf32, #tpu.memory_space<vmem>>[vector<16xi32>], vector<16xf32>,
      %gather3A_1639 = tpu.vector_load_idx %arg10[%broadcast_in_dim3A_1637] : memref<640xi32, #tpu.memory_space<vmem>>[vector<16xi32>], vector<16xi32>,
      %add3A_1640 = arith.addi %gather3A_1639, %iota3A : vector<16xi32>
      %gather3A_1641 = tpu.vector_load_idx %arg12[%broadcast_in_dim3A_1637, %add3A_1640] : memref<640x128xf32, #tpu.memory_space<vmem>>[vector<16xi32>, vector<16xi32>], vector<16xf32>,
      %add3A_1642 = arith.constant 16 : i32
      %add3A_1643 = vector.broadcast %add3A_1642 : i32 to vector<16xi32>
      %add3A_1644 = arith.addi %add3A_1640, %add3A_1643 : vector<16xi32>
      %gather3A_1645 = tpu.vector_load_idx %arg12[%broadcast_in_dim3A_1637, %add3A_1644] : memref<640x128xf32, #tpu.memory_space<vmem>>[vector<16xi32>, vector<16xi32>], vector<16xf32>,
      %mul3A_1646 = arith.mulf %gather3A_1641, %gather3A_1638 : vector<16xf32>
      %add3A_1647 = arith.addf %add3A_1630, %mul3A_1646 : vector<16xf32>
      %mul3A_1648 = arith.mulf %gather3A_1645, %gather3A_1638 : vector<16xf32>
      %add3A_1649 = arith.addf %add3A_1632, %mul3A_1648 : vector<16xf32>
      %mul3A_1650 = arith.constant 20 : i32
      %mul3A_1651 = arith.muli %scan3A_1459, %mul3A_1650 : i32
      %add3A_1652 = arith.constant 11 : i32
      %add3A_1653 = arith.addi %mul3A_1651, %add3A_1652 : i32
      %broadcast_in_dim3A_1654 = vector.broadcast %add3A_1653 : i32 to vector<16xi32>
      %gather3A_1655 = tpu.vector_load_idx %arg9[%broadcast_in_dim3A_1654] : memref<640xf32, #tpu.memory_space<vmem>>[vector<16xi32>], vector<16xf32>,
      %gather3A_1656 = tpu.vector_load_idx %arg10[%broadcast_in_dim3A_1654] : memref<640xi32, #tpu.memory_space<vmem>>[vector<16xi32>], vector<16xi32>,
      %add3A_1657 = arith.addi %gather3A_1656, %iota3A : vector<16xi32>
      %gather3A_1658 = tpu.vector_load_idx %arg12[%broadcast_in_dim3A_1654, %add3A_1657] : memref<640x128xf32, #tpu.memory_space<vmem>>[vector<16xi32>, vector<16xi32>], vector<16xf32>,
      %add3A_1659 = arith.constant 16 : i32
      %add3A_1660 = vector.broadcast %add3A_1659 : i32 to vector<16xi32>
      %add3A_1661 = arith.addi %add3A_1657, %add3A_1660 : vector<16xi32>
      %gather3A_1662 = tpu.vector_load_idx %arg12[%broadcast_in_dim3A_1654, %add3A_1661] : memref<640x128xf32, #tpu.memory_space<vmem>>[vector<16xi32>, vector<16xi32>], vector<16xf32>,
      %mul3A_1663 = arith.mulf %gather3A_1658, %gather3A_1655 : vector<16xf32>
      %add3A_1664 = arith.addf %add3A_1647, %mul3A_1663 : vector<16xf32>
      %mul3A_1665 = arith.mulf %gather3A_1662, %gather3A_1655 : vector<16xf32>
      %add3A_1666 = arith.addf %add3A_1649, %mul3A_1665 : vector<16xf32>
      %mul3A_1667 = arith.constant 20 : i32
      %mul3A_1668 = arith.muli %scan3A_1459, %mul3A_1667 : i32
      %add3A_1669 = arith.constant 12 : i32
      %add3A_1670 = arith.addi %mul3A_1668, %add3A_1669 : i32
      %broadcast_in_dim3A_1671 = vector.broadcast %add3A_1670 : i32 to vector<16xi32>
      %gather3A_1672 = tpu.vector_load_idx %arg9[%broadcast_in_dim3A_1671] : memref<640xf32, #tpu.memory_space<vmem>>[vector<16xi32>], vector<16xf32>,
      %gather3A_1673 = tpu.vector_load_idx %arg10[%broadcast_in_dim3A_1671] : memref<640xi32, #tpu.memory_space<vmem>>[vector<16xi32>], vector<16xi32>,
      %add3A_1674 = arith.addi %gather3A_1673, %iota3A : vector<16xi32>
      %gather3A_1675 = tpu.vector_load_idx %arg12[%broadcast_in_dim3A_1671, %add3A_1674] : memref<640x128xf32, #tpu.memory_space<vmem>>[vector<16xi32>, vector<16xi32>], vector<16xf32>,
      %add3A_1676 = arith.constant 16 : i32
      %add3A_1677 = vector.broadcast %add3A_1676 : i32 to vector<16xi32>
      %add3A_1678 = arith.addi %add3A_1674, %add3A_1677 : vector<16xi32>
      %gather3A_1679 = tpu.vector_load_idx %arg12[%broadcast_in_dim3A_1671, %add3A_1678] : memref<640x128xf32, #tpu.memory_space<vmem>>[vector<16xi32>, vector<16xi32>], vector<16xf32>,
      %mul3A_1680 = arith.mulf %gather3A_1675, %gather3A_1672 : vector<16xf32>
      %add3A_1681 = arith.addf %add3A_1664, %mul3A_1680 : vector<16xf32>
      %mul3A_1682 = arith.mulf %gather3A_1679, %gather3A_1672 : vector<16xf32>
      %add3A_1683 = arith.addf %add3A_1666, %mul3A_1682 : vector<16xf32>
      %mul3A_1684 = arith.constant 20 : i32
      %mul3A_1685 = arith.muli %scan3A_1459, %mul3A_1684 : i32
      %add3A_1686 = arith.constant 13 : i32
      %add3A_1687 = arith.addi %mul3A_1685, %add3A_1686 : i32
      %broadcast_in_dim3A_1688 = vector.broadcast %add3A_1687 : i32 to vector<16xi32>
      %gather3A_1689 = tpu.vector_load_idx %arg9[%broadcast_in_dim3A_1688] : memref<640xf32, #tpu.memory_space<vmem>>[vector<16xi32>], vector<16xf32>,
      %gather3A_1690 = tpu.vector_load_idx %arg10[%broadcast_in_dim3A_1688] : memref<640xi32, #tpu.memory_space<vmem>>[vector<16xi32>], vector<16xi32>,
      %add3A_1691 = arith.addi %gather3A_1690, %iota3A : vector<16xi32>
      %gather3A_1692 = tpu.vector_load_idx %arg12[%broadcast_in_dim3A_1688, %add3A_1691] : memref<640x128xf32, #tpu.memory_space<vmem>>[vector<16xi32>, vector<16xi32>], vector<16xf32>,
      %add3A_1693 = arith.constant 16 : i32
      %add3A_1694 = vector.broadcast %add3A_1693 : i32 to vector<16xi32>
      %add3A_1695 = arith.addi %add3A_1691, %add3A_1694 : vector<16xi32>
      %gather3A_1696 = tpu.vector_load_idx %arg12[%broadcast_in_dim3A_1688, %add3A_1695] : memref<640x128xf32, #tpu.memory_space<vmem>>[vector<16xi32>, vector<16xi32>], vector<16xf32>,
      %mul3A_1697 = arith.mulf %gather3A_1692, %gather3A_1689 : vector<16xf32>
      %add3A_1698 = arith.addf %add3A_1681, %mul3A_1697 : vector<16xf32>
      %mul3A_1699 = arith.mulf %gather3A_1696, %gather3A_1689 : vector<16xf32>
      %add3A_1700 = arith.addf %add3A_1683, %mul3A_1699 : vector<16xf32>
      %mul3A_1701 = arith.constant 20 : i32
      %mul3A_1702 = arith.muli %scan3A_1459, %mul3A_1701 : i32
      %add3A_1703 = arith.constant 14 : i32
      %add3A_1704 = arith.addi %mul3A_1702, %add3A_1703 : i32
      %broadcast_in_dim3A_1705 = vector.broadcast %add3A_1704 : i32 to vector<16xi32>
      %gather3A_1706 = tpu.vector_load_idx %arg9[%broadcast_in_dim3A_1705] : memref<640xf32, #tpu.memory_space<vmem>>[vector<16xi32>], vector<16xf32>,
      %gather3A_1707 = tpu.vector_load_idx %arg10[%broadcast_in_dim3A_1705] : memref<640xi32, #tpu.memory_space<vmem>>[vector<16xi32>], vector<16xi32>,
      %add3A_1708 = arith.addi %gather3A_1707, %iota3A : vector<16xi32>
      %gather3A_1709 = tpu.vector_load_idx %arg12[%broadcast_in_dim3A_1705, %add3A_1708] : memref<640x128xf32, #tpu.memory_space<vmem>>[vector<16xi32>, vector<16xi32>], vector<16xf32>,
      %add3A_1710 = arith.constant 16 : i32
      %add3A_1711 = vector.broadcast %add3A_1710 : i32 to vector<16xi32>
      %add3A_1712 = arith.addi %add3A_1708, %add3A_1711 : vector<16xi32>
      %gather3A_1713 = tpu.vector_load_idx %arg12[%broadcast_in_dim3A_1705, %add3A_1712] : memref<640x128xf32, #tpu.memory_space<vmem>>[vector<16xi32>, vector<16xi32>], vector<16xf32>,
      %mul3A_1714 = arith.mulf %gather3A_1709, %gather3A_1706 : vector<16xf32>
      %add3A_1715 = arith.addf %add3A_1698, %mul3A_1714 : vector<16xf32>
      %mul3A_1716 = arith.mulf %gather3A_1713, %gather3A_1706 : vector<16xf32>
      %add3A_1717 = arith.addf %add3A_1700, %mul3A_1716 : vector<16xf32>
      %mul3A_1718 = arith.constant 20 : i32
      %mul3A_1719 = arith.muli %scan3A_1459, %mul3A_1718 : i32
      %add3A_1720 = arith.constant 15 : i32
      %add3A_1721 = arith.addi %mul3A_1719, %add3A_1720 : i32
      %broadcast_in_dim3A_1722 = vector.broadcast %add3A_1721 : i32 to vector<16xi32>
      %gather3A_1723 = tpu.vector_load_idx %arg9[%broadcast_in_dim3A_1722] : memref<640xf32, #tpu.memory_space<vmem>>[vector<16xi32>], vector<16xf32>,
      %gather3A_1724 = tpu.vector_load_idx %arg10[%broadcast_in_dim3A_1722] : memref<640xi32, #tpu.memory_space<vmem>>[vector<16xi32>], vector<16xi32>,
      %add3A_1725 = arith.addi %gather3A_1724, %iota3A : vector<16xi32>
      %gather3A_1726 = tpu.vector_load_idx %arg12[%broadcast_in_dim3A_1722, %add3A_1725] : memref<640x128xf32, #tpu.memory_space<vmem>>[vector<16xi32>, vector<16xi32>], vector<16xf32>,
      %add3A_1727 = arith.constant 16 : i32
      %add3A_1728 = vector.broadcast %add3A_1727 : i32 to vector<16xi32>
      %add3A_1729 = arith.addi %add3A_1725, %add3A_1728 : vector<16xi32>
      %gather3A_1730 = tpu.vector_load_idx %arg12[%broadcast_in_dim3A_1722, %add3A_1729] : memref<640x128xf32, #tpu.memory_space<vmem>>[vector<16xi32>, vector<16xi32>], vector<16xf32>,
      %mul3A_1731 = arith.mulf %gather3A_1726, %gather3A_1723 : vector<16xf32>
      %add3A_1732 = arith.addf %add3A_1715, %mul3A_1731 : vector<16xf32>
      %mul3A_1733 = arith.mulf %gather3A_1730, %gather3A_1723 : vector<16xf32>
      %add3A_1734 = arith.addf %add3A_1717, %mul3A_1733 : vector<16xf32>
      %mul3A_1735 = arith.constant 20 : i32
      %mul3A_1736 = arith.muli %scan3A_1459, %mul3A_1735 : i32
      %add3A_1737 = arith.constant 16 : i32
      %add3A_1738 = arith.addi %mul3A_1736, %add3A_1737 : i32
      %broadcast_in_dim3A_1739 = vector.broadcast %add3A_1738 : i32 to vector<16xi32>
      %gather3A_1740 = tpu.vector_load_idx %arg9[%broadcast_in_dim3A_1739] : memref<640xf32, #tpu.memory_space<vmem>>[vector<16xi32>], vector<16xf32>,
      %gather3A_1741 = tpu.vector_load_idx %arg10[%broadcast_in_dim3A_1739] : memref<640xi32, #tpu.memory_space<vmem>>[vector<16xi32>], vector<16xi32>,
      %add3A_1742 = arith.addi %gather3A_1741, %iota3A : vector<16xi32>
      %gather3A_1743 = tpu.vector_load_idx %arg12[%broadcast_in_dim3A_1739, %add3A_1742] : memref<640x128xf32, #tpu.memory_space<vmem>>[vector<16xi32>, vector<16xi32>], vector<16xf32>,
      %add3A_1744 = arith.constant 16 : i32
      %add3A_1745 = vector.broadcast %add3A_1744 : i32 to vector<16xi32>
      %add3A_1746 = arith.addi %add3A_1742, %add3A_1745 : vector<16xi32>
      %gather3A_1747 = tpu.vector_load_idx %arg12[%broadcast_in_dim3A_1739, %add3A_1746] : memref<640x128xf32, #tpu.memory_space<vmem>>[vector<16xi32>, vector<16xi32>], vector<16xf32>,
      %mul3A_1748 = arith.mulf %gather3A_1743, %gather3A_1740 : vector<16xf32>
      %add3A_1749 = arith.addf %add3A_1732, %mul3A_1748 : vector<16xf32>
      %mul3A_1750 = arith.mulf %gather3A_1747, %gather3A_1740 : vector<16xf32>
      %add3A_1751 = arith.addf %add3A_1734, %mul3A_1750 : vector<16xf32>
      %mul3A_1752 = arith.constant 20 : i32
      %mul3A_1753 = arith.muli %scan3A_1459, %mul3A_1752 : i32
      %add3A_1754 = arith.constant 17 : i32
      %add3A_1755 = arith.addi %mul3A_1753, %add3A_1754 : i32
      %broadcast_in_dim3A_1756 = vector.broadcast %add3A_1755 : i32 to vector<16xi32>
      %gather3A_1757 = tpu.vector_load_idx %arg9[%broadcast_in_dim3A_1756] : memref<640xf32, #tpu.memory_space<vmem>>[vector<16xi32>], vector<16xf32>,
      %gather3A_1758 = tpu.vector_load_idx %arg10[%broadcast_in_dim3A_1756] : memref<640xi32, #tpu.memory_space<vmem>>[vector<16xi32>], vector<16xi32>,
      %add3A_1759 = arith.addi %gather3A_1758, %iota3A : vector<16xi32>
      %gather3A_1760 = tpu.vector_load_idx %arg12[%broadcast_in_dim3A_1756, %add3A_1759] : memref<640x128xf32, #tpu.memory_space<vmem>>[vector<16xi32>, vector<16xi32>], vector<16xf32>,
      %add3A_1761 = arith.constant 16 : i32
      %add3A_1762 = vector.broadcast %add3A_1761 : i32 to vector<16xi32>
      %add3A_1763 = arith.addi %add3A_1759, %add3A_1762 : vector<16xi32>
      %gather3A_1764 = tpu.vector_load_idx %arg12[%broadcast_in_dim3A_1756, %add3A_1763] : memref<640x128xf32, #tpu.memory_space<vmem>>[vector<16xi32>, vector<16xi32>], vector<16xf32>,
      %mul3A_1765 = arith.mulf %gather3A_1760, %gather3A_1757 : vector<16xf32>
      %add3A_1766 = arith.addf %add3A_1749, %mul3A_1765 : vector<16xf32>
      %mul3A_1767 = arith.mulf %gather3A_1764, %gather3A_1757 : vector<16xf32>
      %add3A_1768 = arith.addf %add3A_1751, %mul3A_1767 : vector<16xf32>
      %mul3A_1769 = arith.constant 20 : i32
      %mul3A_1770 = arith.muli %scan3A_1459, %mul3A_1769 : i32
      %add3A_1771 = arith.constant 18 : i32
      %add3A_1772 = arith.addi %mul3A_1770, %add3A_1771 : i32
      %broadcast_in_dim3A_1773 = vector.broadcast %add3A_1772 : i32 to vector<16xi32>
      %gather3A_1774 = tpu.vector_load_idx %arg9[%broadcast_in_dim3A_1773] : memref<640xf32, #tpu.memory_space<vmem>>[vector<16xi32>], vector<16xf32>,
      %gather3A_1775 = tpu.vector_load_idx %arg10[%broadcast_in_dim3A_1773] : memref<640xi32, #tpu.memory_space<vmem>>[vector<16xi32>], vector<16xi32>,
      %add3A_1776 = arith.addi %gather3A_1775, %iota3A : vector<16xi32>
      %gather3A_1777 = tpu.vector_load_idx %arg12[%broadcast_in_dim3A_1773, %add3A_1776] : memref<640x128xf32, #tpu.memory_space<vmem>>[vector<16xi32>, vector<16xi32>], vector<16xf32>,
      %add3A_1778 = arith.constant 16 : i32
      %add3A_1779 = vector.broadcast %add3A_1778 : i32 to vector<16xi32>
      %add3A_1780 = arith.addi %add3A_1776, %add3A_1779 : vector<16xi32>
      %gather3A_1781 = tpu.vector_load_idx %arg12[%broadcast_in_dim3A_1773, %add3A_1780] : memref<640x128xf32, #tpu.memory_space<vmem>>[vector<16xi32>, vector<16xi32>], vector<16xf32>,
      %mul3A_1782 = arith.mulf %gather3A_1777, %gather3A_1774 : vector<16xf32>
      %add3A_1783 = arith.addf %add3A_1766, %mul3A_1782 : vector<16xf32>
      %mul3A_1784 = arith.mulf %gather3A_1781, %gather3A_1774 : vector<16xf32>
      %add3A_1785 = arith.addf %add3A_1768, %mul3A_1784 : vector<16xf32>
      %mul3A_1786 = arith.constant 20 : i32
      %mul3A_1787 = arith.muli %scan3A_1459, %mul3A_1786 : i32
      %add3A_1788 = arith.constant 19 : i32
      %add3A_1789 = arith.addi %mul3A_1787, %add3A_1788 : i32
      %broadcast_in_dim3A_1790 = vector.broadcast %add3A_1789 : i32 to vector<16xi32>
      %gather3A_1791 = tpu.vector_load_idx %arg9[%broadcast_in_dim3A_1790] : memref<640xf32, #tpu.memory_space<vmem>>[vector<16xi32>], vector<16xf32>,
      %gather3A_1792 = tpu.vector_load_idx %arg10[%broadcast_in_dim3A_1790] : memref<640xi32, #tpu.memory_space<vmem>>[vector<16xi32>], vector<16xi32>,
      %add3A_1793 = arith.addi %gather3A_1792, %iota3A : vector<16xi32>
      %gather3A_1794 = tpu.vector_load_idx %arg12[%broadcast_in_dim3A_1790, %add3A_1793] : memref<640x128xf32, #tpu.memory_space<vmem>>[vector<16xi32>, vector<16xi32>], vector<16xf32>,
      %add3A_1795 = arith.constant 16 : i32
      %add3A_1796 = vector.broadcast %add3A_1795 : i32 to vector<16xi32>
      %add3A_1797 = arith.addi %add3A_1793, %add3A_1796 : vector<16xi32>
      %gather3A_1798 = tpu.vector_load_idx %arg12[%broadcast_in_dim3A_1790, %add3A_1797] : memref<640x128xf32, #tpu.memory_space<vmem>>[vector<16xi32>, vector<16xi32>], vector<16xf32>,
      %mul3A_1799 = arith.mulf %gather3A_1794, %gather3A_1791 : vector<16xf32>
      %add3A_1800 = arith.addf %add3A_1783, %mul3A_1799 : vector<16xf32>
      %mul3A_1801 = arith.mulf %gather3A_1798, %gather3A_1791 : vector<16xf32>
      %add3A_1802 = arith.addf %add3A_1785, %mul3A_1801 : vector<16xf32>
      %swap3A_1803 = arith.index_cast %scan3A_1459 : i32 to index
      %swap3A_1804 = arith.constant 0 : index
      %swap3A_1805 = tpu.vector_load %arg16[%swap3A_1803, %swap3A_1804] {strides = array<i32>} : memref<32x32xf32, #tpu.memory_space<vmem>>, vector<16xf32>,
      tpu.vector_store %arg16[%swap3A_1803, %swap3A_1804], %add3A_1800 {strides = array<i32>} : memref<32x32xf32, #tpu.memory_space<vmem>>, vector<16xf32>,
      %swap3A_1806 = arith.index_cast %scan3A_1459 : i32 to index
      %swap3A_1807 = arith.constant 16 : index
      %swap3A_1808 = tpu.vector_load %arg16[%swap3A_1806, %swap3A_1807] {strides = array<i32>} : memref<32x32xf32, #tpu.memory_space<vmem>>, vector<16xf32>,
      tpu.vector_store %arg16[%swap3A_1806, %swap3A_1807], %add3A_1802 {strides = array<i32>} : memref<32x32xf32, #tpu.memory_space<vmem>>, vector<16xf32>,
    }
    %scan3A_1452 = arith.constant 32 : i32
    %scan3A_1453 = arith.constant 0 : i32
    %scan3A_1454 = arith.constant 0 : i32
    %scan3A_1455 = arith.constant 32 : i32
    %scan3A_1456 = arith.addi %scan3A_1454, %scan3A_1455 : i32
    %scan3A_1457 = arith.constant 1 : i32
    scf.for %scan3A_1459 = %scan3A_1454 to %scan3A_1456 step %scan3A_1457  : i32 {
      %broadcast_in_dim3A_1460 = vector.broadcast %scan3A_1459 : i32 to vector<16xi32>
      %gather3A = tpu.vector_load_idx %arg14[%broadcast_in_dim3A_1460] : memref<32xi32, #tpu.memory_space<vmem>>[vector<16xi32>], vector<16xi32>,
      %add3A_1461 = arith.addi %gather3A, %iota3A : vector<16xi32>
      %gather3A_1462 = tpu.vector_load_idx %arg15[%broadcast_in_dim3A_1460, %add3A_1461] : memref<32x128xf32, #tpu.memory_space<vmem>>[vector<16xi32>, vector<16xi32>], vector<16xf32>,
      %swap3A_1463 = arith.index_cast %scan3A_1459 : i32 to index
      %swap3A_1464 = arith.constant 0 : index
      %swap3A_1465 = tpu.vector_load %arg17[%swap3A_1463, %swap3A_1464] {strides = array<i32>} : memref<32x32xf32, #tpu.memory_space<vmem>>, vector<16xf32>,
      tpu.vector_store %arg17[%swap3A_1463, %swap3A_1464], %gather3A_1462 {strides = array<i32>} : memref<32x32xf32, #tpu.memory_space<vmem>>, vector<16xf32>,
      %add3A_1466 = arith.constant 16 : i32
      %add3A_1467 = vector.broadcast %add3A_1466 : i32 to vector<16xi32>
      %add3A_1468 = arith.addi %add3A_1461, %add3A_1467 : vector<16xi32>
      %gather3A_1469 = tpu.vector_load_idx %arg15[%broadcast_in_dim3A_1460, %add3A_1468] : memref<32x128xf32, #tpu.memory_space<vmem>>[vector<16xi32>, vector<16xi32>], vector<16xf32>,
      %swap3A_1470 = arith.index_cast %scan3A_1459 : i32 to index
      %swap3A_1471 = arith.constant 16 : index
      %swap3A_1472 = tpu.vector_load %arg17[%swap3A_1470, %swap3A_1471] {strides = array<i32>} : memref<32x32xf32, #tpu.memory_space<vmem>>, vector<16xf32>,
      tpu.vector_store %arg17[%swap3A_1470, %swap3A_1471], %gather3A_1469 {strides = array<i32>} : memref<32x32xf32, #tpu.memory_space<vmem>>, vector<16xf32>,
    }
    %scan3A_1458 = arith.constant 32 : i32
    "tpu.region"() ({
      %run_scoped3A = tpu.sem_alloc : memref<!tpu.dma_semaphore, #tpu.memory_space<semaphore_mem>>
      %dma_start3A_1459 = arith.constant 0 : i32
      %dma_start3A_1460 = tpu.memref_slice %arg6[%mul3A_2, %dma_start3A_1459] : memref<1024x32xf32, #tpu.memory_space<hbm>> -> memref<32x32xf32, #tpu.memory_space<hbm>>
      %dma_start3A_1461 = arith.constant 0 : i32
      %dma_start3A_1462 = tpu.memref_slice %arg6[%mul3A_2, %dma_start3A_1461] : memref<1024x32xf32, #tpu.memory_space<hbm>> -> memref<32x32xf32, #tpu.memory_space<hbm>>
      tpu.enqueue_dma source(%arg16 : memref<32x32xf32, #tpu.memory_space<vmem>>) target(%dma_start3A_1462 : memref<32x32xf32, #tpu.memory_space<hbm>>) target_semaphore(%run_scoped3A : memref<!tpu.dma_semaphore, #tpu.memory_space<semaphore_mem>>)
      %dma_wait3A_1463 = arith.constant 0 : i32
      %dma_wait3A_1464 = tpu.memref_slice %arg6[%mul3A_2, %dma_wait3A_1463] : memref<1024x32xf32, #tpu.memory_space<hbm>> -> memref<32x32xf32, #tpu.memory_space<hbm>>
      %dma_wait3A_1465 = arith.constant 0 : i32
      %dma_wait3A_1466 = tpu.memref_slice %arg6[%mul3A_2, %dma_wait3A_1465] : memref<1024x32xf32, #tpu.memory_space<hbm>> -> memref<32x32xf32, #tpu.memory_space<hbm>>
      tpu.wait_dma2 semaphore(%run_scoped3A : memref<!tpu.dma_semaphore, #tpu.memory_space<semaphore_mem>>) src(%arg16 : memref<32x32xf32, #tpu.memory_space<vmem>>) dst(%dma_wait3A_1466 : memref<32x32xf32, #tpu.memory_space<hbm>>)
      tpu.yield
    }) : () -> ()
    "tpu.region"() ({
      %run_scoped3A = tpu.sem_alloc : memref<!tpu.dma_semaphore, #tpu.memory_space<semaphore_mem>>
      %dma_start3A_1459 = arith.constant 0 : i32
      %dma_start3A_1460 = tpu.memref_slice %arg7[%mul3A_2, %dma_start3A_1459] : memref<1024x32xf32, #tpu.memory_space<hbm>> -> memref<32x32xf32, #tpu.memory_space<hbm>>
      %dma_start3A_1461 = arith.constant 0 : i32
      %dma_start3A_1462 = tpu.memref_slice %arg7[%mul3A_2, %dma_start3A_1461] : memref<1024x32xf32, #tpu.memory_space<hbm>> -> memref<32x32xf32, #tpu.memory_space<hbm>>
      tpu.enqueue_dma source(%arg17 : memref<32x32xf32, #tpu.memory_space<vmem>>) target(%dma_start3A_1462 : memref<32x32xf32, #tpu.memory_space<hbm>>) target_semaphore(%run_scoped3A : memref<!tpu.dma_semaphore, #tpu.memory_space<semaphore_mem>>)
      %dma_wait3A_1463 = arith.constant 0 : i32
      %dma_wait3A_1464 = tpu.memref_slice %arg7[%mul3A_2, %dma_wait3A_1463] : memref<1024x32xf32, #tpu.memory_space<hbm>> -> memref<32x32xf32, #tpu.memory_space<hbm>>
      %dma_wait3A_1465 = arith.constant 0 : i32
      %dma_wait3A_1466 = tpu.memref_slice %arg7[%mul3A_2, %dma_wait3A_1465] : memref<1024x32xf32, #tpu.memory_space<hbm>> -> memref<32x32xf32, #tpu.memory_space<hbm>>
      tpu.wait_dma2 semaphore(%run_scoped3A : memref<!tpu.dma_semaphore, #tpu.memory_space<semaphore_mem>>) src(%arg17 : memref<32x32xf32, #tpu.memory_space<vmem>>) dst(%dma_wait3A_1466 : memref<32x32xf32, #tpu.memory_space<hbm>>)
      tpu.yield
    }) : () -> ()
    return
  }
}

module attributes {stable_mosaic.version = 14 : i64} {
  func.func @_tc_body(%arg0: i32, %arg1: memref<1024x32xf32, #tpu.memory_space<vmem>>, %arg2: memref<1024x32xf32, #tpu.memory_space<vmem>>, %arg3: memref<2000x32xf32, #tpu.memory_space<vmem>>, %arg4: memref<1x1xf32, #tpu.memory_space<smem>>, %arg5: memref<1024x1xf32, #tpu.memory_space<vmem>>) attributes {dimension_semantics = [#tpu.dimension_semantics<arbitrary>], iteration_bounds = array<i64: 50>, scalar_prefetch = 0 : i64, scratch_operands = 1 : i64, tpu.core_type = #tpu.core_type<tc>, window_params = [{pipeline_mode = #tpu.pipeline_mode<synchronous>, transform_indices = @transform_0, window_bounds = array<i64: 1024, 32>}, {pipeline_mode = #tpu.pipeline_mode<synchronous>, transform_indices = @transform_1, window_bounds = array<i64: 1024, 32>}, {transform_indices = @transform_2, window_bounds = array<i64: 2000, 32>}, {transform_indices = @transform_3, window_bounds = array<i64: 1, 1>}]} {
    %get3A = arith.constant 0 : index
    %get3A_0 = arith.constant 0 : index
    %get3A_1 = vector.load %arg1[%get3A, %get3A_0] : memref<1024x32xf32, #tpu.memory_space<vmem>>, vector<1024x32xf32>
    %get3A_2 = arith.constant 0 : index
    %get3A_3 = arith.constant 0 : index
    %get3A_4 = vector.load %arg3[%get3A_2, %get3A_3] : memref<2000x32xf32, #tpu.memory_space<vmem>>, vector<2000x32xf32>
    %mul3A = arith.constant 1.44269502 : f32
    %mul3A_5 = vector.broadcast %mul3A : f32 to vector<1024x32xf32>
    %mul3A_6 = arith.mulf %get3A_1, %mul3A_5 : vector<1024x32xf32>
    %convert_element_type3A = arith.truncf %mul3A_6 : vector<1024x32xf32> to vector<1024x32xbf16>
    %convert_element_type3A_7 = arith.truncf %get3A_4 : vector<2000x32xf32> to vector<2000x32xbf16>
    %dot_general3A = arith.constant dense<0.000000e+00> : vector<1024x2000xf32>
    %dot_general3A_8 = tpu.matmul %convert_element_type3A, %convert_element_type3A_7, %dot_general3A {dimension_numbers = #tpu.dot_dimension_numbers<[1], [1], [0], [0], [0, 0, 1, 0], [], []>, transpose_lhs_hint = false} : vector<1024x32xbf16>, vector<2000x32xbf16>, vector<1024x2000xf32> -> vector<1024x2000xf32>
    %exp23A = math.exp2 %dot_general3A_8 : vector<1024x2000xf32>
    %reduce_sum3A = arith.constant dense<0.000000e+00> : vector<1024xf32>
    %reduce_sum3A_9 = vector.multi_reduction <add>, %exp23A, %reduce_sum3A [1] : vector<1024x2000xf32> to vector<1024xf32>
    %broadcast_in_dim3A = vector.shape_cast %reduce_sum3A_9 : vector<1024xf32> to vector<1024x1xf32>
    %eq3A = arith.constant 0 : i32
    %eq3A_10 = arith.cmpi eq, %arg0, %eq3A : i32
    %convert_element_type3A_11 = arith.extui %eq3A_10 : i1 to i32
    %cond3A = arith.constant 0 : i32
    %cond3A_12 = arith.cmpi ne, %convert_element_type3A_11, %cond3A : i32
    scf.if %cond3A_12 {
      %swap3A = arith.constant 0 : index
      %swap3A_22 = arith.constant 0 : index
      %swap3A_23 = vector.load %arg5[%swap3A, %swap3A_22] : memref<1024x1xf32, #tpu.memory_space<vmem>>, vector<1024x1xf32>
      tpu.vector_store %arg5[%swap3A, %swap3A_22], %broadcast_in_dim3A {strides = array<i32>} : memref<1024x1xf32, #tpu.memory_space<vmem>>, vector<1024x1xf32>,
    } else {
    }
    %gt3A = arith.constant 0 : i32
    %gt3A_13 = arith.cmpi sgt, %arg0, %gt3A : i32
    %convert_element_type3A_14 = arith.extui %gt3A_13 : i1 to i32
    %cond3A_15 = arith.constant 0 : i32
    %cond3A_16 = arith.cmpi ne, %convert_element_type3A_14, %cond3A_15 : i32
    scf.if %cond3A_16 {
      %get3A_22 = arith.constant 0 : index
      %get3A_23 = arith.constant 0 : index
      %get3A_24 = vector.load %arg5[%get3A_22, %get3A_23] : memref<1024x1xf32, #tpu.memory_space<vmem>>, vector<1024x1xf32>
      %add3A = arith.addf %get3A_24, %broadcast_in_dim3A : vector<1024x1xf32>
      %swap3A = arith.constant 0 : index
      %swap3A_25 = arith.constant 0 : index
      %swap3A_26 = vector.load %arg5[%swap3A, %swap3A_25] : memref<1024x1xf32, #tpu.memory_space<vmem>>, vector<1024x1xf32>
      tpu.vector_store %arg5[%swap3A, %swap3A_25], %add3A {strides = array<i32>} : memref<1024x1xf32, #tpu.memory_space<vmem>>, vector<1024x1xf32>,
    } else {
    }
    %eq3A_17 = arith.constant 49 : i32
    %eq3A_18 = arith.cmpi eq, %arg0, %eq3A_17 : i32
    %convert_element_type3A_19 = arith.extui %eq3A_18 : i1 to i32
    %cond3A_20 = arith.constant 0 : i32
    %cond3A_21 = arith.cmpi ne, %convert_element_type3A_19, %cond3A_20 : i32
    scf.if %cond3A_21 {
      %get3A_22 = arith.constant 0 : index
      %get3A_23 = arith.constant 0 : index
      %get3A_24 = vector.load %arg2[%get3A_22, %get3A_23] : memref<1024x32xf32, #tpu.memory_space<vmem>>, vector<1024x32xf32>
      %mul3A_25 = arith.mulf %get3A_1, %get3A_24 : vector<1024x32xf32>
      %reduce_sum3A_26 = arith.constant dense<0.000000e+00> : vector<1024xf32>
      %reduce_sum3A_27 = vector.multi_reduction <add>, %mul3A_25, %reduce_sum3A_26 [1] : vector<1024x32xf32> to vector<1024xf32>
      %broadcast_in_dim3A_28 = vector.shape_cast %reduce_sum3A_27 : vector<1024xf32> to vector<1024x1xf32>
      %get3A_29 = arith.constant 0 : index
      %get3A_30 = arith.constant 0 : index
      %get3A_31 = vector.load %arg5[%get3A_29, %get3A_30] : memref<1024x1xf32, #tpu.memory_space<vmem>>, vector<1024x1xf32>
      %log3A = math.log %get3A_31 : vector<1024x1xf32>
      %sub3A = arith.subf %log3A, %broadcast_in_dim3A_28 : vector<1024x1xf32>
      %reduce_sum3A_32 = vector.shape_cast %sub3A : vector<1024x1xf32> to vector<1x1024x1xf32>
      %reduce_sum3A_33 = arith.constant dense<0.000000e+00> : vector<1xf32>
      %reduce_sum3A_34 = vector.multi_reduction <add>, %reduce_sum3A_32, %reduce_sum3A_33 [1, 2] : vector<1x1024x1xf32> to vector<1xf32>
      %reduce_sum3A_35 = vector.shape_cast %reduce_sum3A_34 : vector<1xf32> to vector<1x1x1xf32>
      %reduce_sum3A_36 = vector.extract %reduce_sum3A_35[0, 0, 0] : f32 from vector<1x1x1xf32>
      %div3A = arith.constant 1.024000e+03 : f32
      %div3A_37 = arith.divf %reduce_sum3A_36, %div3A : f32
      %swap3A = arith.constant 0 : index
      %swap3A_38 = arith.constant 0 : index
      %swap3A_39 = memref.load %arg4[%swap3A, %swap3A_38] : memref<1x1xf32, #tpu.memory_space<smem>>
      memref.store %div3A_37, %arg4[%swap3A, %swap3A_38] : memref<1x1xf32, #tpu.memory_space<smem>>
    } else {
    }
    return
  }
  func.func @transform_0(%arg0: i32) -> (i32, i32) {
    %c0_i32 = arith.constant 0 : i32
    %c0_i32_0 = arith.constant 0 : i32
    %c0_i32_1 = arith.constant 0 : i32
    return %c0_i32, %c0_i32_0 : i32, i32
  }
  func.func @transform_1(%arg0: i32) -> (i32, i32) {
    %c0_i32 = arith.constant 0 : i32
    %c0_i32_0 = arith.constant 0 : i32
    %c0_i32_1 = arith.constant 0 : i32
    return %c0_i32, %c0_i32_0 : i32, i32
  }
  func.func @transform_2(%arg0: i32) -> (i32, i32) {
    %c0_i32 = arith.constant 0 : i32
    %c0_i32_0 = arith.constant 0 : i32
    return %arg0, %c0_i32 : i32, i32
  }
  func.func @transform_3(%arg0: i32) -> (i32, i32) {
    %c0_i32 = arith.constant 0 : i32
    %c0_i32_0 = arith.constant 0 : i32
    %c0_i32_1 = arith.constant 0 : i32
    return %c0_i32, %c0_i32_0 : i32, i32
  }
}

</mosaic_0001>

<sc_bundles>
// kernel: kernel.4.cloned.1.call-start
scs
__scs_entry_jumppad:
0x0: {  	(pc) =	sbr.rel $0x88, $3  }
0x1: {  	(tag) =	ssettag $0x0;
	lr =	simm.s32 $0x1  }
0x2: {  	[smem:$0x3F9D] =	sst lr;
	_ =	strace $0xD0000000  }
0x3: {  	_ = 	snop  }
0x4: {  	_ = 	snop  }
0x5: {  	_ = 	snop  }
0x6: {  	_ = 	snop  }
0x7: {  	_ = 	snop  }
__scs_overlays_trampoline_lowered:
0x8: {  	[smem:$0x3FAC] =	sst s0  }
0x9: {  	[smem:$0x3FAD] =	sst s1  }
0xa: {  	[smem:$0x3FAE] =	sst s2  }
0xb: {  	[smem:$0x3FAF] =	sst s3  }
0xc: {  	[smem:$0x3FB0] =	sst s4  }
0xd: {  	[smem:$0x3FB1] =	sst s5  }
0xe: {  	[smem:$0x3FB2] =	sst s6  }
0xf: {  	[smem:$0x3FB3] =	sst s7  }
0x10: {  	[smem:$0x3FB4] =	sst s8  }
0x11: {  	[smem:$0x3FB5] =	sst s9;
	s0 =	simm.s32 @!p0 $0x0  }
0x12: {  	s1 =	sld [smem:$0x3F9B];
	s0 =	simm.s32 @p0 $0x1  }
0x13: {  	[smem:$0x3FB6] =	sst s0;
	s0 =	simm.s32 @!p1 $0x0  }
0x14: {  	s2 =	sld [smem:$0x3F9A];
	s0 =	simm.s32 @p1 $0x1  }
0x15: {  	[smem:$0x3FB7] =	sst s0;
	s0 =	simm.s32 @!p2 $0x0  }
0x16: {  	s3 =	sld [smem:$0x3FDB];
	s0 =	simm.s32 @p2 $0x1  }
0x17: {  	s4 =	simm.s32 $0x1BF5;
	[smem:$0x3FB9] =	sst s0  }
0x18: {  	s0 =	sld [smem:$0x3F9C];
	_ =	swait.ge [sflag:s4], $0x0  }
0x19: {  	s7 =	sld [smem:$0x3F9D]  }
0x1a: {  	s8 =	sadd.s32 $0xFFFFE003, lr  }
0x1b: {  	s9 =	sadd.s32 $0xFFFFFEF7, lr;
	s5 =	simm.s32 $0xFFFFFFFF;
	p2 =	slt.u32 s8, $0xFFFFF086  }
0x1c: {  	p1 =	slt.u32 s9, $0xF7A;
	s5 =	simm.s32 @!p2 $0x0  }
0x1d: {  	s5 =	simm.s32 @p1 $0x1;
	p0 =	seq.s32 s7, s2  }
0x1e: {  	s7 =	smul.u32 @!p0 $0xF7A, s2;
	p2 =	seq.s32 @!p0 s5, $0x0  }
0x1f: {  	s9 =	smul.u32 $0xF7A, s1;
	s8 =	simm.s32 @!p0 $0x1BF5;
	p2 =	por !p2, p0  }
0x20: {  	[sflag:s8] =	ssyncset.s32 @!p0 $0xFFFFF086;
	s6 =	sadd.s32 @!p0 s3, s7;
	s7 =	simm.s32 @!p0 $0x108  }
0x21: {  	s3 =	sadd.s32 s3, s9;
	s6 =	sadd.s32 @!p0 $0x88, s6;
	s7 =	simm.s32 @p2 $0x1082  }
0x22: {  	[simem:s7], [sflag:s8] =	dma.local @!p0 [hbm:s6], $0xF7A  }
0x23: {  	s9 =	sor.u32 $0xD0000000, s2;
	s6 =	simm.s32 $0x108;
	_ =	swait.ge @!p0 [sflag:s8], $0x0  }
0x24: {  	s3 =	sadd.s32 $0x88, s3;
	s6 =	simm.s32 @!p1 $0x1082;
	[sflag:s4] =	ssyncset.s32 $0xFFFFF086  }
0x25: {  	[simem:s6], [sflag:s4] =	dma.local [hbm:s3], $0xF7A  }
0x26: {  	[smem:$0x3F9D] =	sst s1;
	(tag) =	ssettag s2;
	_ =	strace s9  }
0x27: {  	s1 =	sld [smem:$0x3FAD]  }
0x28: {  	s2 =	sld [smem:$0x3FAE]  }
0x29: {  	s4 =	sld [smem:$0x3FB0]  }
0x2a: {  	p0 =	seq.s32 s5, $0x0;
	s5 =	sld [smem:$0x3FB1]  }
0x2b: {  	s6 =	sld [smem:$0x3FB2]  }
0x2c: {  	s7 =	sld [smem:$0x3FB3]  }
0x2d: {  	s3 =	simm.s32 $0x108;
	s8 =	sld [smem:$0x3FB4]  }
0x2e: {  	s3 =	simm.s32 @!p0 $0x1082;
	s9 =	sld [smem:$0x3FB5]  }
0x2f: {  	lr =	sadd.s32 s0, s3;
	s0 =	sld [smem:$0x3FAC]  }
0x30: {  	s3 =	sld [smem:$0x3FAF]  }
0x31: {  	[smem:$0x3FB8] =	sst s10  }
0x32: {  	s10 =	sld [smem:$0x3FB6];
	_ =	sdelay $0x3  }
0x33: {  	p0 =	seq.s32 s10, $0x1;
	s10 =	sld [smem:$0x3FB8];
	_ =	sdelay $0x3  }
0x34: {  	[smem:$0x3FB8] =	sst s10  }
0x35: {  	s10 =	sld [smem:$0x3FB7];
	_ =	sdelay $0x3  }
0x36: {  	p1 =	seq.s32 s10, $0x1;
	s10 =	sld [smem:$0x3FB8];
	_ =	sdelay $0x3  }
0x37: {  	[smem:$0x3FB8] =	sst s10  }
0x38: {  	s10 =	sld [smem:$0x3FB9]  }
0x39: {  	_ = 	snop;
	(pc) =	sbr.ind lr, $3  }
0x3a: {  	_ = 	snop  }
0x3b: {  	_ = 	snop  }
0x3c: {  	p2 =	seq.s32 s10, $0x1;
	s10 =	sld [smem:$0x3FB8]  }
0x3d: {  	_ =	shalt  }
0x3e: {  	_ =	shalt  }
0x3f: {  	_ =	shalt  }
0x40: {  	_ =	shalt  }
0x41: {  	_ =	shalt  }
0x42: {  	_ =	shalt  }
0x43: {  	_ =	shalt  }
0x44: {  	_ =	shalt  }
0x45: {  	_ =	shalt  }
0x46: {  	_ =	shalt  }
0x47: {  	_ =	shalt  }
0x48: {  	_ =	shalt  }
0x49: {  	_ =	shalt  }
0x4a: {  	_ =	shalt  }
0x4b: {  	_ =	shalt  }
0x4c: {  	_ =	shalt  }
0x4d: {  	_ =	shalt  }
0x4e: {  	_ =	shalt  }
0x4f: {  	_ =	shalt  }
0x50: {  	_ =	shalt  }
0x51: {  	_ =	shalt  }
0x52: {  	_ =	shalt  }
0x53: {  	_ =	shalt  }
0x54: {  	_ =	shalt  }
0x55: {  	_ =	shalt  }
0x56: {  	_ =	shalt  }
0x57: {  	_ =	shalt  }
0x58: {  	_ =	shalt  }
0x59: {  	_ =	shalt  }
0x5a: {  	_ =	shalt  }
0x5b: {  	_ =	shalt  }
0x5c: {  	_ =	shalt  }
0x5d: {  	_ =	shalt  }
0x5e: {  	_ =	shalt  }
0x5f: {  	_ =	shalt  }
0x60: {  	_ =	shalt  }
0x61: {  	_ =	shalt  }
0x62: {  	_ =	shalt  }
0x63: {  	_ =	shalt  }
0x64: {  	_ =	shalt  }
0x65: {  	_ =	shalt  }
0x66: {  	_ =	shalt  }
0x67: {  	_ =	shalt  }
0x68: {  	_ =	shalt  }
0x69: {  	_ =	shalt  }
0x6a: {  	_ =	shalt  }
0x6b: {  	_ =	shalt  }
0x6c: {  	_ =	shalt  }
0x6d: {  	_ =	shalt  }
0x6e: {  	_ =	shalt  }
0x6f: {  	_ =	shalt  }
0x70: {  	_ =	shalt  }
0x71: {  	_ =	shalt  }
0x72: {  	_ =	shalt  }
0x73: {  	_ =	shalt  }
0x74: {  	_ =	shalt  }
0x75: {  	_ =	shalt  }
0x76: {  	_ =	shalt  }
0x77: {  	_ =	shalt  }
0x78: {  	_ =	shalt  }
0x79: {  	_ =	shalt  }
0x7a: {  	_ =	shalt  }
0x7b: {  	_ =	shalt  }
0x7c: {  	_ =	shalt  }
0x7d: {  	_ =	shalt  }
0x7e: {  	_ =	shalt  }
0x7f: {  	_ =	shalt  }
0x80: {  	_ =	shalt  }
0x81: {  	_ =	shalt  }
0x82: {  	_ =	shalt  }
0x83: {  	_ =	shalt  }
0x84: {  	_ =	shalt  }
0x85: {  	_ =	shalt  }
0x86: {  	_ =	shalt  }
0x87: {  	_ =	shalt  }
.Lfunc_end0:
.L_simem_size_0:
called_computation_lowered:
.L_overlay_start_0:
0x88: {  	s2 =	sld [smem:$0x3FD9]  }
0x89: {  	s3 =	sld [smem:$0x3FFE];
	_ =	sdelay $0x1  }
0x8a: {  	s1 =	srdreg.scid  }
0x8b: {  	s0 =	sand.u32 $0x1, s1  }
0x8c: {  	s17 =	sshll.u32 s0, $0xA;
	s2 =	sadd.s32 s3, s2  }
0x8d: {  	s2 =	sadd.s32 s2, s17  }
0x8e: {  	[smem:$0x3FC4] =	sst s2  }
0x8f: {  	_ = 	snop  }
0x90: {  	s2 =	sld [smem:$0x3FC8];
	(tm) =	ssettm $0x1  }
0x91: {  	s18 =	sld [smem:$0x3FFB];
	_ =	sdelay $0x3  }
0x92: {  	_ =	strace s18  }
0x93: {  	s3 =	sld [smem:$0x3FFC];
	_ =	sdelay $0x3  }
0x94: {  	_ =	strace s3  }
0x95: {  	s3 =	sld [smem:$0x3FFD];
	_ =	sdelay $0x3  }
0x96: {  	_ =	strace s3  }
0x97: {  	_ =	strace $0x8FFFFFFF  }
0x98: {  	s19 =	sld [smem:$0x3FDB];
	_ =	sdelay $0x1  }
0x99: {  	s4 =	simm.s32 $_scs_section_size  }
0x9a: {  	s5 =	simm.s32 $_size__tile_overlayer_lowered;
	s6 =	simm.s32 $_tile_overlayer_lowered  }
0x9b: {  	s22 =	simm.s32 $0x1BFF;
	s21 =	sshll.u32 s6, $0x1;
	s3 =	sadd.s32 s4, s19  }
0x9c: {  	s7 =	simm.s32 $0x0;
	s20 =	sshll.u32 s5, $0x1;
	s5 =	sadd.s32 s21, s3  }
0x9d: {  	[timem:s7], [sflag:s22] =	dma.local [hbm:s5], s20  }
0x9e: {  	_ =	swait.ge [sflag:s22], s20  }
0x9f: {  	s4 =	ssub.s32 $0x0, s20;
	[sflag:s22] =	ssyncset.done $0x0  }
0xa0: {  	[sflag:s22] =	ssyncadd.s32 s4;
	_ =	sdelay $0x1  }
0xa1: {  	s23 =	simm.s32 $0x1B8B  }
0xa2: {  	_ =	swait.ge [sflag:s23], $0x1  }
0xa3: {  	[sflag:s23] =	ssyncset.done $0x0  }
0xa4: {  	s25 =	simm.s32 $0x1B8E;
	s24 =	sld [smem:$0x3FFE];
	[sflag:s23] =	ssyncadd.s32 $0xFFFFFFFF  }
0xa5: {  	s26 =	simm.s32 $execute0_lowered;
	[smem:$0x3FD2] =	sst s25  }
0xa6: {  	s5 =	sshll.u32 s26, $0x1;
	_ =	strace $0x80000046;
	[dreg:$0x1] =	wrdreg $0xFFFFFFFF  }
0xa7: {  	s28 =	simm.s32 $_size_execute0_lowered;
	s3 =	sadd.s32 s3, s5;
	[dreg:$0x0] =	wrdreg $0x0  }
0xa8: {  	s5 =	sshll.u32 s28, $0x1;
	[dreg:$0x2] =	wrdreg s3  }
0xa9: {  	[dreg:$0x3] =	wrdreg s5  }
0xaa: {  	[dreg:$0x4] =	wrdreg $0xC0  }
0xab: {  	_ =	task [dreg:s7], $0x5FFFF  }
0xac: {  	[dreg:$0x1] =	wrdreg $0xFFFFFFFF  }
0xad: {  	[dreg:$0x0] =	wrdreg $0x60  }
0xae: {  	[dreg:$0x2] =	wrdreg s24  }
0xaf: {  	[dreg:$0x3] =	wrdreg s2  }
0xb0: {  	[dreg:$0x4] =	wrdreg $0x9  }
0xb1: {  	_ =	task.clear_ibuf [dreg:s7], $0x5FFFF;
	_ =	strace $0x90000046  }
0xb2: {  	s29 =	simm.s32 $0x9;
	_ =	strace $0x80000048  }
0xb3: {  	_ =	swait.ge [sflag:s29], $0x1  }
0xb4: {  	[sflag:s29] =	ssyncadd.s32 $0xFFFFFFFF  }
0xb5: {  	_ =	strace $0x90000048  }
0xb6: {  	_ =	sfence  }
0xb7: {  	s30 =	sld [smem:$0x0];
	_ =	sdelay $0x2  }
0xb8: {  	s31 =	sshll.u32 s1, $0xD;
	s1 =	sshrl.u32 s1, $0x2  }
0xb9: {  	s3 =	sand.u32 $0x4000, s31;
	s1 =	sadd.s32 s1, s30  }
0xba: {  	s0 =	sor.u32 s3, s0;
	s1 =	sshll.u32 s1, $0x11  }
0xbb: {  	s0 =	sor.u32 s1, s0  }
0xbc: {  	s0 =	sadd.s32 $0x8F2B, s0  }
0xbd: {  	[sflag:s0] =	ssyncadd.remote.s32 $0x1  }
0xbe: {  	_ =	sfence.sel $0xFFFF  }
0xbf: {  	[dreg:$0x0] =	wrdreg $0xFFFFFFFF;
	(pc) =	sbr.abs _section_cstart, $3  }
0xc0: {  	[dreg:$0x1] =	wrdreg $0xFFFFFFFF  }
0xc1: {  	_ =	task.clear_ibuf [dreg:s7], $0x2FFFF;
	_ =	strace $0x9FFFFFFF  }
0xc2: {  	(tm) =	ssettm $0x7FFFFFFF  }
0xc3: {  	_ =	shalt  }
tec
execute0_lowered:
.L_overlay_start_1:
0x0: {  	(tag) =	ssettag $0x1  }
0x1: {  	s0 =	rddreg [dreg:$0x0]  }
0x2: {  	s1 =	srdreg.scid;
	s2 =	stileid.u32  }
0x3: {  	s6 =	rddreg [dreg:$0x1];
	s10 =	simm.s32 $0x2;
	s11 =	simm.s32 $0x14A00  }
0x4: {  	s12 =	simm.s32 $0x80;
	s14 =	simm.s32 $0xA00;
	s16 =	simm.s32 $0x4A00  }
0x5: {  	s17 =	simm.s32 $0x880;
	s18 =	simm.s32 $0x8A00;
	s19 =	simm.s32 $0x900  }
0x6: {  	s20 =	simm.s32 $0xCA00;
	s21 =	simm.s32 $0x980;
	s22 =	simm.s32 $0x10A00  }
0x7: {  	s23 =	simm.s32 $0x20;
	s24 =	simm.s32 $0x14A40;
	s25 =	simm.s32 $0x1  }
0x8: {  	s28 =	simm.s32 $0x500;
	s29 =	simm.s32 $0x14A20;
	s30 =	simm.s32 $0x15A40  }
0x9: {  	s31 =	simm.s32 $0x15E40;
	s1 =	sand.u32 $0x1, s1;
	s3 =	sshll.u32 s2, $0x1  }
0xa: {  	s2 =	simm.s32 $0x0;
	s4 =	sadd.s32 $0x1EA800, s0;
	s5 =	sor.u32 s1, s3  }
0xb: {  	[smem:$0x7FF] =	sst s2;
	s1 =	ssub.s32 $0x2, s1;
	s3 =	smul.u32 $0x50, s5  }
0xc: {  	_ =	strace $0x80000047;
	s9 =	sshrl.u32 s1, $0x1;
	s26 =	sshll.u32 s5, $0x2  }
0xd: {  	s8 =	sshll.u32 s5, $0x7;
	s1 =	ssub.s32 s1, s9;
	s6 =	sadd.s32 s6, s26  }
0xe: {  	s26 =	simm.s32 $0x280;
	s7 =	sadd.s32 s3, s0;
	s3 =	sadd.s32 $0x188C00, s0  }
0xf: {  	v0 =	vlaneseq.u32;
	s0 =	sadd.s32 s8, s0;
	s9 =	smax.u32 s1, $0x1;
	s5 =	sadd.s32 $0x1800, s7  }
0x10: {  	v1 =	vimm.f32 $1.000000000e+00;
	v2 =	vor.u32 $0x10, v0;
	s1 =	simm.s32 $0x0;
	s7 =	sadd.s32 $0x24C400, s0;
	s8 =	sadd.s32 $0x24D400, s0  }
.LBB2_1:
0x11: {  	[tilespmem:s2], [sflag:$0x2] =	stream.linear.gather [hbm4b:s5+s2], $0x280, $0x38;
	[tilespmem:$0x16240] =	vst v63  }
0x12: {  	_ =	swait.ge [sflag:s10], $0x280  }
0x13: {  	[sflag:s10] =	ssyncset.done $0x0  }
0x14: {  	[sflag:s10] =	ssyncadd.s32 $0xFFFFFD80  }
0x15: {  	[tilespmem:s11], [sflag:$0x2] =	stream.linear.gather [hbm4b:s6+s2], $0x20, $0x38;
	[tilespmem:$0x16240] =	vst v63  }
0x16: {  	_ =	swait.ge [sflag:s10], $0x20  }
0x17: {  	[sflag:s10] =	ssyncset.done $0x0  }
0x18: {  	[sflag:s10] =	ssyncadd.s32 $0xFFFFFFE0  }
0x19: {  	v3 =	vld [tilespmem:$0x0]  }
0x1a: {  	v4 =	vld [tilespmem:$0x10]  }
0x1b: {  	v5 =	vld [tilespmem:$0x20]  }
0x1c: {  	v6 =	vld [tilespmem:$0x30]  }
0x1d: {  	v7 =	vld [tilespmem:$0x40]  }
0x1e: {  	v8 =	vld [tilespmem:$0x50]  }
0x1f: {  	v9 =	vld [tilespmem:$0x60];
	v3 =	vshrl.u32 v3, $0x2  }
0x20: {  	v56 =	vld [tilespmem:$0x70];
	[tilespmem:$0x780] =	vst v3;
	v3 =	vshrl.u32 v4, $0x2  }
0x21: {  	v57 =	vld [tilespmem:$0x80];
	[tilespmem:$0x790] =	vst v3;
	v3 =	vshrl.u32 v5, $0x2  }
0x22: {  	v58 =	vld [tilespmem:$0x90];
	[tilespmem:$0x7A0] =	vst v3;
	v3 =	vshrl.u32 v6, $0x2  }
0x23: {  	v59 =	vld [tilespmem:$0xA0];
	[tilespmem:$0x7B0] =	vst v3;
	v3 =	vshrl.u32 v7, $0x2  }
0x24: {  	v60 =	vld [tilespmem:$0xB0];
	[tilespmem:$0x7C0] =	vst v3;
	v3 =	vshrl.u32 v8, $0x2  }
0x25: {  	v61 =	vld [tilespmem:$0xC0];
	[tilespmem:$0x7D0] =	vst v3;
	v3 =	vshrl.u32 v9, $0x2  }
0x26: {  	v62 =	vld [tilespmem:$0xD0];
	[tilespmem:$0x7E0] =	vst v3;
	v3 =	vshrl.u32 v56, $0x2  }
0x27: {  	v63 =	vld [tilespmem:$0xE0];
	[tilespmem:$0x7F0] =	vst v3;
	v3 =	vshrl.u32 v57, $0x2  }
0x28: {  	v12 =	vld [tilespmem:$0xF0];
	[tilespmem:$0x800] =	vst v3;
	v3 =	vshrl.u32 v58, $0x2  }
0x29: {  	v13 =	vld [tilespmem:$0x100];
	[tilespmem:$0x810] =	vst v3;
	v3 =	vshrl.u32 v59, $0x2  }
0x2a: {  	v14 =	vld [tilespmem:$0x110];
	[tilespmem:$0x820] =	vst v3;
	v3 =	vshrl.u32 v60, $0x2  }
0x2b: {  	v15 =	vld [tilespmem:$0x120];
	[tilespmem:$0x830] =	vst v3;
	v3 =	vshrl.u32 v61, $0x2  }
0x2c: {  	v16 =	vld [tilespmem:$0x130];
	[tilespmem:$0x840] =	vst v3;
	v3 =	vshrl.u32 v62, $0x2  }
0x2d: {  	v17 =	vld [tilespmem:$0x140];
	[tilespmem:$0x850] =	vst v3;
	v3 =	vshrl.u32 v63, $0x2  }
0x2e: {  	v18 =	vld [tilespmem:$0x150];
	[tilespmem:$0x860] =	vst v3;
	v3 =	vshrl.u32 v12, $0x2  }
0x2f: {  	v19 =	vld [tilespmem:$0x160];
	[tilespmem:$0x870] =	vst v3;
	v3 =	vshrl.u32 v13, $0x2  }
0x30: {  	v20 =	vld [tilespmem:$0x170];
	[tilespmem:$0x880] =	vst v3;
	v3 =	vshrl.u32 v14, $0x2  }
0x31: {  	v21 =	vld [tilespmem:$0x180];
	[tilespmem:$0x890] =	vst v3;
	v3 =	vshrl.u32 v15, $0x2  }
0x32: {  	v22 =	vld [tilespmem:$0x190];
	[tilespmem:$0x8A0] =	vst v3;
	v3 =	vshrl.u32 v16, $0x2  }
0x33: {  	v23 =	vld [tilespmem:$0x1A0];
	[tilespmem:$0x8B0] =	vst v3;
	v3 =	vshrl.u32 v17, $0x2  }
0x34: {  	v24 =	vld [tilespmem:$0x1B0];
	[tilespmem:$0x8C0] =	vst v3;
	v3 =	vshrl.u32 v18, $0x2  }
0x35: {  	v25 =	vld [tilespmem:$0x1C0];
	[tilespmem:$0x8D0] =	vst v3;
	v3 =	vshrl.u32 v19, $0x2  }
0x36: {  	v26 =	vld [tilespmem:$0x1D0];
	[tilespmem:$0x8E0] =	vst v3;
	v3 =	vshrl.u32 v20, $0x2  }
0x37: {  	v27 =	vld [tilespmem:$0x1E0];
	[tilespmem:$0x8F0] =	vst v3;
	v3 =	vshrl.u32 v21, $0x2  }
0x38: {  	v28 =	vld [tilespmem:$0x1F0];
	[tilespmem:$0x900] =	vst v3;
	v3 =	vshrl.u32 v22, $0x2  }
0x39: {  	v29 =	vld [tilespmem:$0x200];
	[tilespmem:$0x910] =	vst v3;
	v3 =	vshrl.u32 v23, $0x2  }
0x3a: {  	v30 =	vld [tilespmem:$0x210];
	[tilespmem:$0x920] =	vst v3;
	v3 =	vshrl.u32 v24, $0x2  }
0x3b: {  	v31 =	vld [tilespmem:$0x220];
	[tilespmem:$0x930] =	vst v3;
	v3 =	vshrl.u32 v25, $0x2  }
0x3c: {  	v32 =	vld [tilespmem:$0x230];
	[tilespmem:$0x940] =	vst v3;
	v3 =	vshrl.u32 v26, $0x2  }
0x3d: {  	v33 =	vld [tilespmem:$0x240];
	[tilespmem:$0x950] =	vst v3;
	v3 =	vshrl.u32 v27, $0x2  }
0x3e: {  	v34 =	vld [tilespmem:$0x250];
	[tilespmem:$0x960] =	vst v3;
	v3 =	vshrl.u32 v28, $0x2  }
0x3f: {  	v35 =	vld [tilespmem:$0x260];
	[tilespmem:$0x970] =	vst v3;
	v3 =	vshrl.u32 v29, $0x2  }
0x40: {  	v36 =	vld [tilespmem:$0x270];
	[tilespmem:$0x980] =	vst v3;
	v3 =	vshrl.u32 v30, $0x2  }
0x41: {  	v37 =	vld [tilespmem:$0x14A00];
	[tilespmem:$0x990] =	vst v3;
	v3 =	vshrl.u32 v31, $0x2  }
0x42: {  	[tilespmem:$0x9A0] =	vst v3;
	v3 =	vshrl.u32 v32, $0x2  }
0x43: {  	v38 =	vld [tilespmem:$0x14A10];
	[tilespmem:$0x9B0] =	vst v3;
	v3 =	vshrl.u32 v33, $0x2  }
0x44: {  	[tilespmem:$0x9C0] =	vst v3;
	v3 =	vshrl.u32 v34, $0x2  }
0x45: {  	[tilespmem:$0x9D0] =	vst v3;
	v3 =	vshrl.u32 v35, $0x2  }
0x46: {  	v39 =	vshll.u32 v37, $0x5;
	[tilespmem:$0x9E0] =	vst v3;
	v3 =	vshrl.u32 v36, $0x2  }
0x47: {  	[tilespmem:$0x9F0] =	vst v3;
	v3 =	vand.u32 $0x60, v39  }
0x48: {  	v40 =	vshll.u32 v38, $0x5;
	[tilespmem:$0x14A20] =	vst v3;
	v3 =	vshrl.u32 v37, $0x2  }
0x49: {  	[tilespmem:$0x14A00] =	vst v3;
	v3 =	vand.u32 $0x60, v40  }
0x4a: {  	[tilespmem:$0x14A30] =	vst v3;
	v3 =	vshrl.u32 v38, $0x2  }
0x4b: {  	s0 =	simm.s32 $0x780;
	[tilespmem:$0x14A10] =	vst v3  }
0x4c: {  	[tilespmem:s14], [sflag:$0x1] =	stream.indirect.gather [hbm4b:s3+s12], $0x80, s0, s12, $0xb8;
	[tilespmem:$0x16240] =	vst v63  }
0x4d: {  	s15 =	simm.s32 $0x800  }
0x4e: {  	[tilespmem:s16], [sflag:$0x1] =	stream.indirect.gather [hbm4b:s3+s12], $0x80, s15, s12, $0xb8;
	[tilespmem:$0x16240] =	vst v63  }
0x4f: {  	_ = 	snop  }
0x50: {  	[tilespmem:s18], [sflag:$0x1] =	stream.indirect.gather [hbm4b:s3+s12], $0x80, s17, s12, $0xb8;
	[tilespmem:$0x16240] =	vst v63  }
0x51: {  	_ = 	snop  }
0x52: {  	[tilespmem:s20], [sflag:$0x1] =	stream.indirect.gather [hbm4b:s3+s12], $0x80, s19, s12, $0xb8;
	[tilespmem:$0x16240] =	vst v63  }
0x53: {  	_ = 	snop  }
0x54: {  	[tilespmem:s22], [sflag:$0x1] =	stream.indirect.gather [hbm4b:s3+s12], $0x80, s21, s12, $0xb8;
	[tilespmem:$0x16240] =	vst v63  }
0x55: {  	_ = 	snop  }
0x56: {  	[tilespmem:s24], [sflag:$0x1] =	stream.indirect.gather [hbm4b:s4+s23], $0x80, s11, s23, $0xb8;
	[tilespmem:$0x16240] =	vst v63  }
0x57: {  	v3 =	vld [tilespmem:$0x0];
	_ =	sdelay $0x1  }
0x58: {  	v41 =	vld [tilespmem:$0x10];
	_ =	sdelay $0x1  }
0x59: {  	v42 =	vld [tilespmem:$0x20]  }
0x5a: {  	vm0 =	veq.s32 v3, $0x0  }
0x5b: {  	v44 =	vld [tilespmem:$0x30];
	v3 =	vshll.u32 v3, $0x5;
	v43 =	vsel vm0, $0x0, v1  }
0x5c: {  	vm13 =	veq.s32 v41, $0x0;
	v3 =	vand.u32 $0x60, v3;
	[tilespmem:$0x280] =	vst v43  }
0x5d: {  	v45 =	vld [tilespmem:$0x40];
	v4 =	vshll.u32 v41, $0x5;
	[tilespmem:$0x500] =	vst v3;
	v3 =	vsel vm13, $0x0, v1  }
0x5e: {  	vm14 =	veq.s32 v42, $0x0;
	[tilespmem:$0x290] =	vst v3;
	v3 =	vand.u32 $0x60, v4  }
0x5f: {  	v47 =	vld [tilespmem:$0x50];
	v46 =	vshll.u32 v42, $0x5;
	[tilespmem:$0x510] =	vst v3;
	v3 =	vsel vm14, $0x0, v1  }
0x60: {  	vm15 =	veq.s32 v44, $0x0;
	[tilespmem:$0x2A0] =	vst v3;
	v3 =	vand.u32 $0x60, v46  }
0x61: {  	v49 =	vld [tilespmem:$0x60];
	v48 =	vshll.u32 v44, $0x5;
	[tilespmem:$0x520] =	vst v3;
	v3 =	vsel vm15, $0x0, v1  }
0x62: {  	vm4 =	veq.s32 v45, $0x0;
	[tilespmem:$0x2B0] =	vst v3;
	v3 =	vand.u32 $0x60, v48  }
0x63: {  	v51 =	vld [tilespmem:$0x70];
	v50 =	vshll.u32 v45, $0x5;
	[tilespmem:$0x530] =	vst v3;
	v3 =	vsel vm4, $0x0, v1  }
0x64: {  	vm5 =	veq.s32 v47, $0x0;
	[tilespmem:$0x2C0] =	vst v3;
	v3 =	vand.u32 $0x60, v50  }
0x65: {  	v53 =	vld [tilespmem:$0x80];
	v52 =	vshll.u32 v47, $0x5;
	[tilespmem:$0x540] =	vst v3;
	v3 =	vsel vm5, $0x0, v1  }
0x66: {  	vm6 =	veq.s32 v49, $0x0;
	[tilespmem:$0x2D0] =	vst v3;
	v3 =	vand.u32 $0x60, v52  }
0x67: {  	v55 =	vld [tilespmem:$0x90];
	v54 =	vshll.u32 v49, $0x5;
	[tilespmem:$0x550] =	vst v3;
	v3 =	vsel vm6, $0x0, v1  }
0x68: {  	vm7 =	veq.s32 v51, $0x0;
	[tilespmem:$0x2E0] =	vst v3;
	v3 =	vand.u32 $0x60, v54  }
0x69: {  	v57 =	vld [tilespmem:$0xA0];
	v56 =	vshll.u32 v51, $0x5;
	[tilespmem:$0x560] =	vst v3;
	v3 =	vsel vm7, $0x0, v1  }
0x6a: {  	vm8 =	veq.s32 v53, $0x0;
	[tilespmem:$0x2F0] =	vst v3;
	v3 =	vand.u32 $0x60, v56  }
0x6b: {  	v59 =	vld [tilespmem:$0xB0];
	v58 =	vshll.u32 v53, $0x5;
	[tilespmem:$0x570] =	vst v3;
	v3 =	vsel vm8, $0x0, v1  }
0x6c: {  	vm9 =	veq.s32 v55, $0x0;
	[tilespmem:$0x300] =	vst v3;
	v3 =	vand.u32 $0x60, v58  }
0x6d: {  	v61 =	vld [tilespmem:$0xC0];
	v60 =	vshll.u32 v55, $0x5;
	[tilespmem:$0x580] =	vst v3;
	v3 =	vsel vm9, $0x0, v1  }
0x6e: {  	vm10 =	veq.s32 v57, $0x0;
	[tilespmem:$0x310] =	vst v3;
	v3 =	vand.u32 $0x60, v60  }
0x6f: {  	v63 =	vld [tilespmem:$0xD0];
	v62 =	vshll.u32 v57, $0x5;
	[tilespmem:$0x590] =	vst v3;
	v3 =	vsel vm10, $0x0, v1  }
0x70: {  	vm11 =	veq.s32 v59, $0x0;
	[tilespmem:$0x320] =	vst v3;
	v3 =	vand.u32 $0x60, v62  }
0x71: {  	v10 =	vld [tilespmem:$0xE0];
	v9 =	vshll.u32 v59, $0x5;
	[tilespmem:$0x5A0] =	vst v3;
	v3 =	vsel vm11, $0x0, v1  }
0x72: {  	vm12 =	veq.s32 v61, $0x0;
	[tilespmem:$0x330] =	vst v3;
	v3 =	vand.u32 $0x60, v9  }
0x73: {  	v12 =	vld [tilespmem:$0xF0];
	v11 =	vshll.u32 v61, $0x5;
	[tilespmem:$0x5B0] =	vst v3;
	v3 =	vsel vm12, $0x0, v1  }
0x74: {  	vm13 =	veq.s32 v63, $0x0;
	[tilespmem:$0x340] =	vst v3;
	v3 =	vand.u32 $0x60, v11  }
0x75: {  	v14 =	vld [tilespmem:$0x100];
	v13 =	vshll.u32 v63, $0x5;
	[tilespmem:$0x5C0] =	vst v3;
	v3 =	vsel vm13, $0x0, v1  }
0x76: {  	vm14 =	veq.s32 v10, $0x0;
	[tilespmem:$0x350] =	vst v3;
	v3 =	vand.u32 $0x60, v13  }
0x77: {  	v16 =	vld [tilespmem:$0x110];
	v15 =	vshll.u32 v10, $0x5;
	[tilespmem:$0x5D0] =	vst v3;
	v3 =	vsel vm14, $0x0, v1  }
0x78: {  	vm15 =	veq.s32 v12, $0x0;
	[tilespmem:$0x360] =	vst v3;
	v3 =	vand.u32 $0x60, v15  }
0x79: {  	v18 =	vld [tilespmem:$0x120];
	v17 =	vshll.u32 v12, $0x5;
	[tilespmem:$0x5E0] =	vst v3;
	v3 =	vsel vm15, $0x0, v1  }
0x7a: {  	vm4 =	veq.s32 v14, $0x0;
	[tilespmem:$0x370] =	vst v3;
	v3 =	vand.u32 $0x60, v17  }
0x7b: {  	v20 =	vld [tilespmem:$0x130];
	v19 =	vshll.u32 v14, $0x5;
	[tilespmem:$0x5F0] =	vst v3;
	v3 =	vsel vm4, $0x0, v1  }
0x7c: {  	vm5 =	veq.s32 v16, $0x0;
	[tilespmem:$0x380] =	vst v3;
	v3 =	vand.u32 $0x60, v19  }
0x7d: {  	v22 =	vld [tilespmem:$0x140];
	v21 =	vshll.u32 v16, $0x5;
	[tilespmem:$0x600] =	vst v3;
	v3 =	vsel vm5, $0x0, v1  }
0x7e: {  	vm6 =	veq.s32 v18, $0x0;
	[tilespmem:$0x390] =	vst v3;
	v3 =	vand.u32 $0x60, v21  }
0x7f: {  	v24 =	vld [tilespmem:$0x150];
	v23 =	vshll.u32 v18, $0x5;
	[tilespmem:$0x610] =	vst v3;
	v3 =	vsel vm6, $0x0, v1  }
0x80: {  	vm7 =	veq.s32 v20, $0x0;
	[tilespmem:$0x3A0] =	vst v3;
	v3 =	vand.u32 $0x60, v23  }
0x81: {  	v26 =	vld [tilespmem:$0x160];
	v25 =	vshll.u32 v20, $0x5;
	[tilespmem:$0x620] =	vst v3;
	v3 =	vsel vm7, $0x0, v1  }
0x82: {  	vm8 =	veq.s32 v22, $0x0;
	[tilespmem:$0x3B0] =	vst v3;
	v3 =	vand.u32 $0x60, v25  }
0x83: {  	v28 =	vld [tilespmem:$0x170];
	v27 =	vshll.u32 v22, $0x5;
	[tilespmem:$0x630] =	vst v3;
	v3 =	vsel vm8, $0x0, v1  }
0x84: {  	vm9 =	veq.s32 v24, $0x0;
	[tilespmem:$0x3C0] =	vst v3;
	v3 =	vand.u32 $0x60, v27  }
0x85: {  	v30 =	vld [tilespmem:$0x180];
	v29 =	vshll.u32 v24, $0x5;
	[tilespmem:$0x640] =	vst v3;
	v3 =	vsel vm9, $0x0, v1  }
0x86: {  	vm10 =	veq.s32 v26, $0x0;
	[tilespmem:$0x3D0] =	vst v3;
	v3 =	vand.u32 $0x60, v29  }
0x87: {  	v32 =	vld [tilespmem:$0x190];
	v31 =	vshll.u32 v26, $0x5;
	[tilespmem:$0x650] =	vst v3;
	v3 =	vsel vm10, $0x0, v1  }
0x88: {  	vm11 =	veq.s32 v28, $0x0;
	[tilespmem:$0x3E0] =	vst v3;
	v3 =	vand.u32 $0x60, v31  }
0x89: {  	v34 =	vld [tilespmem:$0x1A0];
	v33 =	vshll.u32 v28, $0x5;
	[tilespmem:$0x660] =	vst v3;
	v3 =	vsel vm11, $0x0, v1  }
0x8a: {  	vm12 =	veq.s32 v30, $0x0;
	[tilespmem:$0x3F0] =	vst v3;
	v3 =	vand.u32 $0x60, v33  }
0x8b: {  	v36 =	vld [tilespmem:$0x1B0];
	v35 =	vshll.u32 v30, $0x5;
	[tilespmem:$0x670] =	vst v3;
	v3 =	vsel vm12, $0x0, v1  }
0x8c: {  	vm13 =	veq.s32 v32, $0x0;
	[tilespmem:$0x400] =	vst v3;
	v3 =	vand.u32 $0x60, v35  }
0x8d: {  	v38 =	vld [tilespmem:$0x1C0];
	v37 =	vshll.u32 v32, $0x5;
	[tilespmem:$0x680] =	vst v3;
	v3 =	vsel vm13, $0x0, v1  }
0x8e: {  	vm14 =	veq.s32 v34, $0x0;
	[tilespmem:$0x410] =	vst v3;
	v3 =	vand.u32 $0x60, v37  }
0x8f: {  	v40 =	vld [tilespmem:$0x1D0];
	v39 =	vshll.u32 v34, $0x5;
	[tilespmem:$0x690] =	vst v3;
	v3 =	vsel vm14, $0x0, v1  }
0x90: {  	vm15 =	veq.s32 v36, $0x0;
	[tilespmem:$0x420] =	vst v3;
	v3 =	vand.u32 $0x60, v39  }
0x91: {  	v41 =	vshll.u32 v36, $0x5;
	v42 =	vld [tilespmem:$0x1E0];
	[tilespmem:$0x6A0] =	vst v3;
	v3 =	vsel vm15, $0x0, v1  }
0x92: {  	vm4 =	veq.s32 v38, $0x0;
	[tilespmem:$0x430] =	vst v3;
	v3 =	vand.u32 $0x60, v41  }
0x93: {  	v44 =	vld [tilespmem:$0x1F0];
	v43 =	vshll.u32 v38, $0x5;
	[tilespmem:$0x6B0] =	vst v3;
	v3 =	vsel vm4, $0x0, v1  }
0x94: {  	vm5 =	veq.s32 v40, $0x0;
	[tilespmem:$0x440] =	vst v3;
	v3 =	vand.u32 $0x60, v43  }
0x95: {  	v45 =	vshll.u32 v40, $0x5;
	v46 =	vld [tilespmem:$0x200];
	[tilespmem:$0x6C0] =	vst v3;
	v3 =	vsel vm5, $0x0, v1  }
0x96: {  	vm6 =	veq.s32 v42, $0x0;
	[tilespmem:$0x450] =	vst v3;
	v3 =	vand.u32 $0x60, v45  }
0x97: {  	v47 =	vshll.u32 v42, $0x5;
	v48 =	vld [tilespmem:$0x210];
	[tilespmem:$0x6D0] =	vst v3;
	v3 =	vsel vm6, $0x0, v1  }
0x98: {  	vm7 =	veq.s32 v44, $0x0;
	[tilespmem:$0x460] =	vst v3;
	v3 =	vand.u32 $0x60, v47  }
0x99: {  	v49 =	vshll.u32 v44, $0x5;
	v50 =	vld [tilespmem:$0x220];
	[tilespmem:$0x6E0] =	vst v3;
	v3 =	vsel vm7, $0x0, v1  }
0x9a: {  	vm8 =	veq.s32 v46, $0x0;
	[tilespmem:$0x470] =	vst v3;
	v3 =	vand.u32 $0x60, v49  }
0x9b: {  	v51 =	vshll.u32 v46, $0x5;
	v52 =	vld [tilespmem:$0x230];
	[tilespmem:$0x6F0] =	vst v3;
	v3 =	vsel vm8, $0x0, v1  }
0x9c: {  	vm9 =	veq.s32 v48, $0x0;
	[tilespmem:$0x480] =	vst v3;
	v3 =	vand.u32 $0x60, v51  }
0x9d: {  	v53 =	vshll.u32 v48, $0x5;
	v54 =	vld [tilespmem:$0x240];
	[tilespmem:$0x700] =	vst v3;
	v3 =	vsel vm9, $0x0, v1  }
0x9e: {  	vm10 =	veq.s32 v50, $0x0;
	[tilespmem:$0x490] =	vst v3;
	v3 =	vand.u32 $0x60, v53  }
0x9f: {  	v55 =	vshll.u32 v50, $0x5;
	v56 =	vld [tilespmem:$0x250];
	[tilespmem:$0x710] =	vst v3;
	v3 =	vsel vm10, $0x0, v1  }
0xa0: {  	vm11 =	veq.s32 v52, $0x0;
	[tilespmem:$0x4A0] =	vst v3;
	v3 =	vand.u32 $0x60, v55  }
0xa1: {  	v57 =	vshll.u32 v52, $0x5;
	v58 =	vld [tilespmem:$0x260];
	[tilespmem:$0x720] =	vst v3;
	v3 =	vsel vm11, $0x0, v1  }
0xa2: {  	vm12 =	veq.s32 v54, $0x0;
	[tilespmem:$0x4B0] =	vst v3;
	v3 =	vand.u32 $0x60, v57  }
0xa3: {  	v59 =	vshll.u32 v54, $0x5;
	v60 =	vld [tilespmem:$0x270];
	[tilespmem:$0x730] =	vst v3;
	v3 =	vsel vm12, $0x0, v1  }
0xa4: {  	vm13 =	veq.s32 v56, $0x0;
	[tilespmem:$0x4C0] =	vst v3;
	v3 =	vand.u32 $0x60, v59  }
0xa5: {  	v61 =	vshll.u32 v56, $0x5;
	[tilespmem:$0x740] =	vst v3;
	v3 =	vsel vm13, $0x0, v1  }
0xa6: {  	vm14 =	veq.s32 v58, $0x0;
	[tilespmem:$0x4D0] =	vst v3;
	v3 =	vand.u32 $0x60, v61  }
0xa7: {  	v62 =	vshll.u32 v58, $0x5;
	[tilespmem:$0x750] =	vst v3;
	v3 =	vsel vm14, $0x0, v1  }
0xa8: {  	vm15 =	veq.s32 v60, $0x0;
	[tilespmem:$0x4E0] =	vst v3;
	v3 =	vand.u32 $0x60, v62  }
0xa9: {  	v63 =	vshll.u32 v60, $0x5;
	[tilespmem:$0x760] =	vst v3;
	v3 =	vsel vm15, $0x0, v1  }
0xaa: {  	[tilespmem:$0x4F0] =	vst v3;
	v3 =	vand.u32 $0x60, v63  }
0xab: {  	[tilespmem:$0x770] =	vst v3  }
0xac: {  	_ =	swait.ge [sflag:s25], $0x4000  }
0xad: {  	[sflag:s25] =	ssyncset.done $0x0  }
0xae: {  	[sflag:s25] =	ssyncadd.s32 $0xFFFFC000  }
0xaf: {  	_ =	swait.ge [sflag:s25], $0x4000  }
0xb0: {  	[sflag:s25] =	ssyncset.done $0x0  }
0xb1: {  	[sflag:s25] =	ssyncadd.s32 $0xFFFFC000  }
0xb2: {  	_ =	swait.ge [sflag:s25], $0x4000  }
0xb3: {  	[sflag:s25] =	ssyncset.done $0x0  }
0xb4: {  	[sflag:s25] =	ssyncadd.s32 $0xFFFFC000  }
0xb5: {  	_ =	swait.ge [sflag:s25], $0x4000  }
0xb6: {  	[sflag:s25] =	ssyncset.done $0x0  }
0xb7: {  	[sflag:s25] =	ssyncadd.s32 $0xFFFFC000  }
0xb8: {  	_ =	swait.ge [sflag:s25], $0x4000  }
0xb9: {  	[sflag:s25] =	ssyncset.done $0x0  }
0xba: {  	[sflag:s25] =	ssyncadd.s32 $0xFFFFC000  }
0xbb: {  	_ =	swait.ge [sflag:s25], $0x1000  }
0xbc: {  	[sflag:s25] =	ssyncset.done $0x0  }
0xbd: {  	s13 =	simm.s32 $0x15A50;
	s0 =	simm.s32 $0x13;
	[sflag:s25] =	ssyncadd.s32 $0xFFFFF000  }
.LBB2_2:
0xbe: {  	s15 =	sadd.s32 $0xFFFFFFED, s0  }
0xbf: {  	v3 =	vmov s15  }
0xc0: {  	s15 =	sadd.s32 $0xFFFFFFEE, s0  }
0xc1: {  	v4 =	vmov s15;
	s15 =	sadd.s32 $0xFFFFFFEF, s0  }
0xc2: {  	v6 =	vmov s15;
	s15 =	sadd.s32 $0xFFFFFFF0, s0  }
0xc3: {  	v59 =	vmov s15;
	s15 =	sadd.s32 $0xFFFFFFF1, s0  }
0xc4: {  	v14 =	vmov s15;
	s15 =	sadd.s32 $0xFFFFFFF2, s0;
	v5 =	vld.idx.msk [tilespmem:v3+s28+$0x0], $0xffff  }
0xc5: {  	v10 =	vshll.u32 v3, $0x7;
	v63 =	vmov s15;
	s15 =	sadd.s32 $0xFFFFFFF3, s0  }
0xc6: {  	v12 =	vshll.u32 v4, $0x7;
	v13 =	vshll.u32 v6, $0x7;
	v7 =	vld.idx.msk [tilespmem:v4+s28+$0x0], $0xffff;
	v16 =	vmov s15;
	s15 =	sadd.s32 $0xFFFFFFF4, s0  }
0xc7: {  	v15 =	vshll.u32 v59, $0x7;
	v18 =	vshll.u32 v14, $0x7;
	v19 =	vmov s15  }
0xc8: {  	v3 =	vld.idx.msk [tilespmem:v3+s26+$0x0], $0xffff;
	v20 =	vshll.u32 v63, $0x7;
	v22 =	vshll.u32 v16, $0x7;
	s15 =	sadd.s32 $0xFFFFFFF5, s0;
	v46 =	vshll.u32 v19, $0x7  }
0xc9: {  	v4 =	vld.idx.msk [tilespmem:v4+s26+$0x0], $0xffff;
	v47 =	vmov s15;
	v8 =	vadd.s32 v0, v5;
	v5 =	vadd.s32 v2, v5  }
0xca: {  	v11 =	vld.idx.msk [tilespmem:v6+s28+$0x0], $0xffff;
	v9 =	vand.u32 $0xFFFFFFF8, v8;
	v8 =	vand.u32 $0x7, v8;
	v53 =	vand.u32 $0xFFFFFFF8, v5  }
0xcb: {  	v6 =	vld.idx.msk [tilespmem:v6+s26+$0x0], $0xffff;
	v5 =	vand.u32 $0x7, v5;
	v54 =	vadd.s32 v0, v7;
	v7 =	vadd.s32 v2, v7  }
0xcc: {  	v60 =	vld.idx.msk [tilespmem:v59+s28+$0x0], $0xffff;
	v9 =	vadd.s32 v10, v9;
	v55 =	vand.u32 $0xFFFFFFF8, v54;
	v56 =	vand.u32 $0xFFFFFFF8, v7  }
0xcd: {  	v25 =	vld.idx.msk [tilespmem:v14+s28+$0x0], $0xffff;
	v7 =	vand.u32 $0x7, v7;
	v8 =	vor.u32 v8, v9;
	v9 =	vadd.s32 v10, v53  }
0xce: {  	v31 =	vld.idx.msk [tilespmem:v63+s28+$0x0], $0xffff;
	v10 =	vand.u32 $0x7, v54;
	v5 =	vor.u32 v5, v9;
	v9 =	vadd.s32 v12, v55  }
0xcf: {  	v42 =	vld.idx.msk [tilespmem:v63+s26+$0x0], $0xffff;
	v57 =	vadd.s32 v0, v11;
	v61 =	vadd.s32 v2, v11;
	v9 =	vor.u32 v10, v9  }
0xd0: {  	v35 =	vld.idx.msk [tilespmem:v16+s28+$0x0], $0xffff;
	v58 =	vand.u32 $0xFFFFFFF8, v57;
	v62 =	vand.u32 $0xFFFFFFF8, v61;
	v10 =	vadd.s32 v12, v56  }
0xd1: {  	v38 =	vld.idx.msk [tilespmem:v19+s28+$0x0], $0xffff;
	v12 =	vand.u32 $0x7, v57;
	v7 =	vor.u32 v7, v10;
	v10 =	vadd.s32 v13, v58  }
0xd2: {  	v23 =	vand.u32 $0x7, v61;
	v27 =	vadd.s32 v0, v60;
	v10 =	vor.u32 v12, v10;
	v8 =	vld.idx.msk [tilespmem:v8+s14+$0x0], $0xffff  }
0xd3: {  	s15 =	sadd.s32 $0xFFFFFFF6, s0;
	v24 =	vadd.s32 v13, v62;
	v28 =	vand.u32 $0xFFFFFFF8, v27;
	v32 =	vadd.s32 v0, v25;
	v5 =	vld.idx.msk [tilespmem:v5+s14+$0x0], $0xffff  }
0xd4: {  	v17 =	vand.u32 $0xFFFFFFF8, v32;
	v36 =	vadd.s32 v0, v31;
	v56 =	vmov s15;
	v9 =	vld.idx.msk [tilespmem:v9+s14+$0x0], $0xffff  }
0xd5: {  	s15 =	sadd.s32 $0xFFFFFFF7, s0;
	v13 =	vadd.s32 v15, v28;
	v17 =	vadd.s32 v18, v17;
	v39 =	vadd.s32 v0, v35;
	v58 =	vld.idx.msk [tilespmem:v47+s28+$0x0], $0xffff  }
0xd6: {  	v37 =	vand.u32 $0xFFFFFFF8, v36;
	v63 =	vmov s15;
	v40 =	vand.u32 $0xFFFFFFF8, v39;
	v7 =	vld.idx.msk [tilespmem:v7+s14+$0x0], $0xffff  }
0xd7: {  	v44 =	vadd.s32 v0, v38;
	v61 =	vadd.s32 v2, v38;
	v10 =	vld.idx.msk [tilespmem:v10+s14+$0x0], $0xffff;
	v8 =	vmul.f32 v8, v3  }
0xd8: {  	v45 =	vand.u32 $0xFFFFFFF8, v44;
	v62 =	vand.u32 $0xFFFFFFF8, v61;
	v3 =	vmul.f32 v5, v3  }
0xd9: {  	v5 =	vadd.s32 v2, v60;
	v8 =	vadd.f32 $0.0e+00, v8;
	v9 =	vmul.f32 v9, v4  }
0xda: {  	v28 =	vadd.s32 v0, v58;
	v30 =	vand.u32 $0xFFFFFFF8, v5;
	v5 =	vand.u32 $0x7, v5  }
0xdb: {  	v3 =	vadd.f32 $0.0e+00, v3;
	v4 =	vmul.f32 v7, v4;
	v8 =	vadd.f32 v9, v8  }
0xdc: {  	v26 =	vmul.f32 v10, v6;
	v10 =	vand.u32 $0x7, v27;
	v9 =	vadd.s32 v2, v25  }
0xdd: {  	v25 =	vand.u32 $0x7, v61;
	v3 =	vadd.f32 v4, v3;
	v4 =	vor.u32 v23, v24  }
0xde: {  	v29 =	vor.u32 v10, v13;
	v10 =	vadd.s32 v15, v30;
	v15 =	vand.u32 $0x7, v32  }
0xdf: {  	v14 =	vld.idx.msk [tilespmem:v14+s26+$0x0], $0xffff;
	s15 =	sadd.s32 $0xFFFFFFF8, s0;
	v34 =	vand.u32 $0xFFFFFFF8, v9;
	v9 =	vand.u32 $0x7, v9;
	v13 =	vadd.s32 v2, v31  }
0xe0: {  	v49 =	vld.idx.msk [tilespmem:v16+s26+$0x0], $0xffff;
	v30 =	vshll.u32 v47, $0x7;
	v31 =	vmov s15;
	v7 =	vadd.f32 v26, v8  }
0xe1: {  	v11 =	vld.idx.msk [tilespmem:v19+s26+$0x0], $0xffff;
	v5 =	vor.u32 v5, v10;
	v33 =	vor.u32 v15, v17;
	v15 =	vadd.s32 v18, v34  }
0xe2: {  	v12 =	vld.idx.msk [tilespmem:v59+s26+$0x0], $0xffff;
	v18 =	vand.u32 $0x7, v36;
	v21 =	vand.u32 $0xFFFFFFF8, v13;
	v13 =	vand.u32 $0x7, v13  }
0xe3: {  	v32 =	vld.idx.msk [tilespmem:v63+s28+$0x0], $0xffff;
	v17 =	vadd.s32 v2, v35;
	v36 =	vshll.u32 v56, $0x7;
	v24 =	vshll.u32 v31, $0x7  }
0xe4: {  	v26 =	vld.idx.msk [tilespmem:v56+s28+$0x0], $0xffff;
	v9 =	vor.u32 v9, v15;
	v15 =	vadd.s32 v20, v37;
	v23 =	vand.u32 $0xFFFFFFF8, v17  }
0xe5: {  	s15 =	sadd.s32 $0xFFFFFFF9, s0;
	v17 =	vand.u32 $0x7, v17;
	v15 =	vor.u32 v18, v15;
	v41 =	vadd.s32 v22, v23;
	v4 =	vld.idx.msk [tilespmem:v4+s14+$0x0], $0xffff  }
0xe6: {  	v20 =	vadd.s32 v20, v21;
	v37 =	vmov s15;
	v43 =	vor.u32 v17, v41;
	v8 =	vld.idx.msk [tilespmem:v29+s14+$0x0], $0xffff  }
0xe7: {  	v13 =	vor.u32 v13, v20;
	v18 =	vand.u32 $0x7, v39;
	v20 =	vadd.s32 v22, v40;
	v5 =	vld.idx.msk [tilespmem:v5+s14+$0x0], $0xffff  }
0xe8: {  	s15 =	sadd.s32 $0xFFFFFFFA, s0;
	v18 =	vor.u32 v18, v20;
	v17 =	vand.u32 $0x7, v44;
	v20 =	vadd.s32 v46, v45;
	v10 =	vld.idx.msk [tilespmem:v33+s14+$0x0], $0xffff  }
0xe9: {  	v45 =	vmov s15;
	v50 =	vor.u32 v17, v20;
	v41 =	vadd.s32 v0, v32;
	v9 =	vld.idx.msk [tilespmem:v9+s14+$0x0], $0xffff  }
0xea: {  	v29 =	vand.u32 $0xFFFFFFF8, v28;
	v34 =	vadd.s32 v0, v26;
	v19 =	vand.u32 $0x7, v41;
	v15 =	vld.idx.msk [tilespmem:v15+s14+$0x0], $0xffff  }
0xeb: {  	v35 =	vand.u32 $0xFFFFFFF8, v34;
	v16 =	vand.u32 $0x7, v34;
	v54 =	vld.idx.msk [tilespmem:v43+s14+$0x0], $0xffff;
	v43 =	vshll.u32 v63, $0x7  }
0xec: {  	v13 =	vld.idx.msk [tilespmem:v13+s14+$0x0], $0xffff;
	v4 =	vmul.f32 v4, v6;
	v8 =	vmul.f32 v8, v12;
	v6 =	vadd.s32 v2, v58  }
0xed: {  	v44 =	vld.idx.msk [tilespmem:v47+s26+$0x0], $0xffff;
	v48 =	vmul.f32 v5, v12;
	v51 =	vmul.f32 v10, v14;
	v33 =	vand.u32 $0xFFFFFFF8, v6  }
0xee: {  	v52 =	vld.idx.msk [tilespmem:v18+s14+$0x0], $0xffff;
	v6 =	vand.u32 $0x7, v6;
	v10 =	vadd.s32 v2, v26;
	v3 =	vadd.f32 v4, v3  }
0xef: {  	v39 =	vld.idx.msk [tilespmem:v31+s28+$0x0], $0xffff;
	v7 =	vadd.f32 v8, v7;
	v53 =	vmul.f32 v9, v14;
	v9 =	vadd.s32 v46, v62  }
0xf0: {  	v47 =	vld.idx.msk [tilespmem:v37+s28+$0x0], $0xffff;
	v40 =	vand.u32 $0xFFFFFFF8, v10;
	v10 =	vand.u32 $0x7, v10;
	v55 =	vmul.f32 v15, v42  }
0xf1: {  	v59 =	vld.idx.msk [tilespmem:v50+s14+$0x0], $0xffff;
	v57 =	vmul.f32 v13, v42;
	v27 =	vor.u32 v25, v9;
	v9 =	vadd.s32 v30, v29  }
0xf2: {  	v13 =	vadd.s32 v36, v35;
	v42 =	vand.u32 $0xFFFFFFF8, v41;
	v25 =	vshll.u32 v37, $0x7  }
0xf3: {  	v3 =	vadd.f32 v48, v3;
	v7 =	vadd.f32 v51, v7;
	v60 =	vmul.f32 v52, v49  }
0xf4: {  	v5 =	vmul.f32 v54, v49;
	v38 =	vor.u32 v16, v13;
	v16 =	vadd.s32 v36, v40  }
0xf5: {  	v17 =	vadd.s32 v43, v42;
	v49 =	vadd.s32 v0, v39;
	v13 =	vadd.s32 v2, v39  }
0xf6: {  	v54 =	vadd.s32 v0, v47;
	v8 =	vmul.f32 v59, v11;
	v10 =	vor.u32 v10, v16  }
0xf7: {  	v46 =	vor.u32 v19, v17;
	v50 =	vand.u32 $0xFFFFFFF8, v49;
	v23 =	vand.u32 $0x7, v49  }
0xf8: {  	v12 =	vld.idx.msk [tilespmem:v63+s26+$0x0], $0xffff;
	v3 =	vadd.f32 v53, v3;
	v7 =	vadd.f32 v55, v7;
	v20 =	vadd.s32 v24, v50  }
0xf9: {  	v14 =	vld.idx.msk [tilespmem:v56+s26+$0x0], $0xffff;
	v52 =	vand.u32 $0xFFFFFFF8, v13;
	v13 =	vand.u32 $0x7, v13;
	v51 =	vor.u32 v23, v20  }
0xfa: {  	s15 =	sadd.s32 $0xFFFFFFFB, s0;
	v15 =	vld.idx.msk [tilespmem:v31+s26+$0x0], $0xffff;
	v20 =	vadd.s32 v24, v52;
	v3 =	vadd.f32 v57, v3;
	v4 =	vadd.f32 v60, v7  }
0xfb: {  	v53 =	vld.idx.msk [tilespmem:v45+s28+$0x0], $0xffff;
	v7 =	vand.u32 $0x7, v28;
	v13 =	vor.u32 v13, v20;
	v28 =	vmov s15  }
0xfc: {  	v7 =	vor.u32 v7, v9;
	v9 =	vadd.s32 v30, v33;
	v3 =	vadd.f32 v5, v3;
	v5 =	vld.idx.msk [tilespmem:v27+s14+$0x0], $0xffff  }
0xfd: {  	v4 =	vadd.f32 v8, v4;
	v6 =	vor.u32 v6, v9;
	v8 =	vadd.s32 v2, v32;
	v9 =	vld.idx.msk [tilespmem:v38+s14+$0x0], $0xffff  }
0xfe: {  	v55 =	vand.u32 $0xFFFFFFF8, v54;
	v24 =	vand.u32 $0x7, v54;
	v10 =	vld.idx.msk [tilespmem:v10+s14+$0x0], $0xffff;
	v48 =	vand.u32 $0xFFFFFFF8, v8  }
0xff: {  	v20 =	vadd.s32 v25, v55;
	v56 =	vld.idx.msk [tilespmem:v46+s14+$0x0], $0xffff;
	v8 =	vand.u32 $0x7, v8;
	v19 =	vadd.s32 v43, v48  }
0x100: {  	v17 =	vadd.s32 v2, v47;
	v57 =	vor.u32 v24, v20;
	v8 =	vor.u32 v8, v19;
	v19 =	vld.idx.msk [tilespmem:v51+s14+$0x0], $0xffff  }
0x101: {  	v61 =	vshll.u32 v45, $0x7;
	v58 =	vand.u32 $0xFFFFFFF8, v17;
	v59 =	vadd.s32 v0, v53;
	v63 =	vld.idx.msk [tilespmem:v13+s14+$0x0], $0xffff  }
0x102: {  	v17 =	vand.u32 $0x7, v17;
	v20 =	vadd.s32 v25, v58;
	v60 =	vand.u32 $0xFFFFFFF8, v59;
	v36 =	vld.idx.msk [tilespmem:v28+s28+$0x0], $0xffff  }
0x103: {  	v17 =	vor.u32 v17, v20;
	v24 =	vand.u32 $0x7, v59;
	v20 =	vadd.s32 v61, v60;
	v7 =	vld.idx.msk [tilespmem:v7+s14+$0x0], $0xffff  }
0x104: {  	v38 =	vadd.s32 v2, v53;
	v20 =	vor.u32 v24, v20;
	v24 =	vld.idx.msk [tilespmem:v37+s26+$0x0], $0xffff  }
0x105: {  	v39 =	vand.u32 $0xFFFFFFF8, v38;
	v27 =	vld.idx.msk [tilespmem:v57+s14+$0x0], $0xffff  }
0x106: {  	v42 =	vand.u32 $0x7, v38;
	v48 =	vshll.u32 v28, $0x7;
	v6 =	vld.idx.msk [tilespmem:v6+s14+$0x0], $0xffff;
	v5 =	vmul.f32 v5, v11  }
0x107: {  	v43 =	vadd.s32 v61, v39;
	v60 =	vmov s0;
	v21 =	vmul.f32 v9, v14  }
0x108: {  	v26 =	vmul.f32 v10, v14;
	v29 =	vmul.f32 v56, v12;
	v30 =	vld.idx.msk [tilespmem:v17+s14+$0x0], $0xffff;
	v3 =	vadd.f32 v5, v3  }
0x109: {  	v5 =	vor.u32 v42, v43;
	v42 =	vshll.u32 v60, $0x7;
	v32 =	vmul.f32 v19, v15  }
0x10a: {  	v8 =	vld.idx.msk [tilespmem:v8+s14+$0x0], $0xffff;
	v34 =	vmul.f32 v63, v15;
	v10 =	vadd.s32 v2, v36;
	v7 =	vmul.f32 v7, v44  }
0x10b: {  	s15 =	sadd.s32 $0xFFFFFFFC, s0;
	v35 =	vmul.f32 v27, v24;
	v49 =	vand.u32 $0xFFFFFFF8, v10;
	v62 =	vmul.f32 v6, v44  }
0x10c: {  	v10 =	vand.u32 $0x7, v10;
	v6 =	vmov s15;
	v4 =	vadd.f32 v7, v4  }
0x10d: {  	v37 =	vmul.f32 v30, v24;
	s15 =	sadd.s32 $0xFFFFFFFD, s0;
	v15 =	vadd.s32 v48, v49;
	v3 =	vadd.f32 v62, v3  }
0x10e: {  	v33 =	vld.idx.msk [tilespmem:v20+s14+$0x0], $0xffff;
	v41 =	vmov s15;
	v10 =	vor.u32 v10, v15;
	v4 =	vadd.f32 v21, v4  }
0x10f: {  	s15 =	sadd.s32 $0xFFFFFFFE, s0;
	v54 =	vshll.u32 v6, $0x7;
	v31 =	vmul.f32 v8, v12;
	v8 =	vld.idx.msk [tilespmem:v45+s26+$0x0], $0xffff;
	v3 =	vadd.f32 v26, v3  }
0x110: {  	v47 =	vmov s15;
	s15 =	sadd.s32 $0xFFFFFFFF, s0;
	v5 =	vld.idx.msk [tilespmem:v5+s14+$0x0], $0xffff;
	v59 =	vshll.u32 v41, $0x7;
	v4 =	vadd.f32 v29, v4  }
0x111: {  	v45 =	vadd.s32 v0, v36;
	v53 =	vmov s15;
	v44 =	vld.idx.msk [tilespmem:v6+s28+$0x0], $0xffff;
	v3 =	vadd.f32 v31, v3  }
0x112: {  	v46 =	vand.u32 $0xFFFFFFF8, v45;
	v7 =	vand.u32 $0x7, v45;
	v4 =	vadd.f32 v32, v4  }
0x113: {  	v26 =	vshll.u32 v53, $0x7;
	v11 =	vadd.s32 v48, v46;
	v50 =	vld.idx.msk [tilespmem:v41+s28+$0x0], $0xffff;
	v3 =	vadd.f32 v34, v3  }
0x114: {  	v29 =	vshll.u32 v47, $0x7;
	v40 =	vmul.f32 v33, v8;
	v4 =	vadd.f32 v35, v4  }
0x115: {  	v7 =	vor.u32 v7, v11;
	v56 =	vld.idx.msk [tilespmem:v47+s28+$0x0], $0xffff;
	v5 =	vmul.f32 v5, v8;
	v3 =	vadd.f32 v37, v3  }
0x116: {  	v51 =	vadd.s32 v0, v44;
	v9 =	vadd.s32 v2, v44;
	v4 =	vadd.f32 v40, v4  }
0x117: {  	v52 =	vand.u32 $0xFFFFFFF8, v51;
	v11 =	vand.u32 $0x7, v51;
	v55 =	vand.u32 $0xFFFFFFF8, v9  }
0x118: {  	v61 =	vld.idx.msk [tilespmem:v53+s28+$0x0], $0xffff;
	v9 =	vand.u32 $0x7, v9;
	v57 =	vadd.s32 v0, v50;
	v16 =	vadd.s32 v2, v50  }
0x119: {  	v34 =	vld.idx.msk [tilespmem:v60+s28+$0x0], $0xffff;
	v15 =	vadd.s32 v54, v52;
	v18 =	vadd.s32 v54, v55;
	v58 =	vand.u32 $0xFFFFFFF8, v57  }
0x11a: {  	v62 =	vand.u32 $0xFFFFFFF8, v16;
	v63 =	vadd.s32 v0, v56;
	v16 =	vand.u32 $0x7, v16  }
0x11b: {  	v14 =	vld.idx.msk [tilespmem:v28+s26+$0x0], $0xffff;
	v33 =	vadd.s32 v2, v56;
	v11 =	vor.u32 v11, v15;
	v9 =	vor.u32 v9, v18  }
0x11c: {  	v6 =	vld.idx.msk [tilespmem:v6+s26+$0x0], $0xffff;
	v15 =	vand.u32 $0x7, v57;
	v18 =	vadd.s32 v59, v58;
	v28 =	vand.u32 $0xFFFFFFF8, v63  }
0x11d: {  	v10 =	vld.idx.msk [tilespmem:v10+s14+$0x0], $0xffff;
	v30 =	vand.u32 $0x7, v63;
	v35 =	vand.u32 $0xFFFFFFF8, v33;
	v19 =	vand.u32 $0x7, v33  }
0x11e: {  	v12 =	vld.idx.msk [tilespmem:v41+s26+$0x0], $0xffff;
	v36 =	vadd.s32 v0, v61;
	v22 =	vadd.s32 v2, v61;
	v40 =	vadd.s32 v0, v34  }
0x11f: {  	v13 =	vld.idx.msk [tilespmem:v47+s26+$0x0], $0xffff;
	v20 =	vadd.s32 v2, v34;
	v15 =	vor.u32 v15, v18;
	v18 =	vadd.s32 v59, v62  }
0x120: {  	v48 =	vld.idx.msk [tilespmem:v53+s26+$0x0], $0xffff;
	v31 =	vadd.s32 v29, v28;
	v23 =	vadd.s32 v29, v35;
	v37 =	vand.u32 $0xFFFFFFF8, v36  }
0x121: {  	v7 =	vld.idx.msk [tilespmem:v7+s14+$0x0], $0xffff;
	v24 =	vand.u32 $0x7, v36;
	v39 =	vand.u32 $0xFFFFFFF8, v22;
	v16 =	vor.u32 v16, v18  }
0x122: {  	v54 =	vld.idx.msk [tilespmem:v60+s26+$0x0], $0xffff;
	v22 =	vand.u32 $0x7, v22;
	v41 =	vand.u32 $0xFFFFFFF8, v40;
	v32 =	vor.u32 v30, v31  }
0x123: {  	v45 =	vand.u32 $0xFFFFFFF8, v20;
	v25 =	vadd.s32 v26, v37;
	v19 =	vor.u32 v19, v23;
	v11 =	vld.idx.msk [tilespmem:v11+s14+$0x0], $0xffff  }
0x124: {  	v20 =	vand.u32 $0x7, v20;
	v38 =	vor.u32 v24, v25;
	v24 =	vadd.s32 v26, v39;
	v9 =	vld.idx.msk [tilespmem:v9+s14+$0x0], $0xffff  }
0x125: {  	v25 =	vand.u32 $0x7, v40;
	v22 =	vor.u32 v22, v24;
	v24 =	vadd.s32 v42, v41;
	v15 =	vld.idx.msk [tilespmem:v15+s14+$0x0], $0xffff  }
0x126: {  	v7 =	vmul.f32 v7, v14;
	v44 =	vor.u32 v25, v24;
	v24 =	vadd.s32 v42, v45;
	v16 =	vld.idx.msk [tilespmem:v16+s14+$0x0], $0xffff  }
0x127: {  	v46 =	vmul.f32 v10, v14;
	v3 =	vadd.f32 v5, v3;
	v47 =	vor.u32 v20, v24;
	v43 =	vld.idx.msk [tilespmem:v32+s14+$0x0], $0xffff  }
0x128: {  	v4 =	vadd.f32 v7, v4;
	v19 =	vld.idx.msk [tilespmem:v19+s14+$0x0], $0xffff;
	v49 =	vmul.f32 v11, v6  }
0x129: {  	v3 =	vadd.f32 v46, v3;
	v50 =	vld.idx.msk [tilespmem:v38+s14+$0x0], $0xffff;
	v51 =	vmul.f32 v9, v6  }
0x12a: {  	v52 =	vld.idx.msk [tilespmem:v22+s14+$0x0], $0xffff;
	v53 =	vmul.f32 v15, v12;
	v4 =	vadd.f32 v49, v4  }
0x12b: {  	v56 =	vld.idx.msk [tilespmem:v44+s14+$0x0], $0xffff;
	v3 =	vadd.f32 v51, v3;
	v55 =	vmul.f32 v16, v12  }
0x12c: {  	v58 =	vld.idx.msk [tilespmem:v47+s14+$0x0], $0xffff;
	v57 =	vmul.f32 v43, v13;
	v4 =	vadd.f32 v53, v4  }
0x12d: {  	v59 =	vmul.f32 v19, v13;
	v3 =	vadd.f32 v55, v3  }
0x12e: {  	v60 =	vmul.f32 v50, v48;
	v4 =	vadd.f32 v57, v4  }
0x12f: {  	v61 =	vmul.f32 v52, v48;
	v3 =	vadd.f32 v59, v3  }
0x130: {  	p0 =	sne.s32 s0, $0x27F;
	v62 =	vmul.f32 v56, v54;
	v4 =	vadd.f32 v60, v4  }
.Ltmp0:
0x131: {  	v63 =	vmul.f32 v58, v54;
	v3 =	vadd.f32 v61, v3;
	(pc) =	sbr.rel @p0 .LBB2_2-.Ltmp0, $4  }
0x132: {  	v4 =	vadd.f32 v62, v4  }
0x133: {  	v3 =	vadd.f32 v63, v3  }
0x134: {  	[tilespmem:s13+$0xFFFFFFF0] =	vst v4  }
0x135: {  	s0 =	sadd.s32 $0x14, s0;
	[tilespmem:s13+$0x0] =	vst v3;
	s13 =	sadd.s32 $0x20, s13  }
0x136: {  	s0 =	simm.s32 $0x0  }
0x137: {  	v3 =	vmov s0;
	_ =	sdelay $0x4  }
0x138: {  	v4 =	vld.idx.msk [tilespmem:v3+s29+$0x0], $0xffff;
	_ =	sdelay $0x4  }
0x139: {  	v5 =	vadd.s32 v0, v4  }
0x13a: {  	v3 =	vshll.u32 v3, $0x7;
	v6 =	vand.u32 $0xFFFFFFF8, v5  }
0x13b: {  	v5 =	vand.u32 $0x7, v5;
	v6 =	vadd.s32 v3, v6  }
0x13c: {  	v5 =	vor.u32 v5, v6;
	_ =	sdelay $0x2  }
0x13d: {  	v4 =	vadd.s32 v2, v4  }
0x13e: {  	v6 =	vand.u32 $0xFFFFFFF8, v4  }
0x13f: {  	v4 =	vand.u32 $0x7, v4;
	v3 =	vadd.s32 v3, v6;
	v5 =	vld.idx.msk [tilespmem:v5+s24+$0x0], $0xffff  }
0x140: {  	v3 =	vor.u32 v4, v3;
	_ =	sdelay $0x2  }
0x141: {  	s0 =	simm.s32 $0x15E50  }
0x142: {  	[tilespmem:s0+$0xFFFFFFF0] =	vst v5  }
0x143: {  	s13 =	simm.s32 $0x1;
	v4 =	vld.idx.msk [tilespmem:v3+s24+$0x0], $0xffff  }
0x144: {  	v3 =	vmov s13;
	s13 =	simm.s32 $0x2  }
.LBB2_4:
0x145: {  	p0 =	sne.s32 s13, $0x1F;
	_ =	sdelay $0x2  }
0x146: {  	[tilespmem:s0+$0x0] =	vst v4  }
0x147: {  	v4 =	vld.idx.msk [tilespmem:v3+s29+$0x0], $0xffff;
	_ =	sdelay $0x5  }
0x148: {  	v5 =	vadd.s32 v0, v4;
	v4 =	vadd.s32 v2, v4  }
0x149: {  	v3 =	vshll.u32 v3, $0x7;
	v6 =	vand.u32 $0xFFFFFFF8, v5  }
0x14a: {  	v5 =	vand.u32 $0x7, v5;
	v6 =	vadd.s32 v3, v6  }
0x14b: {  	v5 =	vor.u32 v5, v6;
	_ =	sdelay $0x4  }
0x14c: {  	v6 =	vand.u32 $0xFFFFFFF8, v4;
	v5 =	vld.idx.msk [tilespmem:v5+s24+$0x0], $0xffff  }
0x14d: {  	v4 =	vand.u32 $0x7, v4;
	v3 =	vadd.s32 v3, v6  }
0x14e: {  	v3 =	vor.u32 v4, v3;
	_ =	sdelay $0x2  }
.Ltmp1:
0x14f: {  	s0 =	sadd.s32 $0x20, s0;
	(pc) =	sbr.rel @p0 .LBB2_4-.Ltmp1, $3  }
0x150: {  	[tilespmem:s0+$0xFFFFFFF0] =	vst v5  }
0x151: {  	v4 =	vld.idx.msk [tilespmem:v3+s24+$0x0], $0xffff;
	_ =	sdelay $0x1  }
0x152: {  	v3 =	vmov s13;
	s13 =	sadd.s32 $0x1, s13  }
0x153: {  	_ =	sdelay $0x2  }
0x154: {  	[tilespmem:s0+$0x0] =	vst v4  }
0x155: {  	v4 =	vld.idx.msk [tilespmem:v3+s29+$0x0], $0xffff;
	_ =	sdelay $0x4  }
0x156: {  	v5 =	vadd.s32 v0, v4  }
0x157: {  	v3 =	vshll.u32 v3, $0x7;
	v6 =	vand.u32 $0xFFFFFFF8, v5  }
0x158: {  	v5 =	vand.u32 $0x7, v5;
	v6 =	vadd.s32 v3, v6  }
0x159: {  	v5 =	vor.u32 v5, v6;
	_ =	sdelay $0x2  }
0x15a: {  	v4 =	vadd.s32 v2, v4  }
0x15b: {  	v63 =	vand.u32 $0xFFFFFFF8, v4  }
0x15c: {  	v4 =	vand.u32 $0x7, v4;
	v3 =	vadd.s32 v3, v63;
	v5 =	vld.idx.msk [tilespmem:v5+s24+$0x0], $0xffff  }
0x15d: {  	v3 =	vor.u32 v4, v3;
	_ =	sdelay $0x2  }
0x15e: {  	s15 =	sadd.s32 $0x20, s0  }
0x15f: {  	[tilespmem:s15+$0xFFFFFFF0] =	vst v5  }
0x160: {  	v3 =	vld.idx.msk [tilespmem:v3+s24+$0x0], $0xffff;
	_ =	sdelay $0x4  }
0x161: {  	[tilespmem:s15+$0x0] =	vst v3  }
0x162: {  	[hbm4b:s7+s2] =	stream.linear.scatter [tilespmem:s30], [sflag:$0x2], $0x400, $0x38;
	[tilespmem:$0x16240] =	vst v63  }
0x163: {  	s1 =	sadd.s32 $0x1, s1;
	_ =	swait.ge [sflag:s10], $0x400  }
0x164: {  	p0 =	sne.s32 s1, s9;
	[sflag:s10] =	ssyncset.done $0x0  }
.Ltmp2:
0x165: {  	[sflag:s10] =	ssyncadd.s32 $0xFFFFFC00;
	(pc) =	sbr.rel @p0 .LBB2_1-.Ltmp2, $4  }
0x166: {  	[hbm4b:s8+s2] =	stream.linear.scatter [tilespmem:s31], [sflag:$0x2], $0x400, $0x38;
	[tilespmem:$0x16240] =	vst v63  }
0x167: {  	_ =	swait.ge [sflag:s10], $0x400  }
0x168: {  	[sflag:s10] =	ssyncset.done $0x0  }
0x169: {  	[sflag:s10] =	ssyncadd.s32 $0xFFFFFC00  }
0x16a: {  	_ =	sfence.sel $0x180000  }
0x16b: {  	[bflag:$0x0] =	sbarrier.arrive $0xFFFF  }
0x16c: {  	_ =	strace $0x90000047  }
0x16d: {  	s0 =	stileid.u32;
	[bflag:$0x2] =	sbarrier.arrive $0xFFFF  }
0x16e: {  	p0 =	sne.s32 s0, $0x0;
	s0 =	rddreg [dreg:$0x2]  }
0x16f: {  	s0 =	sadd.s32 @!p0 $0x100000, s0  }
0x170: {  	[sflag:s0] =	ssyncadd.tile.s32 @!p0 $0x1;
	_ =	shalt  }
.Lfunc_end2:
_tile_overlayer_lowered:
.L_overlay_start_2:
0x171: {  	(tag) =	ssettag $0x2  }
0x172: {  	s0 =	rddreg [dreg:$0x0];
	s2 =	stileid.u32  }
0x173: {  	s1 =	rddreg [dreg:$0x1];
	p0 =	sne.s32 s2, $0x0  }
0x174: {  	s3 =	rddreg [dreg:$0x2];
	[bflag:$0x3] =	sbarrier.arrive $0xFFFF;
	s2 =	simm.s32 @!p0 $0x1C02  }
0x175: {  	[timem:s3], [sflag:s2] =	dma.local @!p0 [hbm:s0], s1  }
0x176: {  	s0 =	simm.s32 @!p0 $0x2  }
0x177: {  	_ =	swait.ge @!p0 [sflag:s0], s1  }
0x178: {  	s1 =	ssub.s32 @!p0 $0x0, s1;
	[sflag:s0] =	ssyncset.done @!p0 $0x0  }
0x179: {  	[sflag:s0] =	ssyncadd.s32 @!p0 s1  }
0x17a: {  	[bflag:$0x3] =	sbarrier.arrive $0xFFFF  }
0x17b: {  	_ =	shalt  }

</sc_bundles>
